<compile_context>
chip_gen: v7x
topology: tpu7x:2x2x1
jax: 0.10.2.dev20260603
libtpu: 0.0.44.dev20260713+nightly
codegen_flags: <defaults>
</compile_context>

<pallas_src>
import functools

import jax
import jax.numpy as jnp
import numpy as np
from jax import lax
from jax.experimental import pallas as pl
from jax.experimental.pallas import tpu as pltpu
from jax.experimental.pallas import tpu_sc as plsc

N = 10000
F = 128
OUT = 64
N_PAD = 10240
NC, NS = 2, 16
NW = NC * NS
ROWS_PER_TILE = N_PAD // NS
CHUNK = 128
DEG_W = F
CORE0_FRAC = 0.70

_MESH = plsc.VectorSubcoreMesh(core_axis_name="c", subcore_axis_name="s")


def _make_deg(ca, cb, cmax):
    @functools.partial(
        pl.kernel,
        out_type=jax.ShapeDtypeStruct((NC, N_PAD, DEG_W), jnp.float32),
        mesh=_MESH,
        scratch_types=[
            pltpu.VMEM_SHARED((N_PAD, DEG_W), jnp.float32),
            pltpu.VMEM((cmax, CHUNK), jnp.int32),
            pltpu.VMEM((CHUNK, DEG_W), jnp.float32),
        ],
    )
    def deg_kernel(dsta_hbm, dstb_hbm, zeros_hbm, ones_hbm, out_hbm,
                   acc, dst_v, ones_v):
        cid = lax.axis_index("c")
        sid = lax.axis_index("s")
        row0 = sid * ROWS_PER_TILE
        pltpu.sync_copy(zeros_hbm.at[pl.ds(row0, ROWS_PER_TILE)],
                        acc.at[pl.ds(row0, ROWS_PER_TILE)])

        @pl.when(cid == 0)
        def _():
            pltpu.sync_copy(dsta_hbm.at[sid], dst_v.at[pl.ds(0, ca)])

        @pl.when(cid == 1)
        def _():
            pltpu.sync_copy(dstb_hbm.at[sid], dst_v.at[pl.ds(0, cb)])

        pltpu.sync_copy(ones_hbm, ones_v)
        plsc.subcore_barrier()

        def body(j, carry):
            pltpu.sync_copy(ones_v, acc.at[dst_v.at[j]], add=True)
            return carry

        @pl.when(cid == 0)
        def _():
            lax.fori_loop(0, ca, body, 0)

        @pl.when(cid == 1)
        def _():
            lax.fori_loop(0, cb, body, 0)

        plsc.subcore_barrier()
        pltpu.sync_copy(acc.at[pl.ds(row0, ROWS_PER_TILE)],
                        out_hbm.at[cid, pl.ds(row0, ROWS_PER_TILE)])

    return deg_kernel


def _make_prop(ca, cb, cmax):
    @functools.partial(
        pl.kernel,
        out_type=jax.ShapeDtypeStruct((NC, N_PAD, F), jnp.float32),
        mesh=_MESH,
        scratch_types=[
            pltpu.VMEM_SHARED((N_PAD, F), jnp.float32),
            pltpu.VMEM((cmax, CHUNK), jnp.int32),
            pltpu.VMEM((cmax, CHUNK), jnp.int32),
            pltpu.VMEM((CHUNK, F), jnp.float32),
            pltpu.SemaphoreType.DMA,
        ],
    )
    def prop_kernel(t_hbm, srca_hbm, srcb_hbm, dsta_hbm, dstb_hbm,
                    zeros_hbm, out_hbm, acc, src_v, dst_v, rows_v, sem):
        cid = lax.axis_index("c")
        sid = lax.axis_index("s")
        row0 = sid * ROWS_PER_TILE
        pltpu.sync_copy(zeros_hbm.at[pl.ds(row0, ROWS_PER_TILE)],
                        acc.at[pl.ds(row0, ROWS_PER_TILE)])

        @pl.when(cid == 0)
        def _():
            pltpu.sync_copy(srca_hbm.at[sid], src_v.at[pl.ds(0, ca)])
            pltpu.sync_copy(dsta_hbm.at[sid], dst_v.at[pl.ds(0, ca)])

        @pl.when(cid == 1)
        def _():
            pltpu.sync_copy(srcb_hbm.at[sid], src_v.at[pl.ds(0, cb)])
            pltpu.sync_copy(dstb_hbm.at[sid], dst_v.at[pl.ds(0, cb)])

        plsc.subcore_barrier()

        def body(j, carry):
            pltpu.async_copy(t_hbm.at[src_v.at[j]], rows_v, sem).wait()
            pltpu.sync_copy(rows_v, acc.at[dst_v.at[j]], add=True)
            return carry

        @pl.when(cid == 0)
        def _():
            lax.fori_loop(0, ca, body, 0)

        @pl.when(cid == 1)
        def _():
            lax.fori_loop(0, cb, body, 0)

        plsc.subcore_barrier()
        pltpu.sync_copy(acc.at[pl.ds(row0, ROWS_PER_TILE)],
                        out_hbm.at[cid, pl.ds(row0, ROWS_PER_TILE)])

    return prop_kernel



RB = 1280
GRID = N_PAD // RB


def _tc0_body(x_ref, w_ref, p_ref, t_ref, dinv_ref):
    p = p_ref[...]
    deg = 1.0 + p[0, :, 0:1] + p[1, :, 0:1]
    dinvb = jnp.broadcast_to(lax.rsqrt(deg), (RB, F))
    t_ref[...] = dinvb * jnp.dot(x_ref[...], w_ref[...],
                                 preferred_element_type=jnp.float32)
    dinv_ref[...] = dinvb


_tc0 = pl.pallas_call(
    _tc0_body,
    grid=(GRID,),
    in_specs=[
        pl.BlockSpec((RB, F), lambda i: (i, 0)),
        pl.BlockSpec((F, F), lambda i: (0, 0)),
        pl.BlockSpec((NC, RB, DEG_W), lambda i: (0, i, 0)),
    ],
    out_specs=[
        pl.BlockSpec((RB, F), lambda i: (i, 0)),
        pl.BlockSpec((RB, F), lambda i: (i, 0)),
    ],
    out_shape=[
        jax.ShapeDtypeStruct((N_PAD, F), jnp.float32),
        jax.ShapeDtypeStruct((N_PAD, F), jnp.float32),
    ],
)


def _tc_mid_body(t_ref, p_ref, dinv_ref, b_ref, w_ref, out_ref):
    s = t_ref[...] + p_ref[0] + p_ref[1]
    pre = dinv_ref[...] * s + b_ref[...]
    h = jnp.tanh(pre)
    out_ref[...] = dinv_ref[...] * jnp.dot(h, w_ref[...],
                                           preferred_element_type=jnp.float32)


_tc_mid = pl.pallas_call(
    _tc_mid_body,
    grid=(GRID,),
    in_specs=[
        pl.BlockSpec((RB, F), lambda i: (i, 0)),
        pl.BlockSpec((NC, RB, F), lambda i: (0, i, 0)),
        pl.BlockSpec((RB, F), lambda i: (i, 0)),
        pl.BlockSpec((1, F), lambda i: (0, 0)),
        pl.BlockSpec((F, F), lambda i: (0, 0)),
    ],
    out_specs=pl.BlockSpec((RB, F), lambda i: (i, 0)),
    out_shape=jax.ShapeDtypeStruct((N_PAD, F), jnp.float32),
)


def _tc_fin_body(t_ref, p_ref, dinv_ref, b_ref, wp0_ref, bp0_ref,
                 wp1_ref, bp1_ref, emb_ref, logp_ref):
    s = t_ref[...] + p_ref[0] + p_ref[1]
    emb = dinv_ref[...] * s + b_ref[...]
    emb_ref[...] = emb
    h = jnp.tanh(emb)
    y = jnp.dot(h, wp0_ref[...], preferred_element_type=jnp.float32) + bp0_ref[...]
    y = jnp.dot(y, wp1_ref[...], preferred_element_type=jnp.float32) + bp1_ref[...]
    m = jnp.max(y, axis=1, keepdims=True)
    e = y - m
    logp_ref[...] = e - jnp.log(jnp.sum(jnp.exp(e), axis=1, keepdims=True))


_tc_fin = pl.pallas_call(
    _tc_fin_body,
    grid=(GRID,),
    in_specs=[
        pl.BlockSpec((RB, F), lambda i: (i, 0)),
        pl.BlockSpec((NC, RB, F), lambda i: (0, i, 0)),
        pl.BlockSpec((RB, F), lambda i: (i, 0)),
        pl.BlockSpec((1, F), lambda i: (0, 0)),
        pl.BlockSpec((F, F), lambda i: (0, 0)),
        pl.BlockSpec((1, F), lambda i: (0, 0)),
        pl.BlockSpec((F, OUT), lambda i: (0, 0)),
        pl.BlockSpec((1, OUT), lambda i: (0, 0)),
    ],
    out_specs=[
        pl.BlockSpec((RB, F), lambda i: (i, 0)),
        pl.BlockSpec((RB, OUT), lambda i: (i, 0)),
    ],
    out_shape=[
        jax.ShapeDtypeStruct((N_PAD, F), jnp.float32),
        jax.ShapeDtypeStruct((N_PAD, OUT), jnp.float32),
    ],
)


def _chunk_layout(e_total):
    n_real = -(-e_total // CHUNK)
    per_pair = -(-n_real // NS)
    ca = max(1, int(round(per_pair * CORE0_FRAC)))
    cb = per_pair - ca
    return ca, cb, max(ca, cb), NS * (ca + cb)


def kernel(x, edge_index, batch, W0, b0, W1, b1, W2, b2, Wp0, bp0, Wp1, bp1):
    e_total = edge_index.shape[1]
    ca, cb, cmax, n_rows = _chunk_layout(e_total)
    e_pad = n_rows * CHUNK

    src = edge_index[0]
    dst = edge_index[1]
    pad_idx = jnp.full((e_pad - e_total,), N, dtype=jnp.int32)
    src_f = jnp.concatenate([src, pad_idx]).reshape(n_rows, CHUNK)
    dst_f = jnp.concatenate([dst, pad_idx]).reshape(n_rows, CHUNK)
    na = NS * ca
    src_a = src_f[:na].reshape(NS, ca, CHUNK)
    src_b = src_f[na:].reshape(NS, cb, CHUNK)
    dst_a = dst_f[:na].reshape(NS, ca, CHUNK)
    dst_b = dst_f[na:].reshape(NS, cb, CHUNK)

    x_p = jnp.concatenate(
        [x, jnp.zeros((N_PAD - N, F), dtype=jnp.float32)], axis=0)
    zeros_f = jnp.zeros((N_PAD, F), dtype=jnp.float32)
    ones_c = jnp.ones((CHUNK, DEG_W), dtype=jnp.float32)

    deg_fn = _make_deg(ca, cb, cmax)
    prop_fn = _make_prop(ca, cb, cmax)

    degp = deg_fn(dst_a, dst_b, zeros_f, ones_c)
    t0, dinvb = _tc0(x_p, W0, degp)
    p1 = prop_fn(t0, src_a, src_b, dst_a, dst_b, zeros_f)
    t1 = _tc_mid(t0, p1, dinvb, b0.reshape(1, F), W1)
    p2 = prop_fn(t1, src_a, src_b, dst_a, dst_b, zeros_f)
    t2 = _tc_mid(t1, p2, dinvb, b1.reshape(1, F), W2)
    p3 = prop_fn(t2, src_a, src_b, dst_a, dst_b, zeros_f)
    emb_p, logp_p = _tc_fin(t2, p3, dinvb, b2.reshape(1, F),
                            Wp0, bp0.reshape(1, F), Wp1, bp1.reshape(1, OUT))
    return emb_p[:N], logp_p[:N]

# --- scband reference (transcript-rebuilt; emitter-appended) ---
"""Pipeline reference for scband-gcn-15710990369132 (READ-ONLY COPY).

The authoritative reference and input builder live on the scoring server;
editing this copy changes nothing except your own understanding.
"""

import jax, jax.numpy as jnp
import numpy as np

N = 10000
E = 320000
D = 128
H = 128
OUT = 64


def setup_inputs(seed: int = 0) -> dict:
    key = jax.random.key(seed)
    ks = jax.random.split(key, 14)
    x = jax.random.normal(ks[0], (N, D), dtype=jnp.float32)
    edge_index = jax.random.randint(ks[1], (2, E), 0, N, dtype=jnp.int32)
    batch = jnp.zeros((N,), dtype=jnp.int32)
    s = 0.05
    W0 = jax.random.normal(ks[2], (D, H), dtype=jnp.float32) * s
    b0 = jnp.zeros((H,), dtype=jnp.float32)
    W1 = jax.random.normal(ks[3], (H, H), dtype=jnp.float32) * s
    b1 = jnp.zeros((H,), dtype=jnp.float32)
    W2 = jax.random.normal(ks[4], (H, H), dtype=jnp.float32) * s
    b2 = jnp.zeros((H,), dtype=jnp.float32)
    Wp0 = jax.random.normal(ks[5], (H, H), dtype=jnp.float32) * s
    bp0 = jnp.zeros((H,), dtype=jnp.float32)
    Wp1 = jax.random.normal(ks[6], (H, OUT), dtype=jnp.float32) * s
    bp1 = jnp.zeros((OUT,), dtype=jnp.float32)
    return {"x": x, "edge_index": edge_index, "batch": batch,
            "W0": W0, "b0": b0, "W1": W1, "b1": b1, "W2": W2, "b2": b2,
            "Wp0": Wp0, "bp0": bp0, "Wp1": Wp1, "bp1": bp1}


def _gcn_conv(x, edge_index, W, b):
    # PyG GCNConv: add self-loops, symmetric normalization, linear, scatter-add, bias
    n = x.shape[0]
    src = edge_index[0]
    dst = edge_index[1]
    loop = jnp.arange(n, dtype=src.dtype)
    src = jnp.concatenate([src, loop])
    dst = jnp.concatenate([dst, loop])
    deg = jnp.zeros((n,), dtype=x.dtype).at[dst].add(1.0)
    dinv = jax.lax.rsqrt(deg)
    norm = dinv[src] * dinv[dst]
    h = x @ W
    msg = jnp.take(h, src, axis=0) * norm[:, None]
    out = jnp.zeros((n, W.shape[1]), dtype=x.dtype).at[dst].add(msg)
    return out + b


def reference(x, edge_index, batch, W0, b0, W1, b1, W2, b2, Wp0, bp0, Wp1, bp1):
    h = x
    emb = h
    for (W, b) in ((W0, b0), (W1, b1), (W2, b2)):
        h = _gcn_conv(h, edge_index, W, b)
        emb = h
        h = jnp.tanh(h)
        # dropout is identity in eval mode
    y = h @ Wp0 + bp0
    # dropout identity in eval mode
    y = y @ Wp1 + bp1
    logp = jax.nn.log_softmax(y, axis=1)
    return (emb, logp)

if __name__ == "__main__":
    import jax
    _d = setup_inputs()
    print(jax.jit(kernel)(*tuple(_d.values())))

</pallas_src>

<mosaic_0001>
#map = affine_map<(d0, d1) -> (0, 0)>
#map1 = affine_map<(d0, d1) -> (0, 0, 0)>
module attributes {stable_mosaic.version = 14 : i64} {
  func.func @prop_kernel(%arg0: i32, %arg1: i32, %arg2: memref<10240x128xf32, #tpu.memory_space<hbm>>, %arg3: memref<16x110x128xi32, #tpu.memory_space<hbm>>, %arg4: memref<16x47x128xi32, #tpu.memory_space<hbm>>, %arg5: memref<16x110x128xi32, #tpu.memory_space<hbm>>, %arg6: memref<16x47x128xi32, #tpu.memory_space<hbm>>, %arg7: memref<10240x128xf32, #tpu.memory_space<hbm>>, %arg8: memref<2x10240x128xf32, #tpu.memory_space<hbm>>, %arg9: memref<10240x128xf32, #tpu.memory_space<vmem_shared>>, %arg10: memref<110x128xi32, #tpu.memory_space<vmem>>, %arg11: memref<110x128xi32, #tpu.memory_space<vmem>>, %arg12: memref<128x128xf32, #tpu.memory_space<vmem>>, %arg13: memref<!tpu.dma_semaphore, #tpu.memory_space<semaphore_mem>>) attributes {dimension_semantics = [#tpu.dimension_semantics<core_parallel>, #tpu.dimension_semantics<subcore_parallel>], iteration_bounds = array<i64: 2, 16>, scalar_prefetch = 0 : i64, scratch_operands = 5 : i64, tpu.core_type = #tpu.core_type<sc_vector_subcore>, window_params = [{transform_indices = #map}, {transform_indices = #map1}, {transform_indices = #map1}, {transform_indices = #map1}, {transform_indices = #map1}, {transform_indices = #map}, {transform_indices = #map1}]} {
    %mul3A = arith.constant 640 : i32
    %mul3A_0 = arith.muli %arg1, %mul3A : i32
    "tpu.region"() ({
      %run_scoped3A = tpu.sem_alloc : memref<!tpu.dma_semaphore, #tpu.memory_space<semaphore_mem>>
      %dma_start3A = arith.constant 0 : i32
      %dma_start3A_19 = tpu.memref_slice %arg9[%mul3A_0, %dma_start3A] : memref<10240x128xf32, #tpu.memory_space<vmem_shared>> -> memref<640x128xf32, #tpu.memory_space<vmem_shared>>
      %dma_start3A_20 = arith.constant 0 : i32
      %dma_start3A_21 = tpu.memref_slice %arg7[%mul3A_0, %dma_start3A_20] : memref<10240x128xf32, #tpu.memory_space<hbm>> -> memref<640x128xf32, #tpu.memory_space<hbm>>
      tpu.enqueue_dma source(%dma_start3A_21 : memref<640x128xf32, #tpu.memory_space<hbm>>) target(%dma_start3A_19 : memref<640x128xf32, #tpu.memory_space<vmem_shared>>) target_semaphore(%run_scoped3A : memref<!tpu.dma_semaphore, #tpu.memory_space<semaphore_mem>>)
      %dma_wait3A = arith.constant 0 : i32
      %dma_wait3A_22 = tpu.memref_slice %arg9[%mul3A_0, %dma_wait3A] : memref<10240x128xf32, #tpu.memory_space<vmem_shared>> -> memref<640x128xf32, #tpu.memory_space<vmem_shared>>
      %dma_wait3A_23 = arith.constant 0 : i32
      %dma_wait3A_24 = tpu.memref_slice %arg7[%mul3A_0, %dma_wait3A_23] : memref<10240x128xf32, #tpu.memory_space<hbm>> -> memref<640x128xf32, #tpu.memory_space<hbm>>
      tpu.wait_dma2 semaphore(%run_scoped3A : memref<!tpu.dma_semaphore, #tpu.memory_space<semaphore_mem>>) src(%dma_wait3A_24 : memref<640x128xf32, #tpu.memory_space<hbm>>) dst(%dma_wait3A_22 : memref<640x128xf32, #tpu.memory_space<vmem_shared>>)
      tpu.yield
    }) : () -> ()
    %eq3A = arith.constant 0 : i32
    %eq3A_1 = arith.cmpi eq, %arg0, %eq3A : i32
    %convert_element_type3A = arith.extui %eq3A_1 : i1 to i32
    %cond3A = arith.constant 0 : i32
    %cond3A_2 = arith.cmpi ne, %convert_element_type3A, %cond3A : i32
    scf.if %cond3A_2 {
      "tpu.region"() ({
        %run_scoped3A = tpu.sem_alloc : memref<!tpu.dma_semaphore, #tpu.memory_space<semaphore_mem>>
        %dma_start3A = arith.constant 0 : i32
        %dma_start3A_19 = arith.constant 0 : i32
        %dma_start3A_20 = tpu.memref_slice %arg10[%dma_start3A, %dma_start3A_19] : memref<110x128xi32, #tpu.memory_space<vmem>> -> memref<110x128xi32, #tpu.memory_space<vmem>>
        %dma_start3A_21 = arith.constant 0 : i32
        %dma_start3A_22 = arith.constant 0 : i32
        %dma_start3A_23 = tpu.memref_slice %arg3[%arg1, %dma_start3A_21, %dma_start3A_22] : memref<16x110x128xi32, #tpu.memory_space<hbm>> -> memref<1x110x128xi32, #tpu.memory_space<hbm>>
        %dma_start3A_24 = tpu.memref_squeeze %dma_start3A_23 : memref<1x110x128xi32, #tpu.memory_space<hbm>> -> memref<110x128xi32, #tpu.memory_space<hbm>>
        %dma_start3A_25 = arith.constant 0 : i32
        %dma_start3A_26 = arith.constant 0 : i32
        %dma_start3A_27 = tpu.memref_slice %arg10[%dma_start3A_25, %dma_start3A_26] : memref<110x128xi32, #tpu.memory_space<vmem>> -> memref<110x128xi32, #tpu.memory_space<vmem>>
        %dma_start3A_28 = arith.constant 0 : i32
        %dma_start3A_29 = arith.constant 0 : i32
        %dma_start3A_30 = tpu.memref_slice %arg3[%arg1, %dma_start3A_28, %dma_start3A_29] : memref<16x110x128xi32, #tpu.memory_space<hbm>> -> memref<1x110x128xi32, #tpu.memory_space<hbm>>
        %dma_start3A_31 = tpu.memref_squeeze %dma_start3A_30 : memref<1x110x128xi32, #tpu.memory_space<hbm>> -> memref<110x128xi32, #tpu.memory_space<hbm>>
        tpu.enqueue_dma source(%dma_start3A_31 : memref<110x128xi32, #tpu.memory_space<hbm>>) target(%dma_start3A_27 : memref<110x128xi32, #tpu.memory_space<vmem>>) target_semaphore(%run_scoped3A : memref<!tpu.dma_semaphore, #tpu.memory_space<semaphore_mem>>)
        %dma_wait3A = arith.constant 0 : i32
        %dma_wait3A_32 = arith.constant 0 : i32
        %dma_wait3A_33 = tpu.memref_slice %arg10[%dma_wait3A, %dma_wait3A_32] : memref<110x128xi32, #tpu.memory_space<vmem>> -> memref<110x128xi32, #tpu.memory_space<vmem>>
        %dma_wait3A_34 = arith.constant 0 : i32
        %dma_wait3A_35 = arith.constant 0 : i32
        %dma_wait3A_36 = tpu.memref_slice %arg3[%arg1, %dma_wait3A_34, %dma_wait3A_35] : memref<16x110x128xi32, #tpu.memory_space<hbm>> -> memref<1x110x128xi32, #tpu.memory_space<hbm>>
        %dma_wait3A_37 = tpu.memref_squeeze %dma_wait3A_36 : memref<1x110x128xi32, #tpu.memory_space<hbm>> -> memref<110x128xi32, #tpu.memory_space<hbm>>
        %dma_wait3A_38 = arith.constant 0 : i32
        %dma_wait3A_39 = arith.constant 0 : i32
        %dma_wait3A_40 = tpu.memref_slice %arg10[%dma_wait3A_38, %dma_wait3A_39] : memref<110x128xi32, #tpu.memory_space<vmem>> -> memref<110x128xi32, #tpu.memory_space<vmem>>
        %dma_wait3A_41 = arith.constant 0 : i32
        %dma_wait3A_42 = arith.constant 0 : i32
        %dma_wait3A_43 = tpu.memref_slice %arg3[%arg1, %dma_wait3A_41, %dma_wait3A_42] : memref<16x110x128xi32, #tpu.memory_space<hbm>> -> memref<1x110x128xi32, #tpu.memory_space<hbm>>
        %dma_wait3A_44 = tpu.memref_squeeze %dma_wait3A_43 : memref<1x110x128xi32, #tpu.memory_space<hbm>> -> memref<110x128xi32, #tpu.memory_space<hbm>>
        tpu.wait_dma2 semaphore(%run_scoped3A : memref<!tpu.dma_semaphore, #tpu.memory_space<semaphore_mem>>) src(%dma_wait3A_44 : memref<110x128xi32, #tpu.memory_space<hbm>>) dst(%dma_wait3A_40 : memref<110x128xi32, #tpu.memory_space<vmem>>)
        tpu.yield
      }) : () -> ()
      "tpu.region"() ({
        %run_scoped3A = tpu.sem_alloc : memref<!tpu.dma_semaphore, #tpu.memory_space<semaphore_mem>>
        %dma_start3A = arith.constant 0 : i32
        %dma_start3A_19 = arith.constant 0 : i32
        %dma_start3A_20 = tpu.memref_slice %arg11[%dma_start3A, %dma_start3A_19] : memref<110x128xi32, #tpu.memory_space<vmem>> -> memref<110x128xi32, #tpu.memory_space<vmem>>
        %dma_start3A_21 = arith.constant 0 : i32
        %dma_start3A_22 = arith.constant 0 : i32
        %dma_start3A_23 = tpu.memref_slice %arg5[%arg1, %dma_start3A_21, %dma_start3A_22] : memref<16x110x128xi32, #tpu.memory_space<hbm>> -> memref<1x110x128xi32, #tpu.memory_space<hbm>>
        %dma_start3A_24 = tpu.memref_squeeze %dma_start3A_23 : memref<1x110x128xi32, #tpu.memory_space<hbm>> -> memref<110x128xi32, #tpu.memory_space<hbm>>
        %dma_start3A_25 = arith.constant 0 : i32
        %dma_start3A_26 = arith.constant 0 : i32
        %dma_start3A_27 = tpu.memref_slice %arg11[%dma_start3A_25, %dma_start3A_26] : memref<110x128xi32, #tpu.memory_space<vmem>> -> memref<110x128xi32, #tpu.memory_space<vmem>>
        %dma_start3A_28 = arith.constant 0 : i32
        %dma_start3A_29 = arith.constant 0 : i32
        %dma_start3A_30 = tpu.memref_slice %arg5[%arg1, %dma_start3A_28, %dma_start3A_29] : memref<16x110x128xi32, #tpu.memory_space<hbm>> -> memref<1x110x128xi32, #tpu.memory_space<hbm>>
        %dma_start3A_31 = tpu.memref_squeeze %dma_start3A_30 : memref<1x110x128xi32, #tpu.memory_space<hbm>> -> memref<110x128xi32, #tpu.memory_space<hbm>>
        tpu.enqueue_dma source(%dma_start3A_31 : memref<110x128xi32, #tpu.memory_space<hbm>>) target(%dma_start3A_27 : memref<110x128xi32, #tpu.memory_space<vmem>>) target_semaphore(%run_scoped3A : memref<!tpu.dma_semaphore, #tpu.memory_space<semaphore_mem>>)
        %dma_wait3A = arith.constant 0 : i32
        %dma_wait3A_32 = arith.constant 0 : i32
        %dma_wait3A_33 = tpu.memref_slice %arg11[%dma_wait3A, %dma_wait3A_32] : memref<110x128xi32, #tpu.memory_space<vmem>> -> memref<110x128xi32, #tpu.memory_space<vmem>>
        %dma_wait3A_34 = arith.constant 0 : i32
        %dma_wait3A_35 = arith.constant 0 : i32
        %dma_wait3A_36 = tpu.memref_slice %arg5[%arg1, %dma_wait3A_34, %dma_wait3A_35] : memref<16x110x128xi32, #tpu.memory_space<hbm>> -> memref<1x110x128xi32, #tpu.memory_space<hbm>>
        %dma_wait3A_37 = tpu.memref_squeeze %dma_wait3A_36 : memref<1x110x128xi32, #tpu.memory_space<hbm>> -> memref<110x128xi32, #tpu.memory_space<hbm>>
        %dma_wait3A_38 = arith.constant 0 : i32
        %dma_wait3A_39 = arith.constant 0 : i32
        %dma_wait3A_40 = tpu.memref_slice %arg11[%dma_wait3A_38, %dma_wait3A_39] : memref<110x128xi32, #tpu.memory_space<vmem>> -> memref<110x128xi32, #tpu.memory_space<vmem>>
        %dma_wait3A_41 = arith.constant 0 : i32
        %dma_wait3A_42 = arith.constant 0 : i32
        %dma_wait3A_43 = tpu.memref_slice %arg5[%arg1, %dma_wait3A_41, %dma_wait3A_42] : memref<16x110x128xi32, #tpu.memory_space<hbm>> -> memref<1x110x128xi32, #tpu.memory_space<hbm>>
        %dma_wait3A_44 = tpu.memref_squeeze %dma_wait3A_43 : memref<1x110x128xi32, #tpu.memory_space<hbm>> -> memref<110x128xi32, #tpu.memory_space<hbm>>
        tpu.wait_dma2 semaphore(%run_scoped3A : memref<!tpu.dma_semaphore, #tpu.memory_space<semaphore_mem>>) src(%dma_wait3A_44 : memref<110x128xi32, #tpu.memory_space<hbm>>) dst(%dma_wait3A_40 : memref<110x128xi32, #tpu.memory_space<vmem>>)
        tpu.yield
      }) : () -> ()
    } else {
    }
    %eq3A_3 = arith.constant 1 : i32
    %eq3A_4 = arith.cmpi eq, %arg0, %eq3A_3 : i32
    %convert_element_type3A_5 = arith.extui %eq3A_4 : i1 to i32
    %cond3A_6 = arith.constant 0 : i32
    %cond3A_7 = arith.cmpi ne, %convert_element_type3A_5, %cond3A_6 : i32
    scf.if %cond3A_7 {
      "tpu.region"() ({
        %run_scoped3A = tpu.sem_alloc : memref<!tpu.dma_semaphore, #tpu.memory_space<semaphore_mem>>
        %dma_start3A = arith.constant 0 : i32
        %dma_start3A_19 = arith.constant 0 : i32
        %dma_start3A_20 = tpu.memref_slice %arg10[%dma_start3A, %dma_start3A_19] : memref<110x128xi32, #tpu.memory_space<vmem>> -> memref<47x128xi32, #tpu.memory_space<vmem>>
        %dma_start3A_21 = arith.constant 0 : i32
        %dma_start3A_22 = arith.constant 0 : i32
        %dma_start3A_23 = tpu.memref_slice %arg4[%arg1, %dma_start3A_21, %dma_start3A_22] : memref<16x47x128xi32, #tpu.memory_space<hbm>> -> memref<1x47x128xi32, #tpu.memory_space<hbm>>
        %dma_start3A_24 = tpu.memref_squeeze %dma_start3A_23 : memref<1x47x128xi32, #tpu.memory_space<hbm>> -> memref<47x128xi32, #tpu.memory_space<hbm>>
        %dma_start3A_25 = arith.constant 0 : i32
        %dma_start3A_26 = arith.constant 0 : i32
        %dma_start3A_27 = tpu.memref_slice %arg10[%dma_start3A_25, %dma_start3A_26] : memref<110x128xi32, #tpu.memory_space<vmem>> -> memref<47x128xi32, #tpu.memory_space<vmem>>
        %dma_start3A_28 = arith.constant 0 : i32
        %dma_start3A_29 = arith.constant 0 : i32
        %dma_start3A_30 = tpu.memref_slice %arg4[%arg1, %dma_start3A_28, %dma_start3A_29] : memref<16x47x128xi32, #tpu.memory_space<hbm>> -> memref<1x47x128xi32, #tpu.memory_space<hbm>>
        %dma_start3A_31 = tpu.memref_squeeze %dma_start3A_30 : memref<1x47x128xi32, #tpu.memory_space<hbm>> -> memref<47x128xi32, #tpu.memory_space<hbm>>
        tpu.enqueue_dma source(%dma_start3A_31 : memref<47x128xi32, #tpu.memory_space<hbm>>) target(%dma_start3A_27 : memref<47x128xi32, #tpu.memory_space<vmem>>) target_semaphore(%run_scoped3A : memref<!tpu.dma_semaphore, #tpu.memory_space<semaphore_mem>>)
        %dma_wait3A = arith.constant 0 : i32
        %dma_wait3A_32 = arith.constant 0 : i32
        %dma_wait3A_33 = tpu.memref_slice %arg10[%dma_wait3A, %dma_wait3A_32] : memref<110x128xi32, #tpu.memory_space<vmem>> -> memref<47x128xi32, #tpu.memory_space<vmem>>
        %dma_wait3A_34 = arith.constant 0 : i32
        %dma_wait3A_35 = arith.constant 0 : i32
        %dma_wait3A_36 = tpu.memref_slice %arg4[%arg1, %dma_wait3A_34, %dma_wait3A_35] : memref<16x47x128xi32, #tpu.memory_space<hbm>> -> memref<1x47x128xi32, #tpu.memory_space<hbm>>
        %dma_wait3A_37 = tpu.memref_squeeze %dma_wait3A_36 : memref<1x47x128xi32, #tpu.memory_space<hbm>> -> memref<47x128xi32, #tpu.memory_space<hbm>>
        %dma_wait3A_38 = arith.constant 0 : i32
        %dma_wait3A_39 = arith.constant 0 : i32
        %dma_wait3A_40 = tpu.memref_slice %arg10[%dma_wait3A_38, %dma_wait3A_39] : memref<110x128xi32, #tpu.memory_space<vmem>> -> memref<47x128xi32, #tpu.memory_space<vmem>>
        %dma_wait3A_41 = arith.constant 0 : i32
        %dma_wait3A_42 = arith.constant 0 : i32
        %dma_wait3A_43 = tpu.memref_slice %arg4[%arg1, %dma_wait3A_41, %dma_wait3A_42] : memref<16x47x128xi32, #tpu.memory_space<hbm>> -> memref<1x47x128xi32, #tpu.memory_space<hbm>>
        %dma_wait3A_44 = tpu.memref_squeeze %dma_wait3A_43 : memref<1x47x128xi32, #tpu.memory_space<hbm>> -> memref<47x128xi32, #tpu.memory_space<hbm>>
        tpu.wait_dma2 semaphore(%run_scoped3A : memref<!tpu.dma_semaphore, #tpu.memory_space<semaphore_mem>>) src(%dma_wait3A_44 : memref<47x128xi32, #tpu.memory_space<hbm>>) dst(%dma_wait3A_40 : memref<47x128xi32, #tpu.memory_space<vmem>>)
        tpu.yield
      }) : () -> ()
      "tpu.region"() ({
        %run_scoped3A = tpu.sem_alloc : memref<!tpu.dma_semaphore, #tpu.memory_space<semaphore_mem>>
        %dma_start3A = arith.constant 0 : i32
        %dma_start3A_19 = arith.constant 0 : i32
        %dma_start3A_20 = tpu.memref_slice %arg11[%dma_start3A, %dma_start3A_19] : memref<110x128xi32, #tpu.memory_space<vmem>> -> memref<47x128xi32, #tpu.memory_space<vmem>>
        %dma_start3A_21 = arith.constant 0 : i32
        %dma_start3A_22 = arith.constant 0 : i32
        %dma_start3A_23 = tpu.memref_slice %arg6[%arg1, %dma_start3A_21, %dma_start3A_22] : memref<16x47x128xi32, #tpu.memory_space<hbm>> -> memref<1x47x128xi32, #tpu.memory_space<hbm>>
        %dma_start3A_24 = tpu.memref_squeeze %dma_start3A_23 : memref<1x47x128xi32, #tpu.memory_space<hbm>> -> memref<47x128xi32, #tpu.memory_space<hbm>>
        %dma_start3A_25 = arith.constant 0 : i32
        %dma_start3A_26 = arith.constant 0 : i32
        %dma_start3A_27 = tpu.memref_slice %arg11[%dma_start3A_25, %dma_start3A_26] : memref<110x128xi32, #tpu.memory_space<vmem>> -> memref<47x128xi32, #tpu.memory_space<vmem>>
        %dma_start3A_28 = arith.constant 0 : i32
        %dma_start3A_29 = arith.constant 0 : i32
        %dma_start3A_30 = tpu.memref_slice %arg6[%arg1, %dma_start3A_28, %dma_start3A_29] : memref<16x47x128xi32, #tpu.memory_space<hbm>> -> memref<1x47x128xi32, #tpu.memory_space<hbm>>
        %dma_start3A_31 = tpu.memref_squeeze %dma_start3A_30 : memref<1x47x128xi32, #tpu.memory_space<hbm>> -> memref<47x128xi32, #tpu.memory_space<hbm>>
        tpu.enqueue_dma source(%dma_start3A_31 : memref<47x128xi32, #tpu.memory_space<hbm>>) target(%dma_start3A_27 : memref<47x128xi32, #tpu.memory_space<vmem>>) target_semaphore(%run_scoped3A : memref<!tpu.dma_semaphore, #tpu.memory_space<semaphore_mem>>)
        %dma_wait3A = arith.constant 0 : i32
        %dma_wait3A_32 = arith.constant 0 : i32
        %dma_wait3A_33 = tpu.memref_slice %arg11[%dma_wait3A, %dma_wait3A_32] : memref<110x128xi32, #tpu.memory_space<vmem>> -> memref<47x128xi32, #tpu.memory_space<vmem>>
        %dma_wait3A_34 = arith.constant 0 : i32
        %dma_wait3A_35 = arith.constant 0 : i32
        %dma_wait3A_36 = tpu.memref_slice %arg6[%arg1, %dma_wait3A_34, %dma_wait3A_35] : memref<16x47x128xi32, #tpu.memory_space<hbm>> -> memref<1x47x128xi32, #tpu.memory_space<hbm>>
        %dma_wait3A_37 = tpu.memref_squeeze %dma_wait3A_36 : memref<1x47x128xi32, #tpu.memory_space<hbm>> -> memref<47x128xi32, #tpu.memory_space<hbm>>
        %dma_wait3A_38 = arith.constant 0 : i32
        %dma_wait3A_39 = arith.constant 0 : i32
        %dma_wait3A_40 = tpu.memref_slice %arg11[%dma_wait3A_38, %dma_wait3A_39] : memref<110x128xi32, #tpu.memory_space<vmem>> -> memref<47x128xi32, #tpu.memory_space<vmem>>
        %dma_wait3A_41 = arith.constant 0 : i32
        %dma_wait3A_42 = arith.constant 0 : i32
        %dma_wait3A_43 = tpu.memref_slice %arg6[%arg1, %dma_wait3A_41, %dma_wait3A_42] : memref<16x47x128xi32, #tpu.memory_space<hbm>> -> memref<1x47x128xi32, #tpu.memory_space<hbm>>
        %dma_wait3A_44 = tpu.memref_squeeze %dma_wait3A_43 : memref<1x47x128xi32, #tpu.memory_space<hbm>> -> memref<47x128xi32, #tpu.memory_space<hbm>>
        tpu.wait_dma2 semaphore(%run_scoped3A : memref<!tpu.dma_semaphore, #tpu.memory_space<semaphore_mem>>) src(%dma_wait3A_44 : memref<47x128xi32, #tpu.memory_space<hbm>>) dst(%dma_wait3A_40 : memref<47x128xi32, #tpu.memory_space<vmem>>)
        tpu.yield
      }) : () -> ()
    } else {
    }
    %barrier3A = arith.constant 0 : index
    tpu.barrier barrier_id(%barrier3A)
    %eq3A_8 = arith.constant 0 : i32
    %eq3A_9 = arith.cmpi eq, %arg0, %eq3A_8 : i32
    %convert_element_type3A_10 = arith.extui %eq3A_9 : i1 to i32
    %cond3A_11 = arith.constant 0 : i32
    %cond3A_12 = arith.cmpi ne, %convert_element_type3A_10, %cond3A_11 : i32
    scf.if %cond3A_12 {
      %scan3A = arith.constant 0 : i32
      %scan3A_19 = arith.constant 0 : i32
      %scan3A_20 = arith.constant 110 : i32
      %scan3A_21 = arith.addi %scan3A_19, %scan3A_20 : i32
      %scan3A_22 = arith.constant 1 : i32
      scf.for %scan3A_24 = %scan3A_19 to %scan3A_21 step %scan3A_22  : i32 {
        %dma_start3A = arith.constant 0 : i32
        %dma_start3A_25 = tpu.memref_slice %arg10[%scan3A_24, %dma_start3A] : memref<110x128xi32, #tpu.memory_space<vmem>> -> memref<1x128xi32, #tpu.memory_space<vmem>>
        %dma_start3A_26 = tpu.memref_squeeze %dma_start3A_25 : memref<1x128xi32, #tpu.memory_space<vmem>> -> memref<128xi32, #tpu.memory_space<vmem>>
        %dma_start3A_27 = arith.constant 0 : i32
        %dma_start3A_28 = arith.constant 0 : i32
        %dma_start3A_29 = tpu.memref_slice %arg2[%dma_start3A_27, %dma_start3A_28] : memref<10240x128xf32, #tpu.memory_space<hbm>> -> memref<10240x128xf32, #tpu.memory_space<hbm>>
        tpu.enqueue_indirect_dma source(%dma_start3A_29 : memref<10240x128xf32, #tpu.memory_space<hbm>>) target(%arg12 : memref<128x128xf32, #tpu.memory_space<vmem>>) offsets(%dma_start3A_26 : memref<128xi32, #tpu.memory_space<vmem>>) semaphore(%arg13 : memref<!tpu.dma_semaphore, #tpu.memory_space<semaphore_mem>>)
        %dma_wait3A = arith.constant 0 : i32
        %dma_wait3A_30 = tpu.memref_slice %arg10[%scan3A_24, %dma_wait3A] : memref<110x128xi32, #tpu.memory_space<vmem>> -> memref<1x128xi32, #tpu.memory_space<vmem>>
        %dma_wait3A_31 = tpu.memref_squeeze %dma_wait3A_30 : memref<1x128xi32, #tpu.memory_space<vmem>> -> memref<128xi32, #tpu.memory_space<vmem>>
        %dma_wait3A_32 = arith.constant 0 : i32
        %dma_wait3A_33 = arith.constant 0 : i32
        %dma_wait3A_34 = tpu.memref_slice %arg2[%dma_wait3A_32, %dma_wait3A_33] : memref<10240x128xf32, #tpu.memory_space<hbm>> -> memref<10240x128xf32, #tpu.memory_space<hbm>>
        tpu.wait_indirect_dma semaphore(%arg13 : memref<!tpu.dma_semaphore, #tpu.memory_space<semaphore_mem>>) src(%dma_wait3A_34 : memref<10240x128xf32, #tpu.memory_space<hbm>>) dst(%arg12 : memref<128x128xf32, #tpu.memory_space<vmem>>)
        "tpu.region"() ({
          %run_scoped3A = tpu.sem_alloc : memref<!tpu.dma_semaphore, #tpu.memory_space<semaphore_mem>>
          %dma_start3A_35 = arith.constant 0 : i32
          %dma_start3A_36 = tpu.memref_slice %arg11[%scan3A_24, %dma_start3A_35] : memref<110x128xi32, #tpu.memory_space<vmem>> -> memref<1x128xi32, #tpu.memory_space<vmem>>
          %dma_start3A_37 = tpu.memref_squeeze %dma_start3A_36 : memref<1x128xi32, #tpu.memory_space<vmem>> -> memref<128xi32, #tpu.memory_space<vmem>>
          %dma_start3A_38 = arith.constant 0 : i32
          %dma_start3A_39 = arith.constant 0 : i32
          %dma_start3A_40 = tpu.memref_slice %arg9[%dma_start3A_38, %dma_start3A_39] : memref<10240x128xf32, #tpu.memory_space<vmem_shared>> -> memref<10240x128xf32, #tpu.memory_space<vmem_shared>>
          tpu.enqueue_indirect_dma source(%arg12 : memref<128x128xf32, #tpu.memory_space<vmem>>) target(%dma_start3A_40 : memref<10240x128xf32, #tpu.memory_space<vmem_shared>>) offsets(%dma_start3A_37 : memref<128xi32, #tpu.memory_space<vmem>>) semaphore(%run_scoped3A : memref<!tpu.dma_semaphore, #tpu.memory_space<semaphore_mem>>) {add = true}
          %dma_wait3A_41 = arith.constant 0 : i32
          %dma_wait3A_42 = tpu.memref_slice %arg11[%scan3A_24, %dma_wait3A_41] : memref<110x128xi32, #tpu.memory_space<vmem>> -> memref<1x128xi32, #tpu.memory_space<vmem>>
          %dma_wait3A_43 = tpu.memref_squeeze %dma_wait3A_42 : memref<1x128xi32, #tpu.memory_space<vmem>> -> memref<128xi32, #tpu.memory_space<vmem>>
          %dma_wait3A_44 = arith.constant 0 : i32
          %dma_wait3A_45 = arith.constant 0 : i32
          %dma_wait3A_46 = tpu.memref_slice %arg9[%dma_wait3A_44, %dma_wait3A_45] : memref<10240x128xf32, #tpu.memory_space<vmem_shared>> -> memref<10240x128xf32, #tpu.memory_space<vmem_shared>>
          tpu.wait_indirect_dma semaphore(%run_scoped3A : memref<!tpu.dma_semaphore, #tpu.memory_space<semaphore_mem>>) src(%arg12 : memref<128x128xf32, #tpu.memory_space<vmem>>) dst(%dma_wait3A_46 : memref<10240x128xf32, #tpu.memory_space<vmem_shared>>)
          tpu.yield
        }) : () -> ()
      }
      %scan3A_23 = arith.constant 110 : i32
    } else {
    }
    %eq3A_13 = arith.constant 1 : i32
    %eq3A_14 = arith.cmpi eq, %arg0, %eq3A_13 : i32
    %convert_element_type3A_15 = arith.extui %eq3A_14 : i1 to i32
    %cond3A_16 = arith.constant 0 : i32
    %cond3A_17 = arith.cmpi ne, %convert_element_type3A_15, %cond3A_16 : i32
    scf.if %cond3A_17 {
      %scan3A = arith.constant 0 : i32
      %scan3A_19 = arith.constant 0 : i32
      %scan3A_20 = arith.constant 47 : i32
      %scan3A_21 = arith.addi %scan3A_19, %scan3A_20 : i32
      %scan3A_22 = arith.constant 1 : i32
      scf.for %scan3A_24 = %scan3A_19 to %scan3A_21 step %scan3A_22  : i32 {
        %dma_start3A = arith.constant 0 : i32
        %dma_start3A_25 = tpu.memref_slice %arg10[%scan3A_24, %dma_start3A] : memref<110x128xi32, #tpu.memory_space<vmem>> -> memref<1x128xi32, #tpu.memory_space<vmem>>
        %dma_start3A_26 = tpu.memref_squeeze %dma_start3A_25 : memref<1x128xi32, #tpu.memory_space<vmem>> -> memref<128xi32, #tpu.memory_space<vmem>>
        %dma_start3A_27 = arith.constant 0 : i32
        %dma_start3A_28 = arith.constant 0 : i32
        %dma_start3A_29 = tpu.memref_slice %arg2[%dma_start3A_27, %dma_start3A_28] : memref<10240x128xf32, #tpu.memory_space<hbm>> -> memref<10240x128xf32, #tpu.memory_space<hbm>>
        tpu.enqueue_indirect_dma source(%dma_start3A_29 : memref<10240x128xf32, #tpu.memory_space<hbm>>) target(%arg12 : memref<128x128xf32, #tpu.memory_space<vmem>>) offsets(%dma_start3A_26 : memref<128xi32, #tpu.memory_space<vmem>>) semaphore(%arg13 : memref<!tpu.dma_semaphore, #tpu.memory_space<semaphore_mem>>)
        %dma_wait3A = arith.constant 0 : i32
        %dma_wait3A_30 = tpu.memref_slice %arg10[%scan3A_24, %dma_wait3A] : memref<110x128xi32, #tpu.memory_space<vmem>> -> memref<1x128xi32, #tpu.memory_space<vmem>>
        %dma_wait3A_31 = tpu.memref_squeeze %dma_wait3A_30 : memref<1x128xi32, #tpu.memory_space<vmem>> -> memref<128xi32, #tpu.memory_space<vmem>>
        %dma_wait3A_32 = arith.constant 0 : i32
        %dma_wait3A_33 = arith.constant 0 : i32
        %dma_wait3A_34 = tpu.memref_slice %arg2[%dma_wait3A_32, %dma_wait3A_33] : memref<10240x128xf32, #tpu.memory_space<hbm>> -> memref<10240x128xf32, #tpu.memory_space<hbm>>
        tpu.wait_indirect_dma semaphore(%arg13 : memref<!tpu.dma_semaphore, #tpu.memory_space<semaphore_mem>>) src(%dma_wait3A_34 : memref<10240x128xf32, #tpu.memory_space<hbm>>) dst(%arg12 : memref<128x128xf32, #tpu.memory_space<vmem>>)
        "tpu.region"() ({
          %run_scoped3A = tpu.sem_alloc : memref<!tpu.dma_semaphore, #tpu.memory_space<semaphore_mem>>
          %dma_start3A_35 = arith.constant 0 : i32
          %dma_start3A_36 = tpu.memref_slice %arg11[%scan3A_24, %dma_start3A_35] : memref<110x128xi32, #tpu.memory_space<vmem>> -> memref<1x128xi32, #tpu.memory_space<vmem>>
          %dma_start3A_37 = tpu.memref_squeeze %dma_start3A_36 : memref<1x128xi32, #tpu.memory_space<vmem>> -> memref<128xi32, #tpu.memory_space<vmem>>
          %dma_start3A_38 = arith.constant 0 : i32
          %dma_start3A_39 = arith.constant 0 : i32
          %dma_start3A_40 = tpu.memref_slice %arg9[%dma_start3A_38, %dma_start3A_39] : memref<10240x128xf32, #tpu.memory_space<vmem_shared>> -> memref<10240x128xf32, #tpu.memory_space<vmem_shared>>
          tpu.enqueue_indirect_dma source(%arg12 : memref<128x128xf32, #tpu.memory_space<vmem>>) target(%dma_start3A_40 : memref<10240x128xf32, #tpu.memory_space<vmem_shared>>) offsets(%dma_start3A_37 : memref<128xi32, #tpu.memory_space<vmem>>) semaphore(%run_scoped3A : memref<!tpu.dma_semaphore, #tpu.memory_space<semaphore_mem>>) {add = true}
          %dma_wait3A_41 = arith.constant 0 : i32
          %dma_wait3A_42 = tpu.memref_slice %arg11[%scan3A_24, %dma_wait3A_41] : memref<110x128xi32, #tpu.memory_space<vmem>> -> memref<1x128xi32, #tpu.memory_space<vmem>>
          %dma_wait3A_43 = tpu.memref_squeeze %dma_wait3A_42 : memref<1x128xi32, #tpu.memory_space<vmem>> -> memref<128xi32, #tpu.memory_space<vmem>>
          %dma_wait3A_44 = arith.constant 0 : i32
          %dma_wait3A_45 = arith.constant 0 : i32
          %dma_wait3A_46 = tpu.memref_slice %arg9[%dma_wait3A_44, %dma_wait3A_45] : memref<10240x128xf32, #tpu.memory_space<vmem_shared>> -> memref<10240x128xf32, #tpu.memory_space<vmem_shared>>
          tpu.wait_indirect_dma semaphore(%run_scoped3A : memref<!tpu.dma_semaphore, #tpu.memory_space<semaphore_mem>>) src(%arg12 : memref<128x128xf32, #tpu.memory_space<vmem>>) dst(%dma_wait3A_46 : memref<10240x128xf32, #tpu.memory_space<vmem_shared>>)
          tpu.yield
        }) : () -> ()
      }
      %scan3A_23 = arith.constant 47 : i32
    } else {
    }
    %barrier3A_18 = arith.constant 0 : index
    tpu.barrier barrier_id(%barrier3A_18)
    "tpu.region"() ({
      %run_scoped3A = tpu.sem_alloc : memref<!tpu.dma_semaphore, #tpu.memory_space<semaphore_mem>>
      %dma_start3A = arith.constant 0 : i32
      %dma_start3A_19 = tpu.memref_slice %arg8[%arg0, %mul3A_0, %dma_start3A] : memref<2x10240x128xf32, #tpu.memory_space<hbm>> -> memref<1x640x128xf32, #tpu.memory_space<hbm>>
      %dma_start3A_20 = tpu.memref_squeeze %dma_start3A_19 : memref<1x640x128xf32, #tpu.memory_space<hbm>> -> memref<640x128xf32, #tpu.memory_space<hbm>>
      %dma_start3A_21 = arith.constant 0 : i32
      %dma_start3A_22 = tpu.memref_slice %arg9[%mul3A_0, %dma_start3A_21] : memref<10240x128xf32, #tpu.memory_space<vmem_shared>> -> memref<640x128xf32, #tpu.memory_space<vmem_shared>>
      tpu.enqueue_dma source(%dma_start3A_22 : memref<640x128xf32, #tpu.memory_space<vmem_shared>>) target(%dma_start3A_20 : memref<640x128xf32, #tpu.memory_space<hbm>>) target_semaphore(%run_scoped3A : memref<!tpu.dma_semaphore, #tpu.memory_space<semaphore_mem>>)
      %dma_wait3A = arith.constant 0 : i32
      %dma_wait3A_23 = tpu.memref_slice %arg8[%arg0, %mul3A_0, %dma_wait3A] : memref<2x10240x128xf32, #tpu.memory_space<hbm>> -> memref<1x640x128xf32, #tpu.memory_space<hbm>>
      %dma_wait3A_24 = tpu.memref_squeeze %dma_wait3A_23 : memref<1x640x128xf32, #tpu.memory_space<hbm>> -> memref<640x128xf32, #tpu.memory_space<hbm>>
      %dma_wait3A_25 = arith.constant 0 : i32
      %dma_wait3A_26 = tpu.memref_slice %arg9[%mul3A_0, %dma_wait3A_25] : memref<10240x128xf32, #tpu.memory_space<vmem_shared>> -> memref<640x128xf32, #tpu.memory_space<vmem_shared>>
      tpu.wait_dma2 semaphore(%run_scoped3A : memref<!tpu.dma_semaphore, #tpu.memory_space<semaphore_mem>>) src(%dma_wait3A_26 : memref<640x128xf32, #tpu.memory_space<vmem_shared>>) dst(%dma_wait3A_24 : memref<640x128xf32, #tpu.memory_space<hbm>>)
      tpu.yield
    }) : () -> ()
    return
  }
}

#map = affine_map<(d0, d1) -> (0, 0)>
#map1 = affine_map<(d0, d1) -> (0, 0, 0)>
module attributes {stable_mosaic.version = 14 : i64} {
  func.func @prop_kernel(%arg0: i32, %arg1: i32, %arg2: memref<10240x128xf32, #tpu.memory_space<hbm>>, %arg3: memref<16x110x128xi32, #tpu.memory_space<hbm>>, %arg4: memref<16x47x128xi32, #tpu.memory_space<hbm>>, %arg5: memref<16x110x128xi32, #tpu.memory_space<hbm>>, %arg6: memref<16x47x128xi32, #tpu.memory_space<hbm>>, %arg7: memref<10240x128xf32, #tpu.memory_space<hbm>>, %arg8: memref<2x10240x128xf32, #tpu.memory_space<hbm>>, %arg9: memref<10240x128xf32, #tpu.memory_space<vmem_shared>>, %arg10: memref<110x128xi32, #tpu.memory_space<vmem>>, %arg11: memref<110x128xi32, #tpu.memory_space<vmem>>, %arg12: memref<128x128xf32, #tpu.memory_space<vmem>>, %arg13: memref<!tpu.dma_semaphore, #tpu.memory_space<semaphore_mem>>) attributes {dimension_semantics = [#tpu.dimension_semantics<core_parallel>, #tpu.dimension_semantics<subcore_parallel>], iteration_bounds = array<i64: 2, 16>, scalar_prefetch = 0 : i64, scratch_operands = 5 : i64, tpu.core_type = #tpu.core_type<sc_vector_subcore>, window_params = [{transform_indices = #map}, {transform_indices = #map1}, {transform_indices = #map1}, {transform_indices = #map1}, {transform_indices = #map1}, {transform_indices = #map}, {transform_indices = #map1}]} {
    %mul3A = arith.constant 640 : i32
    %mul3A_0 = arith.muli %arg1, %mul3A : i32
    "tpu.region"() ({
      %run_scoped3A = tpu.sem_alloc : memref<!tpu.dma_semaphore, #tpu.memory_space<semaphore_mem>>
      %dma_start3A = arith.constant 0 : i32
      %dma_start3A_19 = tpu.memref_slice %arg9[%mul3A_0, %dma_start3A] : memref<10240x128xf32, #tpu.memory_space<vmem_shared>> -> memref<640x128xf32, #tpu.memory_space<vmem_shared>>
      %dma_start3A_20 = arith.constant 0 : i32
      %dma_start3A_21 = tpu.memref_slice %arg7[%mul3A_0, %dma_start3A_20] : memref<10240x128xf32, #tpu.memory_space<hbm>> -> memref<640x128xf32, #tpu.memory_space<hbm>>
      tpu.enqueue_dma source(%dma_start3A_21 : memref<640x128xf32, #tpu.memory_space<hbm>>) target(%dma_start3A_19 : memref<640x128xf32, #tpu.memory_space<vmem_shared>>) target_semaphore(%run_scoped3A : memref<!tpu.dma_semaphore, #tpu.memory_space<semaphore_mem>>)
      %dma_wait3A = arith.constant 0 : i32
      %dma_wait3A_22 = tpu.memref_slice %arg9[%mul3A_0, %dma_wait3A] : memref<10240x128xf32, #tpu.memory_space<vmem_shared>> -> memref<640x128xf32, #tpu.memory_space<vmem_shared>>
      %dma_wait3A_23 = arith.constant 0 : i32
      %dma_wait3A_24 = tpu.memref_slice %arg7[%mul3A_0, %dma_wait3A_23] : memref<10240x128xf32, #tpu.memory_space<hbm>> -> memref<640x128xf32, #tpu.memory_space<hbm>>
      tpu.wait_dma2 semaphore(%run_scoped3A : memref<!tpu.dma_semaphore, #tpu.memory_space<semaphore_mem>>) src(%dma_wait3A_24 : memref<640x128xf32, #tpu.memory_space<hbm>>) dst(%dma_wait3A_22 : memref<640x128xf32, #tpu.memory_space<vmem_shared>>)
      tpu.yield
    }) : () -> ()
    %eq3A = arith.constant 0 : i32
    %eq3A_1 = arith.cmpi eq, %arg0, %eq3A : i32
    %convert_element_type3A = arith.extui %eq3A_1 : i1 to i32
    %cond3A = arith.constant 0 : i32
    %cond3A_2 = arith.cmpi ne, %convert_element_type3A, %cond3A : i32
    scf.if %cond3A_2 {
      "tpu.region"() ({
        %run_scoped3A = tpu.sem_alloc : memref<!tpu.dma_semaphore, #tpu.memory_space<semaphore_mem>>
        %dma_start3A = arith.constant 0 : i32
        %dma_start3A_19 = arith.constant 0 : i32
        %dma_start3A_20 = tpu.memref_slice %arg10[%dma_start3A, %dma_start3A_19] : memref<110x128xi32, #tpu.memory_space<vmem>> -> memref<110x128xi32, #tpu.memory_space<vmem>>
        %dma_start3A_21 = arith.constant 0 : i32
        %dma_start3A_22 = arith.constant 0 : i32
        %dma_start3A_23 = tpu.memref_slice %arg3[%arg1, %dma_start3A_21, %dma_start3A_22] : memref<16x110x128xi32, #tpu.memory_space<hbm>> -> memref<1x110x128xi32, #tpu.memory_space<hbm>>
        %dma_start3A_24 = tpu.memref_squeeze %dma_start3A_23 : memref<1x110x128xi32, #tpu.memory_space<hbm>> -> memref<110x128xi32, #tpu.memory_space<hbm>>
        %dma_start3A_25 = arith.constant 0 : i32
        %dma_start3A_26 = arith.constant 0 : i32
        %dma_start3A_27 = tpu.memref_slice %arg10[%dma_start3A_25, %dma_start3A_26] : memref<110x128xi32, #tpu.memory_space<vmem>> -> memref<110x128xi32, #tpu.memory_space<vmem>>
        %dma_start3A_28 = arith.constant 0 : i32
        %dma_start3A_29 = arith.constant 0 : i32
        %dma_start3A_30 = tpu.memref_slice %arg3[%arg1, %dma_start3A_28, %dma_start3A_29] : memref<16x110x128xi32, #tpu.memory_space<hbm>> -> memref<1x110x128xi32, #tpu.memory_space<hbm>>
        %dma_start3A_31 = tpu.memref_squeeze %dma_start3A_30 : memref<1x110x128xi32, #tpu.memory_space<hbm>> -> memref<110x128xi32, #tpu.memory_space<hbm>>
        tpu.enqueue_dma source(%dma_start3A_31 : memref<110x128xi32, #tpu.memory_space<hbm>>) target(%dma_start3A_27 : memref<110x128xi32, #tpu.memory_space<vmem>>) target_semaphore(%run_scoped3A : memref<!tpu.dma_semaphore, #tpu.memory_space<semaphore_mem>>)
        %dma_wait3A = arith.constant 0 : i32
        %dma_wait3A_32 = arith.constant 0 : i32
        %dma_wait3A_33 = tpu.memref_slice %arg10[%dma_wait3A, %dma_wait3A_32] : memref<110x128xi32, #tpu.memory_space<vmem>> -> memref<110x128xi32, #tpu.memory_space<vmem>>
        %dma_wait3A_34 = arith.constant 0 : i32
        %dma_wait3A_35 = arith.constant 0 : i32
        %dma_wait3A_36 = tpu.memref_slice %arg3[%arg1, %dma_wait3A_34, %dma_wait3A_35] : memref<16x110x128xi32, #tpu.memory_space<hbm>> -> memref<1x110x128xi32, #tpu.memory_space<hbm>>
        %dma_wait3A_37 = tpu.memref_squeeze %dma_wait3A_36 : memref<1x110x128xi32, #tpu.memory_space<hbm>> -> memref<110x128xi32, #tpu.memory_space<hbm>>
        %dma_wait3A_38 = arith.constant 0 : i32
        %dma_wait3A_39 = arith.constant 0 : i32
        %dma_wait3A_40 = tpu.memref_slice %arg10[%dma_wait3A_38, %dma_wait3A_39] : memref<110x128xi32, #tpu.memory_space<vmem>> -> memref<110x128xi32, #tpu.memory_space<vmem>>
        %dma_wait3A_41 = arith.constant 0 : i32
        %dma_wait3A_42 = arith.constant 0 : i32
        %dma_wait3A_43 = tpu.memref_slice %arg3[%arg1, %dma_wait3A_41, %dma_wait3A_42] : memref<16x110x128xi32, #tpu.memory_space<hbm>> -> memref<1x110x128xi32, #tpu.memory_space<hbm>>
        %dma_wait3A_44 = tpu.memref_squeeze %dma_wait3A_43 : memref<1x110x128xi32, #tpu.memory_space<hbm>> -> memref<110x128xi32, #tpu.memory_space<hbm>>
        tpu.wait_dma2 semaphore(%run_scoped3A : memref<!tpu.dma_semaphore, #tpu.memory_space<semaphore_mem>>) src(%dma_wait3A_44 : memref<110x128xi32, #tpu.memory_space<hbm>>) dst(%dma_wait3A_40 : memref<110x128xi32, #tpu.memory_space<vmem>>)
        tpu.yield
      }) : () -> ()
      "tpu.region"() ({
        %run_scoped3A = tpu.sem_alloc : memref<!tpu.dma_semaphore, #tpu.memory_space<semaphore_mem>>
        %dma_start3A = arith.constant 0 : i32
        %dma_start3A_19 = arith.constant 0 : i32
        %dma_start3A_20 = tpu.memref_slice %arg11[%dma_start3A, %dma_start3A_19] : memref<110x128xi32, #tpu.memory_space<vmem>> -> memref<110x128xi32, #tpu.memory_space<vmem>>
        %dma_start3A_21 = arith.constant 0 : i32
        %dma_start3A_22 = arith.constant 0 : i32
        %dma_start3A_23 = tpu.memref_slice %arg5[%arg1, %dma_start3A_21, %dma_start3A_22] : memref<16x110x128xi32, #tpu.memory_space<hbm>> -> memref<1x110x128xi32, #tpu.memory_space<hbm>>
        %dma_start3A_24 = tpu.memref_squeeze %dma_start3A_23 : memref<1x110x128xi32, #tpu.memory_space<hbm>> -> memref<110x128xi32, #tpu.memory_space<hbm>>
        %dma_start3A_25 = arith.constant 0 : i32
        %dma_start3A_26 = arith.constant 0 : i32
        %dma_start3A_27 = tpu.memref_slice %arg11[%dma_start3A_25, %dma_start3A_26] : memref<110x128xi32, #tpu.memory_space<vmem>> -> memref<110x128xi32, #tpu.memory_space<vmem>>
        %dma_start3A_28 = arith.constant 0 : i32
        %dma_start3A_29 = arith.constant 0 : i32
        %dma_start3A_30 = tpu.memref_slice %arg5[%arg1, %dma_start3A_28, %dma_start3A_29] : memref<16x110x128xi32, #tpu.memory_space<hbm>> -> memref<1x110x128xi32, #tpu.memory_space<hbm>>
        %dma_start3A_31 = tpu.memref_squeeze %dma_start3A_30 : memref<1x110x128xi32, #tpu.memory_space<hbm>> -> memref<110x128xi32, #tpu.memory_space<hbm>>
        tpu.enqueue_dma source(%dma_start3A_31 : memref<110x128xi32, #tpu.memory_space<hbm>>) target(%dma_start3A_27 : memref<110x128xi32, #tpu.memory_space<vmem>>) target_semaphore(%run_scoped3A : memref<!tpu.dma_semaphore, #tpu.memory_space<semaphore_mem>>)
        %dma_wait3A = arith.constant 0 : i32
        %dma_wait3A_32 = arith.constant 0 : i32
        %dma_wait3A_33 = tpu.memref_slice %arg11[%dma_wait3A, %dma_wait3A_32] : memref<110x128xi32, #tpu.memory_space<vmem>> -> memref<110x128xi32, #tpu.memory_space<vmem>>
        %dma_wait3A_34 = arith.constant 0 : i32
        %dma_wait3A_35 = arith.constant 0 : i32
        %dma_wait3A_36 = tpu.memref_slice %arg5[%arg1, %dma_wait3A_34, %dma_wait3A_35] : memref<16x110x128xi32, #tpu.memory_space<hbm>> -> memref<1x110x128xi32, #tpu.memory_space<hbm>>
        %dma_wait3A_37 = tpu.memref_squeeze %dma_wait3A_36 : memref<1x110x128xi32, #tpu.memory_space<hbm>> -> memref<110x128xi32, #tpu.memory_space<hbm>>
        %dma_wait3A_38 = arith.constant 0 : i32
        %dma_wait3A_39 = arith.constant 0 : i32
        %dma_wait3A_40 = tpu.memref_slice %arg11[%dma_wait3A_38, %dma_wait3A_39] : memref<110x128xi32, #tpu.memory_space<vmem>> -> memref<110x128xi32, #tpu.memory_space<vmem>>
        %dma_wait3A_41 = arith.constant 0 : i32
        %dma_wait3A_42 = arith.constant 0 : i32
        %dma_wait3A_43 = tpu.memref_slice %arg5[%arg1, %dma_wait3A_41, %dma_wait3A_42] : memref<16x110x128xi32, #tpu.memory_space<hbm>> -> memref<1x110x128xi32, #tpu.memory_space<hbm>>
        %dma_wait3A_44 = tpu.memref_squeeze %dma_wait3A_43 : memref<1x110x128xi32, #tpu.memory_space<hbm>> -> memref<110x128xi32, #tpu.memory_space<hbm>>
        tpu.wait_dma2 semaphore(%run_scoped3A : memref<!tpu.dma_semaphore, #tpu.memory_space<semaphore_mem>>) src(%dma_wait3A_44 : memref<110x128xi32, #tpu.memory_space<hbm>>) dst(%dma_wait3A_40 : memref<110x128xi32, #tpu.memory_space<vmem>>)
        tpu.yield
      }) : () -> ()
    } else {
    }
    %eq3A_3 = arith.constant 1 : i32
    %eq3A_4 = arith.cmpi eq, %arg0, %eq3A_3 : i32
    %convert_element_type3A_5 = arith.extui %eq3A_4 : i1 to i32
    %cond3A_6 = arith.constant 0 : i32
    %cond3A_7 = arith.cmpi ne, %convert_element_type3A_5, %cond3A_6 : i32
    scf.if %cond3A_7 {
      "tpu.region"() ({
        %run_scoped3A = tpu.sem_alloc : memref<!tpu.dma_semaphore, #tpu.memory_space<semaphore_mem>>
        %dma_start3A = arith.constant 0 : i32
        %dma_start3A_19 = arith.constant 0 : i32
        %dma_start3A_20 = tpu.memref_slice %arg10[%dma_start3A, %dma_start3A_19] : memref<110x128xi32, #tpu.memory_space<vmem>> -> memref<47x128xi32, #tpu.memory_space<vmem>>
        %dma_start3A_21 = arith.constant 0 : i32
        %dma_start3A_22 = arith.constant 0 : i32
        %dma_start3A_23 = tpu.memref_slice %arg4[%arg1, %dma_start3A_21, %dma_start3A_22] : memref<16x47x128xi32, #tpu.memory_space<hbm>> -> memref<1x47x128xi32, #tpu.memory_space<hbm>>
        %dma_start3A_24 = tpu.memref_squeeze %dma_start3A_23 : memref<1x47x128xi32, #tpu.memory_space<hbm>> -> memref<47x128xi32, #tpu.memory_space<hbm>>
        %dma_start3A_25 = arith.constant 0 : i32
        %dma_start3A_26 = arith.constant 0 : i32
        %dma_start3A_27 = tpu.memref_slice %arg10[%dma_start3A_25, %dma_start3A_26] : memref<110x128xi32, #tpu.memory_space<vmem>> -> memref<47x128xi32, #tpu.memory_space<vmem>>
        %dma_start3A_28 = arith.constant 0 : i32
        %dma_start3A_29 = arith.constant 0 : i32
        %dma_start3A_30 = tpu.memref_slice %arg4[%arg1, %dma_start3A_28, %dma_start3A_29] : memref<16x47x128xi32, #tpu.memory_space<hbm>> -> memref<1x47x128xi32, #tpu.memory_space<hbm>>
        %dma_start3A_31 = tpu.memref_squeeze %dma_start3A_30 : memref<1x47x128xi32, #tpu.memory_space<hbm>> -> memref<47x128xi32, #tpu.memory_space<hbm>>
        tpu.enqueue_dma source(%dma_start3A_31 : memref<47x128xi32, #tpu.memory_space<hbm>>) target(%dma_start3A_27 : memref<47x128xi32, #tpu.memory_space<vmem>>) target_semaphore(%run_scoped3A : memref<!tpu.dma_semaphore, #tpu.memory_space<semaphore_mem>>)
        %dma_wait3A = arith.constant 0 : i32
        %dma_wait3A_32 = arith.constant 0 : i32
        %dma_wait3A_33 = tpu.memref_slice %arg10[%dma_wait3A, %dma_wait3A_32] : memref<110x128xi32, #tpu.memory_space<vmem>> -> memref<47x128xi32, #tpu.memory_space<vmem>>
        %dma_wait3A_34 = arith.constant 0 : i32
        %dma_wait3A_35 = arith.constant 0 : i32
        %dma_wait3A_36 = tpu.memref_slice %arg4[%arg1, %dma_wait3A_34, %dma_wait3A_35] : memref<16x47x128xi32, #tpu.memory_space<hbm>> -> memref<1x47x128xi32, #tpu.memory_space<hbm>>
        %dma_wait3A_37 = tpu.memref_squeeze %dma_wait3A_36 : memref<1x47x128xi32, #tpu.memory_space<hbm>> -> memref<47x128xi32, #tpu.memory_space<hbm>>
        %dma_wait3A_38 = arith.constant 0 : i32
        %dma_wait3A_39 = arith.constant 0 : i32
        %dma_wait3A_40 = tpu.memref_slice %arg10[%dma_wait3A_38, %dma_wait3A_39] : memref<110x128xi32, #tpu.memory_space<vmem>> -> memref<47x128xi32, #tpu.memory_space<vmem>>
        %dma_wait3A_41 = arith.constant 0 : i32
        %dma_wait3A_42 = arith.constant 0 : i32
        %dma_wait3A_43 = tpu.memref_slice %arg4[%arg1, %dma_wait3A_41, %dma_wait3A_42] : memref<16x47x128xi32, #tpu.memory_space<hbm>> -> memref<1x47x128xi32, #tpu.memory_space<hbm>>
        %dma_wait3A_44 = tpu.memref_squeeze %dma_wait3A_43 : memref<1x47x128xi32, #tpu.memory_space<hbm>> -> memref<47x128xi32, #tpu.memory_space<hbm>>
        tpu.wait_dma2 semaphore(%run_scoped3A : memref<!tpu.dma_semaphore, #tpu.memory_space<semaphore_mem>>) src(%dma_wait3A_44 : memref<47x128xi32, #tpu.memory_space<hbm>>) dst(%dma_wait3A_40 : memref<47x128xi32, #tpu.memory_space<vmem>>)
        tpu.yield
      }) : () -> ()
      "tpu.region"() ({
        %run_scoped3A = tpu.sem_alloc : memref<!tpu.dma_semaphore, #tpu.memory_space<semaphore_mem>>
        %dma_start3A = arith.constant 0 : i32
        %dma_start3A_19 = arith.constant 0 : i32
        %dma_start3A_20 = tpu.memref_slice %arg11[%dma_start3A, %dma_start3A_19] : memref<110x128xi32, #tpu.memory_space<vmem>> -> memref<47x128xi32, #tpu.memory_space<vmem>>
        %dma_start3A_21 = arith.constant 0 : i32
        %dma_start3A_22 = arith.constant 0 : i32
        %dma_start3A_23 = tpu.memref_slice %arg6[%arg1, %dma_start3A_21, %dma_start3A_22] : memref<16x47x128xi32, #tpu.memory_space<hbm>> -> memref<1x47x128xi32, #tpu.memory_space<hbm>>
        %dma_start3A_24 = tpu.memref_squeeze %dma_start3A_23 : memref<1x47x128xi32, #tpu.memory_space<hbm>> -> memref<47x128xi32, #tpu.memory_space<hbm>>
        %dma_start3A_25 = arith.constant 0 : i32
        %dma_start3A_26 = arith.constant 0 : i32
        %dma_start3A_27 = tpu.memref_slice %arg11[%dma_start3A_25, %dma_start3A_26] : memref<110x128xi32, #tpu.memory_space<vmem>> -> memref<47x128xi32, #tpu.memory_space<vmem>>
        %dma_start3A_28 = arith.constant 0 : i32
        %dma_start3A_29 = arith.constant 0 : i32
        %dma_start3A_30 = tpu.memref_slice %arg6[%arg1, %dma_start3A_28, %dma_start3A_29] : memref<16x47x128xi32, #tpu.memory_space<hbm>> -> memref<1x47x128xi32, #tpu.memory_space<hbm>>
        %dma_start3A_31 = tpu.memref_squeeze %dma_start3A_30 : memref<1x47x128xi32, #tpu.memory_space<hbm>> -> memref<47x128xi32, #tpu.memory_space<hbm>>
        tpu.enqueue_dma source(%dma_start3A_31 : memref<47x128xi32, #tpu.memory_space<hbm>>) target(%dma_start3A_27 : memref<47x128xi32, #tpu.memory_space<vmem>>) target_semaphore(%run_scoped3A : memref<!tpu.dma_semaphore, #tpu.memory_space<semaphore_mem>>)
        %dma_wait3A = arith.constant 0 : i32
        %dma_wait3A_32 = arith.constant 0 : i32
        %dma_wait3A_33 = tpu.memref_slice %arg11[%dma_wait3A, %dma_wait3A_32] : memref<110x128xi32, #tpu.memory_space<vmem>> -> memref<47x128xi32, #tpu.memory_space<vmem>>
        %dma_wait3A_34 = arith.constant 0 : i32
        %dma_wait3A_35 = arith.constant 0 : i32
        %dma_wait3A_36 = tpu.memref_slice %arg6[%arg1, %dma_wait3A_34, %dma_wait3A_35] : memref<16x47x128xi32, #tpu.memory_space<hbm>> -> memref<1x47x128xi32, #tpu.memory_space<hbm>>
        %dma_wait3A_37 = tpu.memref_squeeze %dma_wait3A_36 : memref<1x47x128xi32, #tpu.memory_space<hbm>> -> memref<47x128xi32, #tpu.memory_space<hbm>>
        %dma_wait3A_38 = arith.constant 0 : i32
        %dma_wait3A_39 = arith.constant 0 : i32
        %dma_wait3A_40 = tpu.memref_slice %arg11[%dma_wait3A_38, %dma_wait3A_39] : memref<110x128xi32, #tpu.memory_space<vmem>> -> memref<47x128xi32, #tpu.memory_space<vmem>>
        %dma_wait3A_41 = arith.constant 0 : i32
        %dma_wait3A_42 = arith.constant 0 : i32
        %dma_wait3A_43 = tpu.memref_slice %arg6[%arg1, %dma_wait3A_41, %dma_wait3A_42] : memref<16x47x128xi32, #tpu.memory_space<hbm>> -> memref<1x47x128xi32, #tpu.memory_space<hbm>>
        %dma_wait3A_44 = tpu.memref_squeeze %dma_wait3A_43 : memref<1x47x128xi32, #tpu.memory_space<hbm>> -> memref<47x128xi32, #tpu.memory_space<hbm>>
        tpu.wait_dma2 semaphore(%run_scoped3A : memref<!tpu.dma_semaphore, #tpu.memory_space<semaphore_mem>>) src(%dma_wait3A_44 : memref<47x128xi32, #tpu.memory_space<hbm>>) dst(%dma_wait3A_40 : memref<47x128xi32, #tpu.memory_space<vmem>>)
        tpu.yield
      }) : () -> ()
    } else {
    }
    %barrier3A = arith.constant 0 : index
    tpu.barrier barrier_id(%barrier3A)
    %eq3A_8 = arith.constant 0 : i32
    %eq3A_9 = arith.cmpi eq, %arg0, %eq3A_8 : i32
    %convert_element_type3A_10 = arith.extui %eq3A_9 : i1 to i32
    %cond3A_11 = arith.constant 0 : i32
    %cond3A_12 = arith.cmpi ne, %convert_element_type3A_10, %cond3A_11 : i32
    scf.if %cond3A_12 {
      %scan3A = arith.constant 0 : i32
      %scan3A_19 = arith.constant 0 : i32
      %scan3A_20 = arith.constant 110 : i32
      %scan3A_21 = arith.addi %scan3A_19, %scan3A_20 : i32
      %scan3A_22 = arith.constant 1 : i32
      scf.for %scan3A_24 = %scan3A_19 to %scan3A_21 step %scan3A_22  : i32 {
        %dma_start3A = arith.constant 0 : i32
        %dma_start3A_25 = tpu.memref_slice %arg10[%scan3A_24, %dma_start3A] : memref<110x128xi32, #tpu.memory_space<vmem>> -> memref<1x128xi32, #tpu.memory_space<vmem>>
        %dma_start3A_26 = tpu.memref_squeeze %dma_start3A_25 : memref<1x128xi32, #tpu.memory_space<vmem>> -> memref<128xi32, #tpu.memory_space<vmem>>
        %dma_start3A_27 = arith.constant 0 : i32
        %dma_start3A_28 = arith.constant 0 : i32
        %dma_start3A_29 = tpu.memref_slice %arg2[%dma_start3A_27, %dma_start3A_28] : memref<10240x128xf32, #tpu.memory_space<hbm>> -> memref<10240x128xf32, #tpu.memory_space<hbm>>
        tpu.enqueue_indirect_dma source(%dma_start3A_29 : memref<10240x128xf32, #tpu.memory_space<hbm>>) target(%arg12 : memref<128x128xf32, #tpu.memory_space<vmem>>) offsets(%dma_start3A_26 : memref<128xi32, #tpu.memory_space<vmem>>) semaphore(%arg13 : memref<!tpu.dma_semaphore, #tpu.memory_space<semaphore_mem>>)
        %dma_wait3A = arith.constant 0 : i32
        %dma_wait3A_30 = tpu.memref_slice %arg10[%scan3A_24, %dma_wait3A] : memref<110x128xi32, #tpu.memory_space<vmem>> -> memref<1x128xi32, #tpu.memory_space<vmem>>
        %dma_wait3A_31 = tpu.memref_squeeze %dma_wait3A_30 : memref<1x128xi32, #tpu.memory_space<vmem>> -> memref<128xi32, #tpu.memory_space<vmem>>
        %dma_wait3A_32 = arith.constant 0 : i32
        %dma_wait3A_33 = arith.constant 0 : i32
        %dma_wait3A_34 = tpu.memref_slice %arg2[%dma_wait3A_32, %dma_wait3A_33] : memref<10240x128xf32, #tpu.memory_space<hbm>> -> memref<10240x128xf32, #tpu.memory_space<hbm>>
        tpu.wait_indirect_dma semaphore(%arg13 : memref<!tpu.dma_semaphore, #tpu.memory_space<semaphore_mem>>) src(%dma_wait3A_34 : memref<10240x128xf32, #tpu.memory_space<hbm>>) dst(%arg12 : memref<128x128xf32, #tpu.memory_space<vmem>>)
        "tpu.region"() ({
          %run_scoped3A = tpu.sem_alloc : memref<!tpu.dma_semaphore, #tpu.memory_space<semaphore_mem>>
          %dma_start3A_35 = arith.constant 0 : i32
          %dma_start3A_36 = tpu.memref_slice %arg11[%scan3A_24, %dma_start3A_35] : memref<110x128xi32, #tpu.memory_space<vmem>> -> memref<1x128xi32, #tpu.memory_space<vmem>>
          %dma_start3A_37 = tpu.memref_squeeze %dma_start3A_36 : memref<1x128xi32, #tpu.memory_space<vmem>> -> memref<128xi32, #tpu.memory_space<vmem>>
          %dma_start3A_38 = arith.constant 0 : i32
          %dma_start3A_39 = arith.constant 0 : i32
          %dma_start3A_40 = tpu.memref_slice %arg9[%dma_start3A_38, %dma_start3A_39] : memref<10240x128xf32, #tpu.memory_space<vmem_shared>> -> memref<10240x128xf32, #tpu.memory_space<vmem_shared>>
          tpu.enqueue_indirect_dma source(%arg12 : memref<128x128xf32, #tpu.memory_space<vmem>>) target(%dma_start3A_40 : memref<10240x128xf32, #tpu.memory_space<vmem_shared>>) offsets(%dma_start3A_37 : memref<128xi32, #tpu.memory_space<vmem>>) semaphore(%run_scoped3A : memref<!tpu.dma_semaphore, #tpu.memory_space<semaphore_mem>>) {add = true}
          %dma_wait3A_41 = arith.constant 0 : i32
          %dma_wait3A_42 = tpu.memref_slice %arg11[%scan3A_24, %dma_wait3A_41] : memref<110x128xi32, #tpu.memory_space<vmem>> -> memref<1x128xi32, #tpu.memory_space<vmem>>
          %dma_wait3A_43 = tpu.memref_squeeze %dma_wait3A_42 : memref<1x128xi32, #tpu.memory_space<vmem>> -> memref<128xi32, #tpu.memory_space<vmem>>
          %dma_wait3A_44 = arith.constant 0 : i32
          %dma_wait3A_45 = arith.constant 0 : i32
          %dma_wait3A_46 = tpu.memref_slice %arg9[%dma_wait3A_44, %dma_wait3A_45] : memref<10240x128xf32, #tpu.memory_space<vmem_shared>> -> memref<10240x128xf32, #tpu.memory_space<vmem_shared>>
          tpu.wait_indirect_dma semaphore(%run_scoped3A : memref<!tpu.dma_semaphore, #tpu.memory_space<semaphore_mem>>) src(%arg12 : memref<128x128xf32, #tpu.memory_space<vmem>>) dst(%dma_wait3A_46 : memref<10240x128xf32, #tpu.memory_space<vmem_shared>>)
          tpu.yield
        }) : () -> ()
      }
      %scan3A_23 = arith.constant 110 : i32
    } else {
    }
    %eq3A_13 = arith.constant 1 : i32
    %eq3A_14 = arith.cmpi eq, %arg0, %eq3A_13 : i32
    %convert_element_type3A_15 = arith.extui %eq3A_14 : i1 to i32
    %cond3A_16 = arith.constant 0 : i32
    %cond3A_17 = arith.cmpi ne, %convert_element_type3A_15, %cond3A_16 : i32
    scf.if %cond3A_17 {
      %scan3A = arith.constant 0 : i32
      %scan3A_19 = arith.constant 0 : i32
      %scan3A_20 = arith.constant 47 : i32
      %scan3A_21 = arith.addi %scan3A_19, %scan3A_20 : i32
      %scan3A_22 = arith.constant 1 : i32
      scf.for %scan3A_24 = %scan3A_19 to %scan3A_21 step %scan3A_22  : i32 {
        %dma_start3A = arith.constant 0 : i32
        %dma_start3A_25 = tpu.memref_slice %arg10[%scan3A_24, %dma_start3A] : memref<110x128xi32, #tpu.memory_space<vmem>> -> memref<1x128xi32, #tpu.memory_space<vmem>>
        %dma_start3A_26 = tpu.memref_squeeze %dma_start3A_25 : memref<1x128xi32, #tpu.memory_space<vmem>> -> memref<128xi32, #tpu.memory_space<vmem>>
        %dma_start3A_27 = arith.constant 0 : i32
        %dma_start3A_28 = arith.constant 0 : i32
        %dma_start3A_29 = tpu.memref_slice %arg2[%dma_start3A_27, %dma_start3A_28] : memref<10240x128xf32, #tpu.memory_space<hbm>> -> memref<10240x128xf32, #tpu.memory_space<hbm>>
        tpu.enqueue_indirect_dma source(%dma_start3A_29 : memref<10240x128xf32, #tpu.memory_space<hbm>>) target(%arg12 : memref<128x128xf32, #tpu.memory_space<vmem>>) offsets(%dma_start3A_26 : memref<128xi32, #tpu.memory_space<vmem>>) semaphore(%arg13 : memref<!tpu.dma_semaphore, #tpu.memory_space<semaphore_mem>>)
        %dma_wait3A = arith.constant 0 : i32
        %dma_wait3A_30 = tpu.memref_slice %arg10[%scan3A_24, %dma_wait3A] : memref<110x128xi32, #tpu.memory_space<vmem>> -> memref<1x128xi32, #tpu.memory_space<vmem>>
        %dma_wait3A_31 = tpu.memref_squeeze %dma_wait3A_30 : memref<1x128xi32, #tpu.memory_space<vmem>> -> memref<128xi32, #tpu.memory_space<vmem>>
        %dma_wait3A_32 = arith.constant 0 : i32
        %dma_wait3A_33 = arith.constant 0 : i32
        %dma_wait3A_34 = tpu.memref_slice %arg2[%dma_wait3A_32, %dma_wait3A_33] : memref<10240x128xf32, #tpu.memory_space<hbm>> -> memref<10240x128xf32, #tpu.memory_space<hbm>>
        tpu.wait_indirect_dma semaphore(%arg13 : memref<!tpu.dma_semaphore, #tpu.memory_space<semaphore_mem>>) src(%dma_wait3A_34 : memref<10240x128xf32, #tpu.memory_space<hbm>>) dst(%arg12 : memref<128x128xf32, #tpu.memory_space<vmem>>)
        "tpu.region"() ({
          %run_scoped3A = tpu.sem_alloc : memref<!tpu.dma_semaphore, #tpu.memory_space<semaphore_mem>>
          %dma_start3A_35 = arith.constant 0 : i32
          %dma_start3A_36 = tpu.memref_slice %arg11[%scan3A_24, %dma_start3A_35] : memref<110x128xi32, #tpu.memory_space<vmem>> -> memref<1x128xi32, #tpu.memory_space<vmem>>
          %dma_start3A_37 = tpu.memref_squeeze %dma_start3A_36 : memref<1x128xi32, #tpu.memory_space<vmem>> -> memref<128xi32, #tpu.memory_space<vmem>>
          %dma_start3A_38 = arith.constant 0 : i32
          %dma_start3A_39 = arith.constant 0 : i32
          %dma_start3A_40 = tpu.memref_slice %arg9[%dma_start3A_38, %dma_start3A_39] : memref<10240x128xf32, #tpu.memory_space<vmem_shared>> -> memref<10240x128xf32, #tpu.memory_space<vmem_shared>>
          tpu.enqueue_indirect_dma source(%arg12 : memref<128x128xf32, #tpu.memory_space<vmem>>) target(%dma_start3A_40 : memref<10240x128xf32, #tpu.memory_space<vmem_shared>>) offsets(%dma_start3A_37 : memref<128xi32, #tpu.memory_space<vmem>>) semaphore(%run_scoped3A : memref<!tpu.dma_semaphore, #tpu.memory_space<semaphore_mem>>) {add = true}
          %dma_wait3A_41 = arith.constant 0 : i32
          %dma_wait3A_42 = tpu.memref_slice %arg11[%scan3A_24, %dma_wait3A_41] : memref<110x128xi32, #tpu.memory_space<vmem>> -> memref<1x128xi32, #tpu.memory_space<vmem>>
          %dma_wait3A_43 = tpu.memref_squeeze %dma_wait3A_42 : memref<1x128xi32, #tpu.memory_space<vmem>> -> memref<128xi32, #tpu.memory_space<vmem>>
          %dma_wait3A_44 = arith.constant 0 : i32
          %dma_wait3A_45 = arith.constant 0 : i32
          %dma_wait3A_46 = tpu.memref_slice %arg9[%dma_wait3A_44, %dma_wait3A_45] : memref<10240x128xf32, #tpu.memory_space<vmem_shared>> -> memref<10240x128xf32, #tpu.memory_space<vmem_shared>>
          tpu.wait_indirect_dma semaphore(%run_scoped3A : memref<!tpu.dma_semaphore, #tpu.memory_space<semaphore_mem>>) src(%arg12 : memref<128x128xf32, #tpu.memory_space<vmem>>) dst(%dma_wait3A_46 : memref<10240x128xf32, #tpu.memory_space<vmem_shared>>)
          tpu.yield
        }) : () -> ()
      }
      %scan3A_23 = arith.constant 47 : i32
    } else {
    }
    %barrier3A_18 = arith.constant 0 : index
    tpu.barrier barrier_id(%barrier3A_18)
    "tpu.region"() ({
      %run_scoped3A = tpu.sem_alloc : memref<!tpu.dma_semaphore, #tpu.memory_space<semaphore_mem>>
      %dma_start3A = arith.constant 0 : i32
      %dma_start3A_19 = tpu.memref_slice %arg8[%arg0, %mul3A_0, %dma_start3A] : memref<2x10240x128xf32, #tpu.memory_space<hbm>> -> memref<1x640x128xf32, #tpu.memory_space<hbm>>
      %dma_start3A_20 = tpu.memref_squeeze %dma_start3A_19 : memref<1x640x128xf32, #tpu.memory_space<hbm>> -> memref<640x128xf32, #tpu.memory_space<hbm>>
      %dma_start3A_21 = arith.constant 0 : i32
      %dma_start3A_22 = tpu.memref_slice %arg9[%mul3A_0, %dma_start3A_21] : memref<10240x128xf32, #tpu.memory_space<vmem_shared>> -> memref<640x128xf32, #tpu.memory_space<vmem_shared>>
      tpu.enqueue_dma source(%dma_start3A_22 : memref<640x128xf32, #tpu.memory_space<vmem_shared>>) target(%dma_start3A_20 : memref<640x128xf32, #tpu.memory_space<hbm>>) target_semaphore(%run_scoped3A : memref<!tpu.dma_semaphore, #tpu.memory_space<semaphore_mem>>)
      %dma_wait3A = arith.constant 0 : i32
      %dma_wait3A_23 = tpu.memref_slice %arg8[%arg0, %mul3A_0, %dma_wait3A] : memref<2x10240x128xf32, #tpu.memory_space<hbm>> -> memref<1x640x128xf32, #tpu.memory_space<hbm>>
      %dma_wait3A_24 = tpu.memref_squeeze %dma_wait3A_23 : memref<1x640x128xf32, #tpu.memory_space<hbm>> -> memref<640x128xf32, #tpu.memory_space<hbm>>
      %dma_wait3A_25 = arith.constant 0 : i32
      %dma_wait3A_26 = tpu.memref_slice %arg9[%mul3A_0, %dma_wait3A_25] : memref<10240x128xf32, #tpu.memory_space<vmem_shared>> -> memref<640x128xf32, #tpu.memory_space<vmem_shared>>
      tpu.wait_dma2 semaphore(%run_scoped3A : memref<!tpu.dma_semaphore, #tpu.memory_space<semaphore_mem>>) src(%dma_wait3A_26 : memref<640x128xf32, #tpu.memory_space<vmem_shared>>) dst(%dma_wait3A_24 : memref<640x128xf32, #tpu.memory_space<hbm>>)
      tpu.yield
    }) : () -> ()
    return
  }
}

#map = affine_map<(d0, d1) -> (0, 0, 0)>
#map1 = affine_map<(d0, d1) -> (0, 0)>
module attributes {stable_mosaic.version = 14 : i64} {
  func.func @deg_kernel(%arg0: i32, %arg1: i32, %arg2: memref<16x110x128xi32, #tpu.memory_space<hbm>>, %arg3: memref<16x47x128xi32, #tpu.memory_space<hbm>>, %arg4: memref<10240x128xf32, #tpu.memory_space<hbm>>, %arg5: memref<128x128xf32, #tpu.memory_space<hbm>>, %arg6: memref<2x10240x128xf32, #tpu.memory_space<hbm>>, %arg7: memref<10240x128xf32, #tpu.memory_space<vmem_shared>>, %arg8: memref<110x128xi32, #tpu.memory_space<vmem>>, %arg9: memref<128x128xf32, #tpu.memory_space<vmem>>) attributes {dimension_semantics = [#tpu.dimension_semantics<core_parallel>, #tpu.dimension_semantics<subcore_parallel>], iteration_bounds = array<i64: 2, 16>, scalar_prefetch = 0 : i64, scratch_operands = 3 : i64, tpu.core_type = #tpu.core_type<sc_vector_subcore>, window_params = [{transform_indices = #map}, {transform_indices = #map}, {transform_indices = #map1}, {transform_indices = #map1}, {transform_indices = #map}]} {
    %mul3A = arith.constant 640 : i32
    %mul3A_0 = arith.muli %arg1, %mul3A : i32
    "tpu.region"() ({
      %run_scoped3A = tpu.sem_alloc : memref<!tpu.dma_semaphore, #tpu.memory_space<semaphore_mem>>
      %dma_start3A = arith.constant 0 : i32
      %dma_start3A_19 = tpu.memref_slice %arg7[%mul3A_0, %dma_start3A] : memref<10240x128xf32, #tpu.memory_space<vmem_shared>> -> memref<640x128xf32, #tpu.memory_space<vmem_shared>>
      %dma_start3A_20 = arith.constant 0 : i32
      %dma_start3A_21 = tpu.memref_slice %arg4[%mul3A_0, %dma_start3A_20] : memref<10240x128xf32, #tpu.memory_space<hbm>> -> memref<640x128xf32, #tpu.memory_space<hbm>>
      tpu.enqueue_dma source(%dma_start3A_21 : memref<640x128xf32, #tpu.memory_space<hbm>>) target(%dma_start3A_19 : memref<640x128xf32, #tpu.memory_space<vmem_shared>>) target_semaphore(%run_scoped3A : memref<!tpu.dma_semaphore, #tpu.memory_space<semaphore_mem>>)
      %dma_wait3A = arith.constant 0 : i32
      %dma_wait3A_22 = tpu.memref_slice %arg7[%mul3A_0, %dma_wait3A] : memref<10240x128xf32, #tpu.memory_space<vmem_shared>> -> memref<640x128xf32, #tpu.memory_space<vmem_shared>>
      %dma_wait3A_23 = arith.constant 0 : i32
      %dma_wait3A_24 = tpu.memref_slice %arg4[%mul3A_0, %dma_wait3A_23] : memref<10240x128xf32, #tpu.memory_space<hbm>> -> memref<640x128xf32, #tpu.memory_space<hbm>>
      tpu.wait_dma2 semaphore(%run_scoped3A : memref<!tpu.dma_semaphore, #tpu.memory_space<semaphore_mem>>) src(%dma_wait3A_24 : memref<640x128xf32, #tpu.memory_space<hbm>>) dst(%dma_wait3A_22 : memref<640x128xf32, #tpu.memory_space<vmem_shared>>)
      tpu.yield
    }) : () -> ()
    %eq3A = arith.constant 0 : i32
    %eq3A_1 = arith.cmpi eq, %arg0, %eq3A : i32
    %convert_element_type3A = arith.extui %eq3A_1 : i1 to i32
    %cond3A = arith.constant 0 : i32
    %cond3A_2 = arith.cmpi ne, %convert_element_type3A, %cond3A : i32
    scf.if %cond3A_2 {
      "tpu.region"() ({
        %run_scoped3A = tpu.sem_alloc : memref<!tpu.dma_semaphore, #tpu.memory_space<semaphore_mem>>
        %dma_start3A = arith.constant 0 : i32
        %dma_start3A_19 = arith.constant 0 : i32
        %dma_start3A_20 = tpu.memref_slice %arg8[%dma_start3A, %dma_start3A_19] : memref<110x128xi32, #tpu.memory_space<vmem>> -> memref<110x128xi32, #tpu.memory_space<vmem>>
        %dma_start3A_21 = arith.constant 0 : i32
        %dma_start3A_22 = arith.constant 0 : i32
        %dma_start3A_23 = tpu.memref_slice %arg2[%arg1, %dma_start3A_21, %dma_start3A_22] : memref<16x110x128xi32, #tpu.memory_space<hbm>> -> memref<1x110x128xi32, #tpu.memory_space<hbm>>
        %dma_start3A_24 = tpu.memref_squeeze %dma_start3A_23 : memref<1x110x128xi32, #tpu.memory_space<hbm>> -> memref<110x128xi32, #tpu.memory_space<hbm>>
        %dma_start3A_25 = arith.constant 0 : i32
        %dma_start3A_26 = arith.constant 0 : i32
        %dma_start3A_27 = tpu.memref_slice %arg8[%dma_start3A_25, %dma_start3A_26] : memref<110x128xi32, #tpu.memory_space<vmem>> -> memref<110x128xi32, #tpu.memory_space<vmem>>
        %dma_start3A_28 = arith.constant 0 : i32
        %dma_start3A_29 = arith.constant 0 : i32
        %dma_start3A_30 = tpu.memref_slice %arg2[%arg1, %dma_start3A_28, %dma_start3A_29] : memref<16x110x128xi32, #tpu.memory_space<hbm>> -> memref<1x110x128xi32, #tpu.memory_space<hbm>>
        %dma_start3A_31 = tpu.memref_squeeze %dma_start3A_30 : memref<1x110x128xi32, #tpu.memory_space<hbm>> -> memref<110x128xi32, #tpu.memory_space<hbm>>
        tpu.enqueue_dma source(%dma_start3A_31 : memref<110x128xi32, #tpu.memory_space<hbm>>) target(%dma_start3A_27 : memref<110x128xi32, #tpu.memory_space<vmem>>) target_semaphore(%run_scoped3A : memref<!tpu.dma_semaphore, #tpu.memory_space<semaphore_mem>>)
        %dma_wait3A = arith.constant 0 : i32
        %dma_wait3A_32 = arith.constant 0 : i32
        %dma_wait3A_33 = tpu.memref_slice %arg8[%dma_wait3A, %dma_wait3A_32] : memref<110x128xi32, #tpu.memory_space<vmem>> -> memref<110x128xi32, #tpu.memory_space<vmem>>
        %dma_wait3A_34 = arith.constant 0 : i32
        %dma_wait3A_35 = arith.constant 0 : i32
        %dma_wait3A_36 = tpu.memref_slice %arg2[%arg1, %dma_wait3A_34, %dma_wait3A_35] : memref<16x110x128xi32, #tpu.memory_space<hbm>> -> memref<1x110x128xi32, #tpu.memory_space<hbm>>
        %dma_wait3A_37 = tpu.memref_squeeze %dma_wait3A_36 : memref<1x110x128xi32, #tpu.memory_space<hbm>> -> memref<110x128xi32, #tpu.memory_space<hbm>>
        %dma_wait3A_38 = arith.constant 0 : i32
        %dma_wait3A_39 = arith.constant 0 : i32
        %dma_wait3A_40 = tpu.memref_slice %arg8[%dma_wait3A_38, %dma_wait3A_39] : memref<110x128xi32, #tpu.memory_space<vmem>> -> memref<110x128xi32, #tpu.memory_space<vmem>>
        %dma_wait3A_41 = arith.constant 0 : i32
        %dma_wait3A_42 = arith.constant 0 : i32
        %dma_wait3A_43 = tpu.memref_slice %arg2[%arg1, %dma_wait3A_41, %dma_wait3A_42] : memref<16x110x128xi32, #tpu.memory_space<hbm>> -> memref<1x110x128xi32, #tpu.memory_space<hbm>>
        %dma_wait3A_44 = tpu.memref_squeeze %dma_wait3A_43 : memref<1x110x128xi32, #tpu.memory_space<hbm>> -> memref<110x128xi32, #tpu.memory_space<hbm>>
        tpu.wait_dma2 semaphore(%run_scoped3A : memref<!tpu.dma_semaphore, #tpu.memory_space<semaphore_mem>>) src(%dma_wait3A_44 : memref<110x128xi32, #tpu.memory_space<hbm>>) dst(%dma_wait3A_40 : memref<110x128xi32, #tpu.memory_space<vmem>>)
        tpu.yield
      }) : () -> ()
    } else {
    }
    %eq3A_3 = arith.constant 1 : i32
    %eq3A_4 = arith.cmpi eq, %arg0, %eq3A_3 : i32
    %convert_element_type3A_5 = arith.extui %eq3A_4 : i1 to i32
    %cond3A_6 = arith.constant 0 : i32
    %cond3A_7 = arith.cmpi ne, %convert_element_type3A_5, %cond3A_6 : i32
    scf.if %cond3A_7 {
      "tpu.region"() ({
        %run_scoped3A = tpu.sem_alloc : memref<!tpu.dma_semaphore, #tpu.memory_space<semaphore_mem>>
        %dma_start3A = arith.constant 0 : i32
        %dma_start3A_19 = arith.constant 0 : i32
        %dma_start3A_20 = tpu.memref_slice %arg8[%dma_start3A, %dma_start3A_19] : memref<110x128xi32, #tpu.memory_space<vmem>> -> memref<47x128xi32, #tpu.memory_space<vmem>>
        %dma_start3A_21 = arith.constant 0 : i32
        %dma_start3A_22 = arith.constant 0 : i32
        %dma_start3A_23 = tpu.memref_slice %arg3[%arg1, %dma_start3A_21, %dma_start3A_22] : memref<16x47x128xi32, #tpu.memory_space<hbm>> -> memref<1x47x128xi32, #tpu.memory_space<hbm>>
        %dma_start3A_24 = tpu.memref_squeeze %dma_start3A_23 : memref<1x47x128xi32, #tpu.memory_space<hbm>> -> memref<47x128xi32, #tpu.memory_space<hbm>>
        %dma_start3A_25 = arith.constant 0 : i32
        %dma_start3A_26 = arith.constant 0 : i32
        %dma_start3A_27 = tpu.memref_slice %arg8[%dma_start3A_25, %dma_start3A_26] : memref<110x128xi32, #tpu.memory_space<vmem>> -> memref<47x128xi32, #tpu.memory_space<vmem>>
        %dma_start3A_28 = arith.constant 0 : i32
        %dma_start3A_29 = arith.constant 0 : i32
        %dma_start3A_30 = tpu.memref_slice %arg3[%arg1, %dma_start3A_28, %dma_start3A_29] : memref<16x47x128xi32, #tpu.memory_space<hbm>> -> memref<1x47x128xi32, #tpu.memory_space<hbm>>
        %dma_start3A_31 = tpu.memref_squeeze %dma_start3A_30 : memref<1x47x128xi32, #tpu.memory_space<hbm>> -> memref<47x128xi32, #tpu.memory_space<hbm>>
        tpu.enqueue_dma source(%dma_start3A_31 : memref<47x128xi32, #tpu.memory_space<hbm>>) target(%dma_start3A_27 : memref<47x128xi32, #tpu.memory_space<vmem>>) target_semaphore(%run_scoped3A : memref<!tpu.dma_semaphore, #tpu.memory_space<semaphore_mem>>)
        %dma_wait3A = arith.constant 0 : i32
        %dma_wait3A_32 = arith.constant 0 : i32
        %dma_wait3A_33 = tpu.memref_slice %arg8[%dma_wait3A, %dma_wait3A_32] : memref<110x128xi32, #tpu.memory_space<vmem>> -> memref<47x128xi32, #tpu.memory_space<vmem>>
        %dma_wait3A_34 = arith.constant 0 : i32
        %dma_wait3A_35 = arith.constant 0 : i32
        %dma_wait3A_36 = tpu.memref_slice %arg3[%arg1, %dma_wait3A_34, %dma_wait3A_35] : memref<16x47x128xi32, #tpu.memory_space<hbm>> -> memref<1x47x128xi32, #tpu.memory_space<hbm>>
        %dma_wait3A_37 = tpu.memref_squeeze %dma_wait3A_36 : memref<1x47x128xi32, #tpu.memory_space<hbm>> -> memref<47x128xi32, #tpu.memory_space<hbm>>
        %dma_wait3A_38 = arith.constant 0 : i32
        %dma_wait3A_39 = arith.constant 0 : i32
        %dma_wait3A_40 = tpu.memref_slice %arg8[%dma_wait3A_38, %dma_wait3A_39] : memref<110x128xi32, #tpu.memory_space<vmem>> -> memref<47x128xi32, #tpu.memory_space<vmem>>
        %dma_wait3A_41 = arith.constant 0 : i32
        %dma_wait3A_42 = arith.constant 0 : i32
        %dma_wait3A_43 = tpu.memref_slice %arg3[%arg1, %dma_wait3A_41, %dma_wait3A_42] : memref<16x47x128xi32, #tpu.memory_space<hbm>> -> memref<1x47x128xi32, #tpu.memory_space<hbm>>
        %dma_wait3A_44 = tpu.memref_squeeze %dma_wait3A_43 : memref<1x47x128xi32, #tpu.memory_space<hbm>> -> memref<47x128xi32, #tpu.memory_space<hbm>>
        tpu.wait_dma2 semaphore(%run_scoped3A : memref<!tpu.dma_semaphore, #tpu.memory_space<semaphore_mem>>) src(%dma_wait3A_44 : memref<47x128xi32, #tpu.memory_space<hbm>>) dst(%dma_wait3A_40 : memref<47x128xi32, #tpu.memory_space<vmem>>)
        tpu.yield
      }) : () -> ()
    } else {
    }
    "tpu.region"() ({
      %run_scoped3A = tpu.sem_alloc : memref<!tpu.dma_semaphore, #tpu.memory_space<semaphore_mem>>
      tpu.enqueue_dma source(%arg5 : memref<128x128xf32, #tpu.memory_space<hbm>>) target(%arg9 : memref<128x128xf32, #tpu.memory_space<vmem>>) target_semaphore(%run_scoped3A : memref<!tpu.dma_semaphore, #tpu.memory_space<semaphore_mem>>)
      tpu.wait_dma2 semaphore(%run_scoped3A : memref<!tpu.dma_semaphore, #tpu.memory_space<semaphore_mem>>) src(%arg5 : memref<128x128xf32, #tpu.memory_space<hbm>>) dst(%arg9 : memref<128x128xf32, #tpu.memory_space<vmem>>)
      tpu.yield
    }) : () -> ()
    %barrier3A = arith.constant 0 : index
    tpu.barrier barrier_id(%barrier3A)
    %eq3A_8 = arith.constant 0 : i32
    %eq3A_9 = arith.cmpi eq, %arg0, %eq3A_8 : i32
    %convert_element_type3A_10 = arith.extui %eq3A_9 : i1 to i32
    %cond3A_11 = arith.constant 0 : i32
    %cond3A_12 = arith.cmpi ne, %convert_element_type3A_10, %cond3A_11 : i32
    scf.if %cond3A_12 {
      %scan3A = arith.constant 0 : i32
      %scan3A_19 = arith.constant 0 : i32
      %scan3A_20 = arith.constant 110 : i32
      %scan3A_21 = arith.addi %scan3A_19, %scan3A_20 : i32
      %scan3A_22 = arith.constant 1 : i32
      scf.for %scan3A_24 = %scan3A_19 to %scan3A_21 step %scan3A_22  : i32 {
        "tpu.region"() ({
          %run_scoped3A = tpu.sem_alloc : memref<!tpu.dma_semaphore, #tpu.memory_space<semaphore_mem>>
          %dma_start3A = arith.constant 0 : i32
          %dma_start3A_25 = tpu.memref_slice %arg8[%scan3A_24, %dma_start3A] : memref<110x128xi32, #tpu.memory_space<vmem>> -> memref<1x128xi32, #tpu.memory_space<vmem>>
          %dma_start3A_26 = tpu.memref_squeeze %dma_start3A_25 : memref<1x128xi32, #tpu.memory_space<vmem>> -> memref<128xi32, #tpu.memory_space<vmem>>
          %dma_start3A_27 = arith.constant 0 : i32
          %dma_start3A_28 = arith.constant 0 : i32
          %dma_start3A_29 = tpu.memref_slice %arg7[%dma_start3A_27, %dma_start3A_28] : memref<10240x128xf32, #tpu.memory_space<vmem_shared>> -> memref<10240x128xf32, #tpu.memory_space<vmem_shared>>
          tpu.enqueue_indirect_dma source(%arg9 : memref<128x128xf32, #tpu.memory_space<vmem>>) target(%dma_start3A_29 : memref<10240x128xf32, #tpu.memory_space<vmem_shared>>) offsets(%dma_start3A_26 : memref<128xi32, #tpu.memory_space<vmem>>) semaphore(%run_scoped3A : memref<!tpu.dma_semaphore, #tpu.memory_space<semaphore_mem>>) {add = true}
          %dma_wait3A = arith.constant 0 : i32
          %dma_wait3A_30 = tpu.memref_slice %arg8[%scan3A_24, %dma_wait3A] : memref<110x128xi32, #tpu.memory_space<vmem>> -> memref<1x128xi32, #tpu.memory_space<vmem>>
          %dma_wait3A_31 = tpu.memref_squeeze %dma_wait3A_30 : memref<1x128xi32, #tpu.memory_space<vmem>> -> memref<128xi32, #tpu.memory_space<vmem>>
          %dma_wait3A_32 = arith.constant 0 : i32
          %dma_wait3A_33 = arith.constant 0 : i32
          %dma_wait3A_34 = tpu.memref_slice %arg7[%dma_wait3A_32, %dma_wait3A_33] : memref<10240x128xf32, #tpu.memory_space<vmem_shared>> -> memref<10240x128xf32, #tpu.memory_space<vmem_shared>>
          tpu.wait_indirect_dma semaphore(%run_scoped3A : memref<!tpu.dma_semaphore, #tpu.memory_space<semaphore_mem>>) src(%arg9 : memref<128x128xf32, #tpu.memory_space<vmem>>) dst(%dma_wait3A_34 : memref<10240x128xf32, #tpu.memory_space<vmem_shared>>)
          tpu.yield
        }) : () -> ()
      }
      %scan3A_23 = arith.constant 110 : i32
    } else {
    }
    %eq3A_13 = arith.constant 1 : i32
    %eq3A_14 = arith.cmpi eq, %arg0, %eq3A_13 : i32
    %convert_element_type3A_15 = arith.extui %eq3A_14 : i1 to i32
    %cond3A_16 = arith.constant 0 : i32
    %cond3A_17 = arith.cmpi ne, %convert_element_type3A_15, %cond3A_16 : i32
    scf.if %cond3A_17 {
      %scan3A = arith.constant 0 : i32
      %scan3A_19 = arith.constant 0 : i32
      %scan3A_20 = arith.constant 47 : i32
      %scan3A_21 = arith.addi %scan3A_19, %scan3A_20 : i32
      %scan3A_22 = arith.constant 1 : i32
      scf.for %scan3A_24 = %scan3A_19 to %scan3A_21 step %scan3A_22  : i32 {
        "tpu.region"() ({
          %run_scoped3A = tpu.sem_alloc : memref<!tpu.dma_semaphore, #tpu.memory_space<semaphore_mem>>
          %dma_start3A = arith.constant 0 : i32
          %dma_start3A_25 = tpu.memref_slice %arg8[%scan3A_24, %dma_start3A] : memref<110x128xi32, #tpu.memory_space<vmem>> -> memref<1x128xi32, #tpu.memory_space<vmem>>
          %dma_start3A_26 = tpu.memref_squeeze %dma_start3A_25 : memref<1x128xi32, #tpu.memory_space<vmem>> -> memref<128xi32, #tpu.memory_space<vmem>>
          %dma_start3A_27 = arith.constant 0 : i32
          %dma_start3A_28 = arith.constant 0 : i32
          %dma_start3A_29 = tpu.memref_slice %arg7[%dma_start3A_27, %dma_start3A_28] : memref<10240x128xf32, #tpu.memory_space<vmem_shared>> -> memref<10240x128xf32, #tpu.memory_space<vmem_shared>>
          tpu.enqueue_indirect_dma source(%arg9 : memref<128x128xf32, #tpu.memory_space<vmem>>) target(%dma_start3A_29 : memref<10240x128xf32, #tpu.memory_space<vmem_shared>>) offsets(%dma_start3A_26 : memref<128xi32, #tpu.memory_space<vmem>>) semaphore(%run_scoped3A : memref<!tpu.dma_semaphore, #tpu.memory_space<semaphore_mem>>) {add = true}
          %dma_wait3A = arith.constant 0 : i32
          %dma_wait3A_30 = tpu.memref_slice %arg8[%scan3A_24, %dma_wait3A] : memref<110x128xi32, #tpu.memory_space<vmem>> -> memref<1x128xi32, #tpu.memory_space<vmem>>
          %dma_wait3A_31 = tpu.memref_squeeze %dma_wait3A_30 : memref<1x128xi32, #tpu.memory_space<vmem>> -> memref<128xi32, #tpu.memory_space<vmem>>
          %dma_wait3A_32 = arith.constant 0 : i32
          %dma_wait3A_33 = arith.constant 0 : i32
          %dma_wait3A_34 = tpu.memref_slice %arg7[%dma_wait3A_32, %dma_wait3A_33] : memref<10240x128xf32, #tpu.memory_space<vmem_shared>> -> memref<10240x128xf32, #tpu.memory_space<vmem_shared>>
          tpu.wait_indirect_dma semaphore(%run_scoped3A : memref<!tpu.dma_semaphore, #tpu.memory_space<semaphore_mem>>) src(%arg9 : memref<128x128xf32, #tpu.memory_space<vmem>>) dst(%dma_wait3A_34 : memref<10240x128xf32, #tpu.memory_space<vmem_shared>>)
          tpu.yield
        }) : () -> ()
      }
      %scan3A_23 = arith.constant 47 : i32
    } else {
    }
    %barrier3A_18 = arith.constant 0 : index
    tpu.barrier barrier_id(%barrier3A_18)
    "tpu.region"() ({
      %run_scoped3A = tpu.sem_alloc : memref<!tpu.dma_semaphore, #tpu.memory_space<semaphore_mem>>
      %dma_start3A = arith.constant 0 : i32
      %dma_start3A_19 = tpu.memref_slice %arg6[%arg0, %mul3A_0, %dma_start3A] : memref<2x10240x128xf32, #tpu.memory_space<hbm>> -> memref<1x640x128xf32, #tpu.memory_space<hbm>>
      %dma_start3A_20 = tpu.memref_squeeze %dma_start3A_19 : memref<1x640x128xf32, #tpu.memory_space<hbm>> -> memref<640x128xf32, #tpu.memory_space<hbm>>
      %dma_start3A_21 = arith.constant 0 : i32
      %dma_start3A_22 = tpu.memref_slice %arg7[%mul3A_0, %dma_start3A_21] : memref<10240x128xf32, #tpu.memory_space<vmem_shared>> -> memref<640x128xf32, #tpu.memory_space<vmem_shared>>
      tpu.enqueue_dma source(%dma_start3A_22 : memref<640x128xf32, #tpu.memory_space<vmem_shared>>) target(%dma_start3A_20 : memref<640x128xf32, #tpu.memory_space<hbm>>) target_semaphore(%run_scoped3A : memref<!tpu.dma_semaphore, #tpu.memory_space<semaphore_mem>>)
      %dma_wait3A = arith.constant 0 : i32
      %dma_wait3A_23 = tpu.memref_slice %arg6[%arg0, %mul3A_0, %dma_wait3A] : memref<2x10240x128xf32, #tpu.memory_space<hbm>> -> memref<1x640x128xf32, #tpu.memory_space<hbm>>
      %dma_wait3A_24 = tpu.memref_squeeze %dma_wait3A_23 : memref<1x640x128xf32, #tpu.memory_space<hbm>> -> memref<640x128xf32, #tpu.memory_space<hbm>>
      %dma_wait3A_25 = arith.constant 0 : i32
      %dma_wait3A_26 = tpu.memref_slice %arg7[%mul3A_0, %dma_wait3A_25] : memref<10240x128xf32, #tpu.memory_space<vmem_shared>> -> memref<640x128xf32, #tpu.memory_space<vmem_shared>>
      tpu.wait_dma2 semaphore(%run_scoped3A : memref<!tpu.dma_semaphore, #tpu.memory_space<semaphore_mem>>) src(%dma_wait3A_26 : memref<640x128xf32, #tpu.memory_space<vmem_shared>>) dst(%dma_wait3A_24 : memref<640x128xf32, #tpu.memory_space<hbm>>)
      tpu.yield
    }) : () -> ()
    return
  }
}

#map = affine_map<(d0, d1) -> (0, 0)>
#map1 = affine_map<(d0, d1) -> (0, 0, 0)>
module attributes {stable_mosaic.version = 14 : i64} {
  func.func @prop_kernel(%arg0: i32, %arg1: i32, %arg2: memref<10240x128xf32, #tpu.memory_space<hbm>>, %arg3: memref<16x110x128xi32, #tpu.memory_space<hbm>>, %arg4: memref<16x47x128xi32, #tpu.memory_space<hbm>>, %arg5: memref<16x110x128xi32, #tpu.memory_space<hbm>>, %arg6: memref<16x47x128xi32, #tpu.memory_space<hbm>>, %arg7: memref<10240x128xf32, #tpu.memory_space<hbm>>, %arg8: memref<2x10240x128xf32, #tpu.memory_space<hbm>>, %arg9: memref<10240x128xf32, #tpu.memory_space<vmem_shared>>, %arg10: memref<110x128xi32, #tpu.memory_space<vmem>>, %arg11: memref<110x128xi32, #tpu.memory_space<vmem>>, %arg12: memref<128x128xf32, #tpu.memory_space<vmem>>, %arg13: memref<!tpu.dma_semaphore, #tpu.memory_space<semaphore_mem>>) attributes {dimension_semantics = [#tpu.dimension_semantics<core_parallel>, #tpu.dimension_semantics<subcore_parallel>], iteration_bounds = array<i64: 2, 16>, scalar_prefetch = 0 : i64, scratch_operands = 5 : i64, tpu.core_type = #tpu.core_type<sc_vector_subcore>, window_params = [{transform_indices = #map}, {transform_indices = #map1}, {transform_indices = #map1}, {transform_indices = #map1}, {transform_indices = #map1}, {transform_indices = #map}, {transform_indices = #map1}]} {
    %mul3A = arith.constant 640 : i32
    %mul3A_0 = arith.muli %arg1, %mul3A : i32
    "tpu.region"() ({
      %run_scoped3A = tpu.sem_alloc : memref<!tpu.dma_semaphore, #tpu.memory_space<semaphore_mem>>
      %dma_start3A = arith.constant 0 : i32
      %dma_start3A_19 = tpu.memref_slice %arg9[%mul3A_0, %dma_start3A] : memref<10240x128xf32, #tpu.memory_space<vmem_shared>> -> memref<640x128xf32, #tpu.memory_space<vmem_shared>>
      %dma_start3A_20 = arith.constant 0 : i32
      %dma_start3A_21 = tpu.memref_slice %arg7[%mul3A_0, %dma_start3A_20] : memref<10240x128xf32, #tpu.memory_space<hbm>> -> memref<640x128xf32, #tpu.memory_space<hbm>>
      tpu.enqueue_dma source(%dma_start3A_21 : memref<640x128xf32, #tpu.memory_space<hbm>>) target(%dma_start3A_19 : memref<640x128xf32, #tpu.memory_space<vmem_shared>>) target_semaphore(%run_scoped3A : memref<!tpu.dma_semaphore, #tpu.memory_space<semaphore_mem>>)
      %dma_wait3A = arith.constant 0 : i32
      %dma_wait3A_22 = tpu.memref_slice %arg9[%mul3A_0, %dma_wait3A] : memref<10240x128xf32, #tpu.memory_space<vmem_shared>> -> memref<640x128xf32, #tpu.memory_space<vmem_shared>>
      %dma_wait3A_23 = arith.constant 0 : i32
      %dma_wait3A_24 = tpu.memref_slice %arg7[%mul3A_0, %dma_wait3A_23] : memref<10240x128xf32, #tpu.memory_space<hbm>> -> memref<640x128xf32, #tpu.memory_space<hbm>>
      tpu.wait_dma2 semaphore(%run_scoped3A : memref<!tpu.dma_semaphore, #tpu.memory_space<semaphore_mem>>) src(%dma_wait3A_24 : memref<640x128xf32, #tpu.memory_space<hbm>>) dst(%dma_wait3A_22 : memref<640x128xf32, #tpu.memory_space<vmem_shared>>)
      tpu.yield
    }) : () -> ()
    %eq3A = arith.constant 0 : i32
    %eq3A_1 = arith.cmpi eq, %arg0, %eq3A : i32
    %convert_element_type3A = arith.extui %eq3A_1 : i1 to i32
    %cond3A = arith.constant 0 : i32
    %cond3A_2 = arith.cmpi ne, %convert_element_type3A, %cond3A : i32
    scf.if %cond3A_2 {
      "tpu.region"() ({
        %run_scoped3A = tpu.sem_alloc : memref<!tpu.dma_semaphore, #tpu.memory_space<semaphore_mem>>
        %dma_start3A = arith.constant 0 : i32
        %dma_start3A_19 = arith.constant 0 : i32
        %dma_start3A_20 = tpu.memref_slice %arg10[%dma_start3A, %dma_start3A_19] : memref<110x128xi32, #tpu.memory_space<vmem>> -> memref<110x128xi32, #tpu.memory_space<vmem>>
        %dma_start3A_21 = arith.constant 0 : i32
        %dma_start3A_22 = arith.constant 0 : i32
        %dma_start3A_23 = tpu.memref_slice %arg3[%arg1, %dma_start3A_21, %dma_start3A_22] : memref<16x110x128xi32, #tpu.memory_space<hbm>> -> memref<1x110x128xi32, #tpu.memory_space<hbm>>
        %dma_start3A_24 = tpu.memref_squeeze %dma_start3A_23 : memref<1x110x128xi32, #tpu.memory_space<hbm>> -> memref<110x128xi32, #tpu.memory_space<hbm>>
        %dma_start3A_25 = arith.constant 0 : i32
        %dma_start3A_26 = arith.constant 0 : i32
        %dma_start3A_27 = tpu.memref_slice %arg10[%dma_start3A_25, %dma_start3A_26] : memref<110x128xi32, #tpu.memory_space<vmem>> -> memref<110x128xi32, #tpu.memory_space<vmem>>
        %dma_start3A_28 = arith.constant 0 : i32
        %dma_start3A_29 = arith.constant 0 : i32
        %dma_start3A_30 = tpu.memref_slice %arg3[%arg1, %dma_start3A_28, %dma_start3A_29] : memref<16x110x128xi32, #tpu.memory_space<hbm>> -> memref<1x110x128xi32, #tpu.memory_space<hbm>>
        %dma_start3A_31 = tpu.memref_squeeze %dma_start3A_30 : memref<1x110x128xi32, #tpu.memory_space<hbm>> -> memref<110x128xi32, #tpu.memory_space<hbm>>
        tpu.enqueue_dma source(%dma_start3A_31 : memref<110x128xi32, #tpu.memory_space<hbm>>) target(%dma_start3A_27 : memref<110x128xi32, #tpu.memory_space<vmem>>) target_semaphore(%run_scoped3A : memref<!tpu.dma_semaphore, #tpu.memory_space<semaphore_mem>>)
        %dma_wait3A = arith.constant 0 : i32
        %dma_wait3A_32 = arith.constant 0 : i32
        %dma_wait3A_33 = tpu.memref_slice %arg10[%dma_wait3A, %dma_wait3A_32] : memref<110x128xi32, #tpu.memory_space<vmem>> -> memref<110x128xi32, #tpu.memory_space<vmem>>
        %dma_wait3A_34 = arith.constant 0 : i32
        %dma_wait3A_35 = arith.constant 0 : i32
        %dma_wait3A_36 = tpu.memref_slice %arg3[%arg1, %dma_wait3A_34, %dma_wait3A_35] : memref<16x110x128xi32, #tpu.memory_space<hbm>> -> memref<1x110x128xi32, #tpu.memory_space<hbm>>
        %dma_wait3A_37 = tpu.memref_squeeze %dma_wait3A_36 : memref<1x110x128xi32, #tpu.memory_space<hbm>> -> memref<110x128xi32, #tpu.memory_space<hbm>>
        %dma_wait3A_38 = arith.constant 0 : i32
        %dma_wait3A_39 = arith.constant 0 : i32
        %dma_wait3A_40 = tpu.memref_slice %arg10[%dma_wait3A_38, %dma_wait3A_39] : memref<110x128xi32, #tpu.memory_space<vmem>> -> memref<110x128xi32, #tpu.memory_space<vmem>>
        %dma_wait3A_41 = arith.constant 0 : i32
        %dma_wait3A_42 = arith.constant 0 : i32
        %dma_wait3A_43 = tpu.memref_slice %arg3[%arg1, %dma_wait3A_41, %dma_wait3A_42] : memref<16x110x128xi32, #tpu.memory_space<hbm>> -> memref<1x110x128xi32, #tpu.memory_space<hbm>>
        %dma_wait3A_44 = tpu.memref_squeeze %dma_wait3A_43 : memref<1x110x128xi32, #tpu.memory_space<hbm>> -> memref<110x128xi32, #tpu.memory_space<hbm>>
        tpu.wait_dma2 semaphore(%run_scoped3A : memref<!tpu.dma_semaphore, #tpu.memory_space<semaphore_mem>>) src(%dma_wait3A_44 : memref<110x128xi32, #tpu.memory_space<hbm>>) dst(%dma_wait3A_40 : memref<110x128xi32, #tpu.memory_space<vmem>>)
        tpu.yield
      }) : () -> ()
      "tpu.region"() ({
        %run_scoped3A = tpu.sem_alloc : memref<!tpu.dma_semaphore, #tpu.memory_space<semaphore_mem>>
        %dma_start3A = arith.constant 0 : i32
        %dma_start3A_19 = arith.constant 0 : i32
        %dma_start3A_20 = tpu.memref_slice %arg11[%dma_start3A, %dma_start3A_19] : memref<110x128xi32, #tpu.memory_space<vmem>> -> memref<110x128xi32, #tpu.memory_space<vmem>>
        %dma_start3A_21 = arith.constant 0 : i32
        %dma_start3A_22 = arith.constant 0 : i32
        %dma_start3A_23 = tpu.memref_slice %arg5[%arg1, %dma_start3A_21, %dma_start3A_22] : memref<16x110x128xi32, #tpu.memory_space<hbm>> -> memref<1x110x128xi32, #tpu.memory_space<hbm>>
        %dma_start3A_24 = tpu.memref_squeeze %dma_start3A_23 : memref<1x110x128xi32, #tpu.memory_space<hbm>> -> memref<110x128xi32, #tpu.memory_space<hbm>>
        %dma_start3A_25 = arith.constant 0 : i32
        %dma_start3A_26 = arith.constant 0 : i32
        %dma_start3A_27 = tpu.memref_slice %arg11[%dma_start3A_25, %dma_start3A_26] : memref<110x128xi32, #tpu.memory_space<vmem>> -> memref<110x128xi32, #tpu.memory_space<vmem>>
        %dma_start3A_28 = arith.constant 0 : i32
        %dma_start3A_29 = arith.constant 0 : i32
        %dma_start3A_30 = tpu.memref_slice %arg5[%arg1, %dma_start3A_28, %dma_start3A_29] : memref<16x110x128xi32, #tpu.memory_space<hbm>> -> memref<1x110x128xi32, #tpu.memory_space<hbm>>
        %dma_start3A_31 = tpu.memref_squeeze %dma_start3A_30 : memref<1x110x128xi32, #tpu.memory_space<hbm>> -> memref<110x128xi32, #tpu.memory_space<hbm>>
        tpu.enqueue_dma source(%dma_start3A_31 : memref<110x128xi32, #tpu.memory_space<hbm>>) target(%dma_start3A_27 : memref<110x128xi32, #tpu.memory_space<vmem>>) target_semaphore(%run_scoped3A : memref<!tpu.dma_semaphore, #tpu.memory_space<semaphore_mem>>)
        %dma_wait3A = arith.constant 0 : i32
        %dma_wait3A_32 = arith.constant 0 : i32
        %dma_wait3A_33 = tpu.memref_slice %arg11[%dma_wait3A, %dma_wait3A_32] : memref<110x128xi32, #tpu.memory_space<vmem>> -> memref<110x128xi32, #tpu.memory_space<vmem>>
        %dma_wait3A_34 = arith.constant 0 : i32
        %dma_wait3A_35 = arith.constant 0 : i32
        %dma_wait3A_36 = tpu.memref_slice %arg5[%arg1, %dma_wait3A_34, %dma_wait3A_35] : memref<16x110x128xi32, #tpu.memory_space<hbm>> -> memref<1x110x128xi32, #tpu.memory_space<hbm>>
        %dma_wait3A_37 = tpu.memref_squeeze %dma_wait3A_36 : memref<1x110x128xi32, #tpu.memory_space<hbm>> -> memref<110x128xi32, #tpu.memory_space<hbm>>
        %dma_wait3A_38 = arith.constant 0 : i32
        %dma_wait3A_39 = arith.constant 0 : i32
        %dma_wait3A_40 = tpu.memref_slice %arg11[%dma_wait3A_38, %dma_wait3A_39] : memref<110x128xi32, #tpu.memory_space<vmem>> -> memref<110x128xi32, #tpu.memory_space<vmem>>
        %dma_wait3A_41 = arith.constant 0 : i32
        %dma_wait3A_42 = arith.constant 0 : i32
        %dma_wait3A_43 = tpu.memref_slice %arg5[%arg1, %dma_wait3A_41, %dma_wait3A_42] : memref<16x110x128xi32, #tpu.memory_space<hbm>> -> memref<1x110x128xi32, #tpu.memory_space<hbm>>
        %dma_wait3A_44 = tpu.memref_squeeze %dma_wait3A_43 : memref<1x110x128xi32, #tpu.memory_space<hbm>> -> memref<110x128xi32, #tpu.memory_space<hbm>>
        tpu.wait_dma2 semaphore(%run_scoped3A : memref<!tpu.dma_semaphore, #tpu.memory_space<semaphore_mem>>) src(%dma_wait3A_44 : memref<110x128xi32, #tpu.memory_space<hbm>>) dst(%dma_wait3A_40 : memref<110x128xi32, #tpu.memory_space<vmem>>)
        tpu.yield
      }) : () -> ()
    } else {
    }
    %eq3A_3 = arith.constant 1 : i32
    %eq3A_4 = arith.cmpi eq, %arg0, %eq3A_3 : i32
    %convert_element_type3A_5 = arith.extui %eq3A_4 : i1 to i32
    %cond3A_6 = arith.constant 0 : i32
    %cond3A_7 = arith.cmpi ne, %convert_element_type3A_5, %cond3A_6 : i32
    scf.if %cond3A_7 {
      "tpu.region"() ({
        %run_scoped3A = tpu.sem_alloc : memref<!tpu.dma_semaphore, #tpu.memory_space<semaphore_mem>>
        %dma_start3A = arith.constant 0 : i32
        %dma_start3A_19 = arith.constant 0 : i32
        %dma_start3A_20 = tpu.memref_slice %arg10[%dma_start3A, %dma_start3A_19] : memref<110x128xi32, #tpu.memory_space<vmem>> -> memref<47x128xi32, #tpu.memory_space<vmem>>
        %dma_start3A_21 = arith.constant 0 : i32
        %dma_start3A_22 = arith.constant 0 : i32
        %dma_start3A_23 = tpu.memref_slice %arg4[%arg1, %dma_start3A_21, %dma_start3A_22] : memref<16x47x128xi32, #tpu.memory_space<hbm>> -> memref<1x47x128xi32, #tpu.memory_space<hbm>>
        %dma_start3A_24 = tpu.memref_squeeze %dma_start3A_23 : memref<1x47x128xi32, #tpu.memory_space<hbm>> -> memref<47x128xi32, #tpu.memory_space<hbm>>
        %dma_start3A_25 = arith.constant 0 : i32
        %dma_start3A_26 = arith.constant 0 : i32
        %dma_start3A_27 = tpu.memref_slice %arg10[%dma_start3A_25, %dma_start3A_26] : memref<110x128xi32, #tpu.memory_space<vmem>> -> memref<47x128xi32, #tpu.memory_space<vmem>>
        %dma_start3A_28 = arith.constant 0 : i32
        %dma_start3A_29 = arith.constant 0 : i32
        %dma_start3A_30 = tpu.memref_slice %arg4[%arg1, %dma_start3A_28, %dma_start3A_29] : memref<16x47x128xi32, #tpu.memory_space<hbm>> -> memref<1x47x128xi32, #tpu.memory_space<hbm>>
        %dma_start3A_31 = tpu.memref_squeeze %dma_start3A_30 : memref<1x47x128xi32, #tpu.memory_space<hbm>> -> memref<47x128xi32, #tpu.memory_space<hbm>>
        tpu.enqueue_dma source(%dma_start3A_31 : memref<47x128xi32, #tpu.memory_space<hbm>>) target(%dma_start3A_27 : memref<47x128xi32, #tpu.memory_space<vmem>>) target_semaphore(%run_scoped3A : memref<!tpu.dma_semaphore, #tpu.memory_space<semaphore_mem>>)
        %dma_wait3A = arith.constant 0 : i32
        %dma_wait3A_32 = arith.constant 0 : i32
        %dma_wait3A_33 = tpu.memref_slice %arg10[%dma_wait3A, %dma_wait3A_32] : memref<110x128xi32, #tpu.memory_space<vmem>> -> memref<47x128xi32, #tpu.memory_space<vmem>>
        %dma_wait3A_34 = arith.constant 0 : i32
        %dma_wait3A_35 = arith.constant 0 : i32
        %dma_wait3A_36 = tpu.memref_slice %arg4[%arg1, %dma_wait3A_34, %dma_wait3A_35] : memref<16x47x128xi32, #tpu.memory_space<hbm>> -> memref<1x47x128xi32, #tpu.memory_space<hbm>>
        %dma_wait3A_37 = tpu.memref_squeeze %dma_wait3A_36 : memref<1x47x128xi32, #tpu.memory_space<hbm>> -> memref<47x128xi32, #tpu.memory_space<hbm>>
        %dma_wait3A_38 = arith.constant 0 : i32
        %dma_wait3A_39 = arith.constant 0 : i32
        %dma_wait3A_40 = tpu.memref_slice %arg10[%dma_wait3A_38, %dma_wait3A_39] : memref<110x128xi32, #tpu.memory_space<vmem>> -> memref<47x128xi32, #tpu.memory_space<vmem>>
        %dma_wait3A_41 = arith.constant 0 : i32
        %dma_wait3A_42 = arith.constant 0 : i32
        %dma_wait3A_43 = tpu.memref_slice %arg4[%arg1, %dma_wait3A_41, %dma_wait3A_42] : memref<16x47x128xi32, #tpu.memory_space<hbm>> -> memref<1x47x128xi32, #tpu.memory_space<hbm>>
        %dma_wait3A_44 = tpu.memref_squeeze %dma_wait3A_43 : memref<1x47x128xi32, #tpu.memory_space<hbm>> -> memref<47x128xi32, #tpu.memory_space<hbm>>
        tpu.wait_dma2 semaphore(%run_scoped3A : memref<!tpu.dma_semaphore, #tpu.memory_space<semaphore_mem>>) src(%dma_wait3A_44 : memref<47x128xi32, #tpu.memory_space<hbm>>) dst(%dma_wait3A_40 : memref<47x128xi32, #tpu.memory_space<vmem>>)
        tpu.yield
      }) : () -> ()
      "tpu.region"() ({
        %run_scoped3A = tpu.sem_alloc : memref<!tpu.dma_semaphore, #tpu.memory_space<semaphore_mem>>
        %dma_start3A = arith.constant 0 : i32
        %dma_start3A_19 = arith.constant 0 : i32
        %dma_start3A_20 = tpu.memref_slice %arg11[%dma_start3A, %dma_start3A_19] : memref<110x128xi32, #tpu.memory_space<vmem>> -> memref<47x128xi32, #tpu.memory_space<vmem>>
        %dma_start3A_21 = arith.constant 0 : i32
        %dma_start3A_22 = arith.constant 0 : i32
        %dma_start3A_23 = tpu.memref_slice %arg6[%arg1, %dma_start3A_21, %dma_start3A_22] : memref<16x47x128xi32, #tpu.memory_space<hbm>> -> memref<1x47x128xi32, #tpu.memory_space<hbm>>
        %dma_start3A_24 = tpu.memref_squeeze %dma_start3A_23 : memref<1x47x128xi32, #tpu.memory_space<hbm>> -> memref<47x128xi32, #tpu.memory_space<hbm>>
        %dma_start3A_25 = arith.constant 0 : i32
        %dma_start3A_26 = arith.constant 0 : i32
        %dma_start3A_27 = tpu.memref_slice %arg11[%dma_start3A_25, %dma_start3A_26] : memref<110x128xi32, #tpu.memory_space<vmem>> -> memref<47x128xi32, #tpu.memory_space<vmem>>
        %dma_start3A_28 = arith.constant 0 : i32
        %dma_start3A_29 = arith.constant 0 : i32
        %dma_start3A_30 = tpu.memref_slice %arg6[%arg1, %dma_start3A_28, %dma_start3A_29] : memref<16x47x128xi32, #tpu.memory_space<hbm>> -> memref<1x47x128xi32, #tpu.memory_space<hbm>>
        %dma_start3A_31 = tpu.memref_squeeze %dma_start3A_30 : memref<1x47x128xi32, #tpu.memory_space<hbm>> -> memref<47x128xi32, #tpu.memory_space<hbm>>
        tpu.enqueue_dma source(%dma_start3A_31 : memref<47x128xi32, #tpu.memory_space<hbm>>) target(%dma_start3A_27 : memref<47x128xi32, #tpu.memory_space<vmem>>) target_semaphore(%run_scoped3A : memref<!tpu.dma_semaphore, #tpu.memory_space<semaphore_mem>>)
        %dma_wait3A = arith.constant 0 : i32
        %dma_wait3A_32 = arith.constant 0 : i32
        %dma_wait3A_33 = tpu.memref_slice %arg11[%dma_wait3A, %dma_wait3A_32] : memref<110x128xi32, #tpu.memory_space<vmem>> -> memref<47x128xi32, #tpu.memory_space<vmem>>
        %dma_wait3A_34 = arith.constant 0 : i32
        %dma_wait3A_35 = arith.constant 0 : i32
        %dma_wait3A_36 = tpu.memref_slice %arg6[%arg1, %dma_wait3A_34, %dma_wait3A_35] : memref<16x47x128xi32, #tpu.memory_space<hbm>> -> memref<1x47x128xi32, #tpu.memory_space<hbm>>
        %dma_wait3A_37 = tpu.memref_squeeze %dma_wait3A_36 : memref<1x47x128xi32, #tpu.memory_space<hbm>> -> memref<47x128xi32, #tpu.memory_space<hbm>>
        %dma_wait3A_38 = arith.constant 0 : i32
        %dma_wait3A_39 = arith.constant 0 : i32
        %dma_wait3A_40 = tpu.memref_slice %arg11[%dma_wait3A_38, %dma_wait3A_39] : memref<110x128xi32, #tpu.memory_space<vmem>> -> memref<47x128xi32, #tpu.memory_space<vmem>>
        %dma_wait3A_41 = arith.constant 0 : i32
        %dma_wait3A_42 = arith.constant 0 : i32
        %dma_wait3A_43 = tpu.memref_slice %arg6[%arg1, %dma_wait3A_41, %dma_wait3A_42] : memref<16x47x128xi32, #tpu.memory_space<hbm>> -> memref<1x47x128xi32, #tpu.memory_space<hbm>>
        %dma_wait3A_44 = tpu.memref_squeeze %dma_wait3A_43 : memref<1x47x128xi32, #tpu.memory_space<hbm>> -> memref<47x128xi32, #tpu.memory_space<hbm>>
        tpu.wait_dma2 semaphore(%run_scoped3A : memref<!tpu.dma_semaphore, #tpu.memory_space<semaphore_mem>>) src(%dma_wait3A_44 : memref<47x128xi32, #tpu.memory_space<hbm>>) dst(%dma_wait3A_40 : memref<47x128xi32, #tpu.memory_space<vmem>>)
        tpu.yield
      }) : () -> ()
    } else {
    }
    %barrier3A = arith.constant 0 : index
    tpu.barrier barrier_id(%barrier3A)
    %eq3A_8 = arith.constant 0 : i32
    %eq3A_9 = arith.cmpi eq, %arg0, %eq3A_8 : i32
    %convert_element_type3A_10 = arith.extui %eq3A_9 : i1 to i32
    %cond3A_11 = arith.constant 0 : i32
    %cond3A_12 = arith.cmpi ne, %convert_element_type3A_10, %cond3A_11 : i32
    scf.if %cond3A_12 {
      %scan3A = arith.constant 0 : i32
      %scan3A_19 = arith.constant 0 : i32
      %scan3A_20 = arith.constant 110 : i32
      %scan3A_21 = arith.addi %scan3A_19, %scan3A_20 : i32
      %scan3A_22 = arith.constant 1 : i32
      scf.for %scan3A_24 = %scan3A_19 to %scan3A_21 step %scan3A_22  : i32 {
        %dma_start3A = arith.constant 0 : i32
        %dma_start3A_25 = tpu.memref_slice %arg10[%scan3A_24, %dma_start3A] : memref<110x128xi32, #tpu.memory_space<vmem>> -> memref<1x128xi32, #tpu.memory_space<vmem>>
        %dma_start3A_26 = tpu.memref_squeeze %dma_start3A_25 : memref<1x128xi32, #tpu.memory_space<vmem>> -> memref<128xi32, #tpu.memory_space<vmem>>
        %dma_start3A_27 = arith.constant 0 : i32
        %dma_start3A_28 = arith.constant 0 : i32
        %dma_start3A_29 = tpu.memref_slice %arg2[%dma_start3A_27, %dma_start3A_28] : memref<10240x128xf32, #tpu.memory_space<hbm>> -> memref<10240x128xf32, #tpu.memory_space<hbm>>
        tpu.enqueue_indirect_dma source(%dma_start3A_29 : memref<10240x128xf32, #tpu.memory_space<hbm>>) target(%arg12 : memref<128x128xf32, #tpu.memory_space<vmem>>) offsets(%dma_start3A_26 : memref<128xi32, #tpu.memory_space<vmem>>) semaphore(%arg13 : memref<!tpu.dma_semaphore, #tpu.memory_space<semaphore_mem>>)
        %dma_wait3A = arith.constant 0 : i32
        %dma_wait3A_30 = tpu.memref_slice %arg10[%scan3A_24, %dma_wait3A] : memref<110x128xi32, #tpu.memory_space<vmem>> -> memref<1x128xi32, #tpu.memory_space<vmem>>
        %dma_wait3A_31 = tpu.memref_squeeze %dma_wait3A_30 : memref<1x128xi32, #tpu.memory_space<vmem>> -> memref<128xi32, #tpu.memory_space<vmem>>
        %dma_wait3A_32 = arith.constant 0 : i32
        %dma_wait3A_33 = arith.constant 0 : i32
        %dma_wait3A_34 = tpu.memref_slice %arg2[%dma_wait3A_32, %dma_wait3A_33] : memref<10240x128xf32, #tpu.memory_space<hbm>> -> memref<10240x128xf32, #tpu.memory_space<hbm>>
        tpu.wait_indirect_dma semaphore(%arg13 : memref<!tpu.dma_semaphore, #tpu.memory_space<semaphore_mem>>) src(%dma_wait3A_34 : memref<10240x128xf32, #tpu.memory_space<hbm>>) dst(%arg12 : memref<128x128xf32, #tpu.memory_space<vmem>>)
        "tpu.region"() ({
          %run_scoped3A = tpu.sem_alloc : memref<!tpu.dma_semaphore, #tpu.memory_space<semaphore_mem>>
          %dma_start3A_35 = arith.constant 0 : i32
          %dma_start3A_36 = tpu.memref_slice %arg11[%scan3A_24, %dma_start3A_35] : memref<110x128xi32, #tpu.memory_space<vmem>> -> memref<1x128xi32, #tpu.memory_space<vmem>>
          %dma_start3A_37 = tpu.memref_squeeze %dma_start3A_36 : memref<1x128xi32, #tpu.memory_space<vmem>> -> memref<128xi32, #tpu.memory_space<vmem>>
          %dma_start3A_38 = arith.constant 0 : i32
          %dma_start3A_39 = arith.constant 0 : i32
          %dma_start3A_40 = tpu.memref_slice %arg9[%dma_start3A_38, %dma_start3A_39] : memref<10240x128xf32, #tpu.memory_space<vmem_shared>> -> memref<10240x128xf32, #tpu.memory_space<vmem_shared>>
          tpu.enqueue_indirect_dma source(%arg12 : memref<128x128xf32, #tpu.memory_space<vmem>>) target(%dma_start3A_40 : memref<10240x128xf32, #tpu.memory_space<vmem_shared>>) offsets(%dma_start3A_37 : memref<128xi32, #tpu.memory_space<vmem>>) semaphore(%run_scoped3A : memref<!tpu.dma_semaphore, #tpu.memory_space<semaphore_mem>>) {add = true}
          %dma_wait3A_41 = arith.constant 0 : i32
          %dma_wait3A_42 = tpu.memref_slice %arg11[%scan3A_24, %dma_wait3A_41] : memref<110x128xi32, #tpu.memory_space<vmem>> -> memref<1x128xi32, #tpu.memory_space<vmem>>
          %dma_wait3A_43 = tpu.memref_squeeze %dma_wait3A_42 : memref<1x128xi32, #tpu.memory_space<vmem>> -> memref<128xi32, #tpu.memory_space<vmem>>
          %dma_wait3A_44 = arith.constant 0 : i32
          %dma_wait3A_45 = arith.constant 0 : i32
          %dma_wait3A_46 = tpu.memref_slice %arg9[%dma_wait3A_44, %dma_wait3A_45] : memref<10240x128xf32, #tpu.memory_space<vmem_shared>> -> memref<10240x128xf32, #tpu.memory_space<vmem_shared>>
          tpu.wait_indirect_dma semaphore(%run_scoped3A : memref<!tpu.dma_semaphore, #tpu.memory_space<semaphore_mem>>) src(%arg12 : memref<128x128xf32, #tpu.memory_space<vmem>>) dst(%dma_wait3A_46 : memref<10240x128xf32, #tpu.memory_space<vmem_shared>>)
          tpu.yield
        }) : () -> ()
      }
      %scan3A_23 = arith.constant 110 : i32
    } else {
    }
    %eq3A_13 = arith.constant 1 : i32
    %eq3A_14 = arith.cmpi eq, %arg0, %eq3A_13 : i32
    %convert_element_type3A_15 = arith.extui %eq3A_14 : i1 to i32
    %cond3A_16 = arith.constant 0 : i32
    %cond3A_17 = arith.cmpi ne, %convert_element_type3A_15, %cond3A_16 : i32
    scf.if %cond3A_17 {
      %scan3A = arith.constant 0 : i32
      %scan3A_19 = arith.constant 0 : i32
      %scan3A_20 = arith.constant 47 : i32
      %scan3A_21 = arith.addi %scan3A_19, %scan3A_20 : i32
      %scan3A_22 = arith.constant 1 : i32
      scf.for %scan3A_24 = %scan3A_19 to %scan3A_21 step %scan3A_22  : i32 {
        %dma_start3A = arith.constant 0 : i32
        %dma_start3A_25 = tpu.memref_slice %arg10[%scan3A_24, %dma_start3A] : memref<110x128xi32, #tpu.memory_space<vmem>> -> memref<1x128xi32, #tpu.memory_space<vmem>>
        %dma_start3A_26 = tpu.memref_squeeze %dma_start3A_25 : memref<1x128xi32, #tpu.memory_space<vmem>> -> memref<128xi32, #tpu.memory_space<vmem>>
        %dma_start3A_27 = arith.constant 0 : i32
        %dma_start3A_28 = arith.constant 0 : i32
        %dma_start3A_29 = tpu.memref_slice %arg2[%dma_start3A_27, %dma_start3A_28] : memref<10240x128xf32, #tpu.memory_space<hbm>> -> memref<10240x128xf32, #tpu.memory_space<hbm>>
        tpu.enqueue_indirect_dma source(%dma_start3A_29 : memref<10240x128xf32, #tpu.memory_space<hbm>>) target(%arg12 : memref<128x128xf32, #tpu.memory_space<vmem>>) offsets(%dma_start3A_26 : memref<128xi32, #tpu.memory_space<vmem>>) semaphore(%arg13 : memref<!tpu.dma_semaphore, #tpu.memory_space<semaphore_mem>>)
        %dma_wait3A = arith.constant 0 : i32
        %dma_wait3A_30 = tpu.memref_slice %arg10[%scan3A_24, %dma_wait3A] : memref<110x128xi32, #tpu.memory_space<vmem>> -> memref<1x128xi32, #tpu.memory_space<vmem>>
        %dma_wait3A_31 = tpu.memref_squeeze %dma_wait3A_30 : memref<1x128xi32, #tpu.memory_space<vmem>> -> memref<128xi32, #tpu.memory_space<vmem>>
        %dma_wait3A_32 = arith.constant 0 : i32
        %dma_wait3A_33 = arith.constant 0 : i32
        %dma_wait3A_34 = tpu.memref_slice %arg2[%dma_wait3A_32, %dma_wait3A_33] : memref<10240x128xf32, #tpu.memory_space<hbm>> -> memref<10240x128xf32, #tpu.memory_space<hbm>>
        tpu.wait_indirect_dma semaphore(%arg13 : memref<!tpu.dma_semaphore, #tpu.memory_space<semaphore_mem>>) src(%dma_wait3A_34 : memref<10240x128xf32, #tpu.memory_space<hbm>>) dst(%arg12 : memref<128x128xf32, #tpu.memory_space<vmem>>)
        "tpu.region"() ({
          %run_scoped3A = tpu.sem_alloc : memref<!tpu.dma_semaphore, #tpu.memory_space<semaphore_mem>>
          %dma_start3A_35 = arith.constant 0 : i32
          %dma_start3A_36 = tpu.memref_slice %arg11[%scan3A_24, %dma_start3A_35] : memref<110x128xi32, #tpu.memory_space<vmem>> -> memref<1x128xi32, #tpu.memory_space<vmem>>
          %dma_start3A_37 = tpu.memref_squeeze %dma_start3A_36 : memref<1x128xi32, #tpu.memory_space<vmem>> -> memref<128xi32, #tpu.memory_space<vmem>>
          %dma_start3A_38 = arith.constant 0 : i32
          %dma_start3A_39 = arith.constant 0 : i32
          %dma_start3A_40 = tpu.memref_slice %arg9[%dma_start3A_38, %dma_start3A_39] : memref<10240x128xf32, #tpu.memory_space<vmem_shared>> -> memref<10240x128xf32, #tpu.memory_space<vmem_shared>>
          tpu.enqueue_indirect_dma source(%arg12 : memref<128x128xf32, #tpu.memory_space<vmem>>) target(%dma_start3A_40 : memref<10240x128xf32, #tpu.memory_space<vmem_shared>>) offsets(%dma_start3A_37 : memref<128xi32, #tpu.memory_space<vmem>>) semaphore(%run_scoped3A : memref<!tpu.dma_semaphore, #tpu.memory_space<semaphore_mem>>) {add = true}
          %dma_wait3A_41 = arith.constant 0 : i32
          %dma_wait3A_42 = tpu.memref_slice %arg11[%scan3A_24, %dma_wait3A_41] : memref<110x128xi32, #tpu.memory_space<vmem>> -> memref<1x128xi32, #tpu.memory_space<vmem>>
          %dma_wait3A_43 = tpu.memref_squeeze %dma_wait3A_42 : memref<1x128xi32, #tpu.memory_space<vmem>> -> memref<128xi32, #tpu.memory_space<vmem>>
          %dma_wait3A_44 = arith.constant 0 : i32
          %dma_wait3A_45 = arith.constant 0 : i32
          %dma_wait3A_46 = tpu.memref_slice %arg9[%dma_wait3A_44, %dma_wait3A_45] : memref<10240x128xf32, #tpu.memory_space<vmem_shared>> -> memref<10240x128xf32, #tpu.memory_space<vmem_shared>>
          tpu.wait_indirect_dma semaphore(%run_scoped3A : memref<!tpu.dma_semaphore, #tpu.memory_space<semaphore_mem>>) src(%arg12 : memref<128x128xf32, #tpu.memory_space<vmem>>) dst(%dma_wait3A_46 : memref<10240x128xf32, #tpu.memory_space<vmem_shared>>)
          tpu.yield
        }) : () -> ()
      }
      %scan3A_23 = arith.constant 47 : i32
    } else {
    }
    %barrier3A_18 = arith.constant 0 : index
    tpu.barrier barrier_id(%barrier3A_18)
    "tpu.region"() ({
      %run_scoped3A = tpu.sem_alloc : memref<!tpu.dma_semaphore, #tpu.memory_space<semaphore_mem>>
      %dma_start3A = arith.constant 0 : i32
      %dma_start3A_19 = tpu.memref_slice %arg8[%arg0, %mul3A_0, %dma_start3A] : memref<2x10240x128xf32, #tpu.memory_space<hbm>> -> memref<1x640x128xf32, #tpu.memory_space<hbm>>
      %dma_start3A_20 = tpu.memref_squeeze %dma_start3A_19 : memref<1x640x128xf32, #tpu.memory_space<hbm>> -> memref<640x128xf32, #tpu.memory_space<hbm>>
      %dma_start3A_21 = arith.constant 0 : i32
      %dma_start3A_22 = tpu.memref_slice %arg9[%mul3A_0, %dma_start3A_21] : memref<10240x128xf32, #tpu.memory_space<vmem_shared>> -> memref<640x128xf32, #tpu.memory_space<vmem_shared>>
      tpu.enqueue_dma source(%dma_start3A_22 : memref<640x128xf32, #tpu.memory_space<vmem_shared>>) target(%dma_start3A_20 : memref<640x128xf32, #tpu.memory_space<hbm>>) target_semaphore(%run_scoped3A : memref<!tpu.dma_semaphore, #tpu.memory_space<semaphore_mem>>)
      %dma_wait3A = arith.constant 0 : i32
      %dma_wait3A_23 = tpu.memref_slice %arg8[%arg0, %mul3A_0, %dma_wait3A] : memref<2x10240x128xf32, #tpu.memory_space<hbm>> -> memref<1x640x128xf32, #tpu.memory_space<hbm>>
      %dma_wait3A_24 = tpu.memref_squeeze %dma_wait3A_23 : memref<1x640x128xf32, #tpu.memory_space<hbm>> -> memref<640x128xf32, #tpu.memory_space<hbm>>
      %dma_wait3A_25 = arith.constant 0 : i32
      %dma_wait3A_26 = tpu.memref_slice %arg9[%mul3A_0, %dma_wait3A_25] : memref<10240x128xf32, #tpu.memory_space<vmem_shared>> -> memref<640x128xf32, #tpu.memory_space<vmem_shared>>
      tpu.wait_dma2 semaphore(%run_scoped3A : memref<!tpu.dma_semaphore, #tpu.memory_space<semaphore_mem>>) src(%dma_wait3A_26 : memref<640x128xf32, #tpu.memory_space<vmem_shared>>) dst(%dma_wait3A_24 : memref<640x128xf32, #tpu.memory_space<hbm>>)
      tpu.yield
    }) : () -> ()
    return
  }
}

module attributes {stable_mosaic.version = 14 : i64} {
  func.func @_tc0_body(%arg0: i32, %arg1: memref<1280x128xf32, #tpu.memory_space<vmem>>, %arg2: memref<128x128xf32, #tpu.memory_space<vmem>>, %arg3: memref<2x1280x128xf32, #tpu.memory_space<vmem>>, %arg4: memref<1280x128xf32, #tpu.memory_space<vmem>>, %arg5: memref<1280x128xf32, #tpu.memory_space<vmem>>) attributes {dimension_semantics = [#tpu.dimension_semantics<arbitrary>], iteration_bounds = array<i64: 8>, scalar_prefetch = 0 : i64, scratch_operands = 0 : i64, tpu.core_type = #tpu.core_type<tc>, window_params = [{transform_indices = @transform_0, window_bounds = array<i64: 1280, 128>}, {pipeline_mode = #tpu.pipeline_mode<synchronous>, transform_indices = @transform_1, window_bounds = array<i64: 128, 128>}, {transform_indices = @transform_2, window_bounds = array<i64: 2, 1280, 128>}, {transform_indices = @transform_3, window_bounds = array<i64: 1280, 128>}, {transform_indices = @transform_4, window_bounds = array<i64: 1280, 128>}]} {
    %get3A = arith.constant 0 : index
    %get3A_0 = arith.constant 0 : index
    %get3A_1 = arith.constant 0 : index
    %get3A_2 = vector.load %arg3[%get3A, %get3A_0, %get3A_1] : memref<2x1280x128xf32, #tpu.memory_space<vmem>>, vector<2x1280x128xf32>
    %slice3A = vector.extract_strided_slice %get3A_2 {offsets = [0, 0, 0], sizes = [1, 1280, 1], strides = [1, 1, 1]} : vector<2x1280x128xf32> to vector<1x1280x1xf32>
    %squeeze3A = vector.shape_cast %slice3A : vector<1x1280x1xf32> to vector<1280x1xf32>
    %add3A = arith.constant 1.000000e+00 : f32
    %add3A_3 = vector.broadcast %add3A : f32 to vector<1280x1xf32>
    %add3A_4 = arith.addf %add3A_3, %squeeze3A : vector<1280x1xf32>
    %slice3A_5 = vector.extract_strided_slice %get3A_2 {offsets = [1, 0, 0], sizes = [1, 1280, 1], strides = [1, 1, 1]} : vector<2x1280x128xf32> to vector<1x1280x1xf32>
    %squeeze3A_6 = vector.shape_cast %slice3A_5 : vector<1x1280x1xf32> to vector<1280x1xf32>
    %add3A_7 = arith.addf %add3A_4, %squeeze3A_6 : vector<1280x1xf32>
    %rsqrt3A = math.rsqrt %add3A_7 : vector<1280x1xf32>
    %broadcast_in_dim3A = vector.shape_cast %rsqrt3A : vector<1280x1xf32> to vector<1280x1xf32>
    %broadcast_in_dim3A_8 = vector.broadcast %broadcast_in_dim3A : vector<1280x1xf32> to vector<1280x128xf32>
    %get3A_9 = arith.constant 0 : index
    %get3A_10 = arith.constant 0 : index
    %get3A_11 = vector.load %arg1[%get3A_9, %get3A_10] : memref<1280x128xf32, #tpu.memory_space<vmem>>, vector<1280x128xf32>
    %get3A_12 = arith.constant 0 : index
    %get3A_13 = arith.constant 0 : index
    %get3A_14 = vector.load %arg2[%get3A_12, %get3A_13] : memref<128x128xf32, #tpu.memory_space<vmem>>, vector<128x128xf32>
    %dot_general3A = arith.constant dense<0.000000e+00> : vector<1280x128xf32>
    %dot_general3A_15 = tpu.matmul %get3A_11, %get3A_14, %dot_general3A {dimension_numbers = #tpu.dot_dimension_numbers<[1], [0], [0], [1], [0, 0, 1, 1], [], []>, transpose_lhs_hint = false} : vector<1280x128xf32>, vector<128x128xf32>, vector<1280x128xf32> -> vector<1280x128xf32>
    %mul3A = arith.mulf %broadcast_in_dim3A_8, %dot_general3A_15 : vector<1280x128xf32>
    %swap3A = arith.constant 0 : index
    %swap3A_16 = arith.constant 0 : index
    %swap3A_17 = vector.load %arg4[%swap3A, %swap3A_16] : memref<1280x128xf32, #tpu.memory_space<vmem>>, vector<1280x128xf32>
    tpu.vector_store %arg4[%swap3A, %swap3A_16], %mul3A {strides = array<i32>} : memref<1280x128xf32, #tpu.memory_space<vmem>>, vector<1280x128xf32>,
    %swap3A_18 = arith.constant 0 : index
    %swap3A_19 = arith.constant 0 : index
    %swap3A_20 = vector.load %arg5[%swap3A_18, %swap3A_19] : memref<1280x128xf32, #tpu.memory_space<vmem>>, vector<1280x128xf32>
    tpu.vector_store %arg5[%swap3A_18, %swap3A_19], %broadcast_in_dim3A_8 {strides = array<i32>} : memref<1280x128xf32, #tpu.memory_space<vmem>>, vector<1280x128xf32>,
    return
  }
  func.func @transform_0(%arg0: i32) -> (i32, i32) {
    %c0_i32 = arith.constant 0 : i32
    %c0_i32_0 = arith.constant 0 : i32
    return %arg0, %c0_i32 : i32, i32
  }
  func.func @transform_1(%arg0: i32) -> (i32, i32) {
    %c0_i32 = arith.constant 0 : i32
    %c0_i32_0 = arith.constant 0 : i32
    %c0_i32_1 = arith.constant 0 : i32
    return %c0_i32, %c0_i32_0 : i32, i32
  }
  func.func @transform_2(%arg0: i32) -> (i32, i32, i32) {
    %c0_i32 = arith.constant 0 : i32
    %c0_i32_0 = arith.constant 0 : i32
    %c0_i32_1 = arith.constant 0 : i32
    return %c0_i32, %arg0, %c0_i32_0 : i32, i32, i32
  }
  func.func @transform_3(%arg0: i32) -> (i32, i32) {
    %c0_i32 = arith.constant 0 : i32
    %c0_i32_0 = arith.constant 0 : i32
    return %arg0, %c0_i32 : i32, i32
  }
  func.func @transform_4(%arg0: i32) -> (i32, i32) {
    %c0_i32 = arith.constant 0 : i32
    %c0_i32_0 = arith.constant 0 : i32
    return %arg0, %c0_i32 : i32, i32
  }
}

module attributes {stable_mosaic.version = 14 : i64} {
  func.func @_tc_mid_body(%arg0: i32, %arg1: memref<1280x128xf32, #tpu.memory_space<vmem>>, %arg2: memref<2x1280x128xf32, #tpu.memory_space<vmem>>, %arg3: memref<1280x128xf32, #tpu.memory_space<vmem>>, %arg4: memref<1x128xf32, #tpu.memory_space<vmem>>, %arg5: memref<128x128xf32, #tpu.memory_space<vmem>>, %arg6: memref<1280x128xf32, #tpu.memory_space<vmem>>) attributes {dimension_semantics = [#tpu.dimension_semantics<arbitrary>], iteration_bounds = array<i64: 8>, scalar_prefetch = 0 : i64, scratch_operands = 0 : i64, tpu.core_type = #tpu.core_type<tc>, window_params = [{transform_indices = @transform_0, window_bounds = array<i64: 1280, 128>}, {transform_indices = @transform_1, window_bounds = array<i64: 2, 1280, 128>}, {transform_indices = @transform_2, window_bounds = array<i64: 1280, 128>}, {pipeline_mode = #tpu.pipeline_mode<synchronous>, transform_indices = @transform_3, window_bounds = array<i64: 1, 128>}, {pipeline_mode = #tpu.pipeline_mode<synchronous>, transform_indices = @transform_4, window_bounds = array<i64: 128, 128>}, {transform_indices = @transform_5, window_bounds = array<i64: 1280, 128>}]} {
    %get3A = arith.constant 0 : index
    %get3A_0 = arith.constant 0 : index
    %get3A_1 = vector.load %arg1[%get3A, %get3A_0] : memref<1280x128xf32, #tpu.memory_space<vmem>>, vector<1280x128xf32>
    %get3A_2 = arith.constant 0 : index
    %get3A_3 = arith.constant 0 : index
    %get3A_4 = arith.constant 0 : index
    %get3A_5 = vector.load %arg2[%get3A_2, %get3A_3, %get3A_4] : memref<2x1280x128xf32, #tpu.memory_space<vmem>>, vector<1x1280x128xf32>
    %get3A_6 = vector.shape_cast %get3A_5 : vector<1x1280x128xf32> to vector<1280x128xf32>
    %add3A = arith.addf %get3A_1, %get3A_6 : vector<1280x128xf32>
    %get3A_7 = arith.constant 1 : index
    %get3A_8 = arith.constant 0 : index
    %get3A_9 = arith.constant 0 : index
    %get3A_10 = vector.load %arg2[%get3A_7, %get3A_8, %get3A_9] : memref<2x1280x128xf32, #tpu.memory_space<vmem>>, vector<1x1280x128xf32>
    %get3A_11 = vector.shape_cast %get3A_10 : vector<1x1280x128xf32> to vector<1280x128xf32>
    %add3A_12 = arith.addf %add3A, %get3A_11 : vector<1280x128xf32>
    %get3A_13 = arith.constant 0 : index
    %get3A_14 = arith.constant 0 : index
    %get3A_15 = vector.load %arg3[%get3A_13, %get3A_14] : memref<1280x128xf32, #tpu.memory_space<vmem>>, vector<1280x128xf32>
    %mul3A = arith.mulf %get3A_15, %add3A_12 : vector<1280x128xf32>
    %get3A_16 = arith.constant 0 : index
    %get3A_17 = arith.constant 0 : index
    %get3A_18 = vector.load %arg4[%get3A_16, %get3A_17] : memref<1x128xf32, #tpu.memory_space<vmem>>, vector<1x128xf32>
    %add3A_19 = vector.broadcast %get3A_18 : vector<1x128xf32> to vector<1280x128xf32>
    %add3A_20 = arith.addf %mul3A, %add3A_19 : vector<1280x128xf32>
    %tanh3A = math.tanh %add3A_20 : vector<1280x128xf32>
    %get3A_21 = arith.constant 0 : index
    %get3A_22 = arith.constant 0 : index
    %get3A_23 = vector.load %arg3[%get3A_21, %get3A_22] : memref<1280x128xf32, #tpu.memory_space<vmem>>, vector<1280x128xf32>
    %get3A_24 = arith.constant 0 : index
    %get3A_25 = arith.constant 0 : index
    %get3A_26 = vector.load %arg5[%get3A_24, %get3A_25] : memref<128x128xf32, #tpu.memory_space<vmem>>, vector<128x128xf32>
    %dot_general3A = arith.constant dense<0.000000e+00> : vector<1280x128xf32>
    %dot_general3A_27 = tpu.matmul %tanh3A, %get3A_26, %dot_general3A {dimension_numbers = #tpu.dot_dimension_numbers<[1], [0], [0], [1], [0, 0, 1, 1], [], []>, transpose_lhs_hint = false} : vector<1280x128xf32>, vector<128x128xf32>, vector<1280x128xf32> -> vector<1280x128xf32>
    %mul3A_28 = arith.mulf %get3A_23, %dot_general3A_27 : vector<1280x128xf32>
    %swap3A = arith.constant 0 : index
    %swap3A_29 = arith.constant 0 : index
    %swap3A_30 = vector.load %arg6[%swap3A, %swap3A_29] : memref<1280x128xf32, #tpu.memory_space<vmem>>, vector<1280x128xf32>
    tpu.vector_store %arg6[%swap3A, %swap3A_29], %mul3A_28 {strides = array<i32>} : memref<1280x128xf32, #tpu.memory_space<vmem>>, vector<1280x128xf32>,
    return
  }
  func.func @transform_0(%arg0: i32) -> (i32, i32) {
    %c0_i32 = arith.constant 0 : i32
    %c0_i32_0 = arith.constant 0 : i32
    return %arg0, %c0_i32 : i32, i32
  }
  func.func @transform_1(%arg0: i32) -> (i32, i32, i32) {
    %c0_i32 = arith.constant 0 : i32
    %c0_i32_0 = arith.constant 0 : i32
    %c0_i32_1 = arith.constant 0 : i32
    return %c0_i32, %arg0, %c0_i32_0 : i32, i32, i32
  }
  func.func @transform_2(%arg0: i32) -> (i32, i32) {
    %c0_i32 = arith.constant 0 : i32
    %c0_i32_0 = arith.constant 0 : i32
    return %arg0, %c0_i32 : i32, i32
  }
  func.func @transform_3(%arg0: i32) -> (i32, i32) {
    %c0_i32 = arith.constant 0 : i32
    %c0_i32_0 = arith.constant 0 : i32
    %c0_i32_1 = arith.constant 0 : i32
    return %c0_i32, %c0_i32_0 : i32, i32
  }
  func.func @transform_4(%arg0: i32) -> (i32, i32) {
    %c0_i32 = arith.constant 0 : i32
    %c0_i32_0 = arith.constant 0 : i32
    %c0_i32_1 = arith.constant 0 : i32
    return %c0_i32, %c0_i32_0 : i32, i32
  }
  func.func @transform_5(%arg0: i32) -> (i32, i32) {
    %c0_i32 = arith.constant 0 : i32
    %c0_i32_0 = arith.constant 0 : i32
    return %arg0, %c0_i32 : i32, i32
  }
}

module attributes {stable_mosaic.version = 14 : i64} {
  func.func @_tc_fin_body(%arg0: i32, %arg1: memref<1280x128xf32, #tpu.memory_space<vmem>>, %arg2: memref<2x1280x128xf32, #tpu.memory_space<vmem>>, %arg3: memref<1280x128xf32, #tpu.memory_space<vmem>>, %arg4: memref<1x128xf32, #tpu.memory_space<vmem>>, %arg5: memref<128x128xf32, #tpu.memory_space<vmem>>, %arg6: memref<1x128xf32, #tpu.memory_space<vmem>>, %arg7: memref<128x64xf32, #tpu.memory_space<vmem>>, %arg8: memref<1x64xf32, #tpu.memory_space<vmem>>, %arg9: memref<1280x128xf32, #tpu.memory_space<vmem>>, %arg10: memref<1280x64xf32, #tpu.memory_space<vmem>>) attributes {dimension_semantics = [#tpu.dimension_semantics<arbitrary>], iteration_bounds = array<i64: 8>, scalar_prefetch = 0 : i64, scratch_operands = 0 : i64, tpu.core_type = #tpu.core_type<tc>, window_params = [{transform_indices = @transform_0, window_bounds = array<i64: 1280, 128>}, {transform_indices = @transform_1, window_bounds = array<i64: 2, 1280, 128>}, {transform_indices = @transform_2, window_bounds = array<i64: 1280, 128>}, {pipeline_mode = #tpu.pipeline_mode<synchronous>, transform_indices = @transform_3, window_bounds = array<i64: 1, 128>}, {pipeline_mode = #tpu.pipeline_mode<synchronous>, transform_indices = @transform_4, window_bounds = array<i64: 128, 128>}, {pipeline_mode = #tpu.pipeline_mode<synchronous>, transform_indices = @transform_5, window_bounds = array<i64: 1, 128>}, {pipeline_mode = #tpu.pipeline_mode<synchronous>, transform_indices = @transform_6, window_bounds = array<i64: 128, 64>}, {pipeline_mode = #tpu.pipeline_mode<synchronous>, transform_indices = @transform_7, window_bounds = array<i64: 1, 64>}, {transform_indices = @transform_8, window_bounds = array<i64: 1280, 128>}, {transform_indices = @transform_9, window_bounds = array<i64: 1280, 64>}]} {
    %get3A = arith.constant 0 : index
    %get3A_0 = arith.constant 0 : index
    %get3A_1 = vector.load %arg1[%get3A, %get3A_0] : memref<1280x128xf32, #tpu.memory_space<vmem>>, vector<1280x128xf32>
    %get3A_2 = arith.constant 0 : index
    %get3A_3 = arith.constant 0 : index
    %get3A_4 = arith.constant 0 : index
    %get3A_5 = vector.load %arg2[%get3A_2, %get3A_3, %get3A_4] : memref<2x1280x128xf32, #tpu.memory_space<vmem>>, vector<1x1280x128xf32>
    %get3A_6 = vector.shape_cast %get3A_5 : vector<1x1280x128xf32> to vector<1280x128xf32>
    %add3A = arith.addf %get3A_1, %get3A_6 : vector<1280x128xf32>
    %get3A_7 = arith.constant 1 : index
    %get3A_8 = arith.constant 0 : index
    %get3A_9 = arith.constant 0 : index
    %get3A_10 = vector.load %arg2[%get3A_7, %get3A_8, %get3A_9] : memref<2x1280x128xf32, #tpu.memory_space<vmem>>, vector<1x1280x128xf32>
    %get3A_11 = vector.shape_cast %get3A_10 : vector<1x1280x128xf32> to vector<1280x128xf32>
    %add3A_12 = arith.addf %add3A, %get3A_11 : vector<1280x128xf32>
    %get3A_13 = arith.constant 0 : index
    %get3A_14 = arith.constant 0 : index
    %get3A_15 = vector.load %arg3[%get3A_13, %get3A_14] : memref<1280x128xf32, #tpu.memory_space<vmem>>, vector<1280x128xf32>
    %mul3A = arith.mulf %get3A_15, %add3A_12 : vector<1280x128xf32>
    %get3A_16 = arith.constant 0 : index
    %get3A_17 = arith.constant 0 : index
    %get3A_18 = vector.load %arg4[%get3A_16, %get3A_17] : memref<1x128xf32, #tpu.memory_space<vmem>>, vector<1x128xf32>
    %add3A_19 = vector.broadcast %get3A_18 : vector<1x128xf32> to vector<1280x128xf32>
    %add3A_20 = arith.addf %mul3A, %add3A_19 : vector<1280x128xf32>
    %swap3A = arith.constant 0 : index
    %swap3A_21 = arith.constant 0 : index
    %swap3A_22 = vector.load %arg9[%swap3A, %swap3A_21] : memref<1280x128xf32, #tpu.memory_space<vmem>>, vector<1280x128xf32>
    tpu.vector_store %arg9[%swap3A, %swap3A_21], %add3A_20 {strides = array<i32>} : memref<1280x128xf32, #tpu.memory_space<vmem>>, vector<1280x128xf32>,
    %tanh3A = math.tanh %add3A_20 : vector<1280x128xf32>
    %get3A_23 = arith.constant 0 : index
    %get3A_24 = arith.constant 0 : index
    %get3A_25 = vector.load %arg5[%get3A_23, %get3A_24] : memref<128x128xf32, #tpu.memory_space<vmem>>, vector<128x128xf32>
    %dot_general3A = arith.constant dense<0.000000e+00> : vector<1280x128xf32>
    %dot_general3A_26 = tpu.matmul %tanh3A, %get3A_25, %dot_general3A {dimension_numbers = #tpu.dot_dimension_numbers<[1], [0], [0], [1], [0, 0, 1, 1], [], []>, transpose_lhs_hint = false} : vector<1280x128xf32>, vector<128x128xf32>, vector<1280x128xf32> -> vector<1280x128xf32>
    %get3A_27 = arith.constant 0 : index
    %get3A_28 = arith.constant 0 : index
    %get3A_29 = vector.load %arg6[%get3A_27, %get3A_28] : memref<1x128xf32, #tpu.memory_space<vmem>>, vector<1x128xf32>
    %add3A_30 = vector.broadcast %get3A_29 : vector<1x128xf32> to vector<1280x128xf32>
    %add3A_31 = arith.addf %dot_general3A_26, %add3A_30 : vector<1280x128xf32>
    %get3A_32 = arith.constant 0 : index
    %get3A_33 = arith.constant 0 : index
    %get3A_34 = vector.load %arg7[%get3A_32, %get3A_33] : memref<128x64xf32, #tpu.memory_space<vmem>>, vector<128x64xf32>
    %dot_general3A_35 = arith.constant dense<0.000000e+00> : vector<1280x64xf32>
    %dot_general3A_36 = tpu.matmul %add3A_31, %get3A_34, %dot_general3A_35 {dimension_numbers = #tpu.dot_dimension_numbers<[1], [0], [0], [1], [0, 0, 1, 1], [], []>, transpose_lhs_hint = false} : vector<1280x128xf32>, vector<128x64xf32>, vector<1280x64xf32> -> vector<1280x64xf32>
    %get3A_37 = arith.constant 0 : index
    %get3A_38 = arith.constant 0 : index
    %get3A_39 = vector.load %arg8[%get3A_37, %get3A_38] : memref<1x64xf32, #tpu.memory_space<vmem>>, vector<1x64xf32>
    %add3A_40 = vector.broadcast %get3A_39 : vector<1x64xf32> to vector<1280x64xf32>
    %add3A_41 = arith.addf %dot_general3A_36, %add3A_40 : vector<1280x64xf32>
    %reduce_max3A = arith.constant dense<0xFF800000> : vector<1280xf32>
    %reduce_max3A_42 = vector.multi_reduction <maximumf>, %add3A_41, %reduce_max3A [1] : vector<1280x64xf32> to vector<1280xf32>
    %broadcast_in_dim3A = vector.shape_cast %reduce_max3A_42 : vector<1280xf32> to vector<1280x1xf32>
    %sub3A = vector.broadcast %broadcast_in_dim3A : vector<1280x1xf32> to vector<1280x64xf32>
    %sub3A_43 = arith.subf %add3A_41, %sub3A : vector<1280x64xf32>
    %exp3A = math.exp %sub3A_43 : vector<1280x64xf32>
    %reduce_sum3A = arith.constant dense<0.000000e+00> : vector<1280xf32>
    %reduce_sum3A_44 = vector.multi_reduction <add>, %exp3A, %reduce_sum3A [1] : vector<1280x64xf32> to vector<1280xf32>
    %broadcast_in_dim3A_45 = vector.shape_cast %reduce_sum3A_44 : vector<1280xf32> to vector<1280x1xf32>
    %log3A = math.log %broadcast_in_dim3A_45 : vector<1280x1xf32>
    %sub3A_46 = vector.broadcast %log3A : vector<1280x1xf32> to vector<1280x64xf32>
    %sub3A_47 = arith.subf %sub3A_43, %sub3A_46 : vector<1280x64xf32>
    %swap3A_48 = arith.constant 0 : index
    %swap3A_49 = arith.constant 0 : index
    %swap3A_50 = vector.load %arg10[%swap3A_48, %swap3A_49] : memref<1280x64xf32, #tpu.memory_space<vmem>>, vector<1280x64xf32>
    tpu.vector_store %arg10[%swap3A_48, %swap3A_49], %sub3A_47 {strides = array<i32>} : memref<1280x64xf32, #tpu.memory_space<vmem>>, vector<1280x64xf32>,
    return
  }
  func.func @transform_0(%arg0: i32) -> (i32, i32) {
    %c0_i32 = arith.constant 0 : i32
    %c0_i32_0 = arith.constant 0 : i32
    return %arg0, %c0_i32 : i32, i32
  }
  func.func @transform_1(%arg0: i32) -> (i32, i32, i32) {
    %c0_i32 = arith.constant 0 : i32
    %c0_i32_0 = arith.constant 0 : i32
    %c0_i32_1 = arith.constant 0 : i32
    return %c0_i32, %arg0, %c0_i32_0 : i32, i32, i32
  }
  func.func @transform_2(%arg0: i32) -> (i32, i32) {
    %c0_i32 = arith.constant 0 : i32
    %c0_i32_0 = arith.constant 0 : i32
    return %arg0, %c0_i32 : i32, i32
  }
  func.func @transform_3(%arg0: i32) -> (i32, i32) {
    %c0_i32 = arith.constant 0 : i32
    %c0_i32_0 = arith.constant 0 : i32
    %c0_i32_1 = arith.constant 0 : i32
    return %c0_i32, %c0_i32_0 : i32, i32
  }
  func.func @transform_4(%arg0: i32) -> (i32, i32) {
    %c0_i32 = arith.constant 0 : i32
    %c0_i32_0 = arith.constant 0 : i32
    %c0_i32_1 = arith.constant 0 : i32
    return %c0_i32, %c0_i32_0 : i32, i32
  }
  func.func @transform_5(%arg0: i32) -> (i32, i32) {
    %c0_i32 = arith.constant 0 : i32
    %c0_i32_0 = arith.constant 0 : i32
    %c0_i32_1 = arith.constant 0 : i32
    return %c0_i32, %c0_i32_0 : i32, i32
  }
  func.func @transform_6(%arg0: i32) -> (i32, i32) {
    %c0_i32 = arith.constant 0 : i32
    %c0_i32_0 = arith.constant 0 : i32
    %c0_i32_1 = arith.constant 0 : i32
    return %c0_i32, %c0_i32_0 : i32, i32
  }
  func.func @transform_7(%arg0: i32) -> (i32, i32) {
    %c0_i32 = arith.constant 0 : i32
    %c0_i32_0 = arith.constant 0 : i32
    %c0_i32_1 = arith.constant 0 : i32
    return %c0_i32, %c0_i32_0 : i32, i32
  }
  func.func @transform_8(%arg0: i32) -> (i32, i32) {
    %c0_i32 = arith.constant 0 : i32
    %c0_i32_0 = arith.constant 0 : i32
    return %arg0, %c0_i32 : i32, i32
  }
  func.func @transform_9(%arg0: i32) -> (i32, i32) {
    %c0_i32 = arith.constant 0 : i32
    %c0_i32_0 = arith.constant 0 : i32
    return %arg0, %c0_i32 : i32, i32
  }
}

</mosaic_0001>

<sc_bundles>
// kernel: kernel.10.cloned.1.call-start
scs
__scs_entry_jumppad:
0x0: {  	(pc) =	sbr.rel $0x88, $3  }
0x1: {  	(tag) =	ssettag $0x0;
	lr =	simm.s32 $0x1  }
0x2: {  	[smem:$0x3F95] =	sst lr;
	_ =	strace $0xD0000000  }
0x3: {  	_ = 	snop  }
0x4: {  	_ = 	snop  }
0x5: {  	_ = 	snop  }
0x6: {  	_ = 	snop  }
0x7: {  	_ = 	snop  }
__scs_overlays_trampoline_lowered:
0x8: {  	[smem:$0x3FA4] =	sst s0  }
0x9: {  	[smem:$0x3FA5] =	sst s1  }
0xa: {  	[smem:$0x3FA6] =	sst s2  }
0xb: {  	[smem:$0x3FA7] =	sst s3  }
0xc: {  	[smem:$0x3FA8] =	sst s4  }
0xd: {  	[smem:$0x3FA9] =	sst s5  }
0xe: {  	[smem:$0x3FAA] =	sst s6  }
0xf: {  	[smem:$0x3FAB] =	sst s7  }
0x10: {  	[smem:$0x3FAC] =	sst s8  }
0x11: {  	[smem:$0x3FAD] =	sst s9;
	s0 =	simm.s32 @!p0 $0x0  }
0x12: {  	s1 =	sld [smem:$0x3F93];
	s0 =	simm.s32 @p0 $0x1  }
0x13: {  	[smem:$0x3FAE] =	sst s0;
	s0 =	simm.s32 @!p1 $0x0  }
0x14: {  	s2 =	sld [smem:$0x3F92];
	s0 =	simm.s32 @p1 $0x1  }
0x15: {  	[smem:$0x3FAF] =	sst s0;
	s0 =	simm.s32 @!p2 $0x0  }
0x16: {  	s3 =	sld [smem:$0x3FDB];
	s0 =	simm.s32 @p2 $0x1  }
0x17: {  	s4 =	simm.s32 $0x1BF5;
	[smem:$0x3FB1] =	sst s0  }
0x18: {  	s0 =	sld [smem:$0x3F94];
	_ =	swait.ge [sflag:s4], $0x0  }
0x19: {  	s7 =	sld [smem:$0x3F95]  }
0x1a: {  	s8 =	sadd.s32 $0xFFFFE003, lr  }
0x1b: {  	s9 =	sadd.s32 $0xFFFFFEF7, lr;
	s5 =	simm.s32 $0xFFFFFFFF;
	p2 =	slt.u32 s8, $0xFFFFF086  }
0x1c: {  	p1 =	slt.u32 s9, $0xF7A;
	s5 =	simm.s32 @!p2 $0x0  }
0x1d: {  	s5 =	simm.s32 @p1 $0x1;
	p0 =	seq.s32 s7, s2  }
0x1e: {  	s7 =	smul.u32 @!p0 $0xF7A, s2;
	p2 =	seq.s32 @!p0 s5, $0x0  }
0x1f: {  	s9 =	smul.u32 $0xF7A, s1;
	s8 =	simm.s32 @!p0 $0x1BF5;
	p2 =	por !p2, p0  }
0x20: {  	[sflag:s8] =	ssyncset.s32 @!p0 $0xFFFFF086;
	s6 =	sadd.s32 @!p0 s3, s7;
	s7 =	simm.s32 @!p0 $0x108  }
0x21: {  	s3 =	sadd.s32 s3, s9;
	s6 =	sadd.s32 @!p0 $0x88, s6;
	s7 =	simm.s32 @p2 $0x1082  }
0x22: {  	[simem:s7], [sflag:s8] =	dma.local @!p0 [hbm:s6], $0xF7A  }
0x23: {  	s9 =	sor.u32 $0xD0000000, s2;
	s6 =	simm.s32 $0x108;
	_ =	swait.ge @!p0 [sflag:s8], $0x0  }
0x24: {  	s3 =	sadd.s32 $0x88, s3;
	s6 =	simm.s32 @!p1 $0x1082;
	[sflag:s4] =	ssyncset.s32 $0xFFFFF086  }
0x25: {  	[simem:s6], [sflag:s4] =	dma.local [hbm:s3], $0xF7A  }
0x26: {  	[smem:$0x3F95] =	sst s1;
	(tag) =	ssettag s2;
	_ =	strace s9  }
0x27: {  	s1 =	sld [smem:$0x3FA5]  }
0x28: {  	s2 =	sld [smem:$0x3FA6]  }
0x29: {  	s4 =	sld [smem:$0x3FA8]  }
0x2a: {  	p0 =	seq.s32 s5, $0x0;
	s5 =	sld [smem:$0x3FA9]  }
0x2b: {  	s6 =	sld [smem:$0x3FAA]  }
0x2c: {  	s7 =	sld [smem:$0x3FAB]  }
0x2d: {  	s3 =	simm.s32 $0x108;
	s8 =	sld [smem:$0x3FAC]  }
0x2e: {  	s3 =	simm.s32 @!p0 $0x1082;
	s9 =	sld [smem:$0x3FAD]  }
0x2f: {  	lr =	sadd.s32 s0, s3;
	s0 =	sld [smem:$0x3FA4]  }
0x30: {  	s3 =	sld [smem:$0x3FA7]  }
0x31: {  	[smem:$0x3FB0] =	sst s10  }
0x32: {  	s10 =	sld [smem:$0x3FAE];
	_ =	sdelay $0x3  }
0x33: {  	p0 =	seq.s32 s10, $0x1;
	s10 =	sld [smem:$0x3FB0];
	_ =	sdelay $0x3  }
0x34: {  	[smem:$0x3FB0] =	sst s10  }
0x35: {  	s10 =	sld [smem:$0x3FAF];
	_ =	sdelay $0x3  }
0x36: {  	p1 =	seq.s32 s10, $0x1;
	s10 =	sld [smem:$0x3FB0];
	_ =	sdelay $0x3  }
0x37: {  	[smem:$0x3FB0] =	sst s10  }
0x38: {  	s10 =	sld [smem:$0x3FB1]  }
0x39: {  	_ = 	snop;
	(pc) =	sbr.ind lr, $3  }
0x3a: {  	_ = 	snop  }
0x3b: {  	_ = 	snop  }
0x3c: {  	p2 =	seq.s32 s10, $0x1;
	s10 =	sld [smem:$0x3FB0]  }
0x3d: {  	_ =	shalt  }
0x3e: {  	_ =	shalt  }
0x3f: {  	_ =	shalt  }
0x40: {  	_ =	shalt  }
0x41: {  	_ =	shalt  }
0x42: {  	_ =	shalt  }
0x43: {  	_ =	shalt  }
0x44: {  	_ =	shalt  }
0x45: {  	_ =	shalt  }
0x46: {  	_ =	shalt  }
0x47: {  	_ =	shalt  }
0x48: {  	_ =	shalt  }
0x49: {  	_ =	shalt  }
0x4a: {  	_ =	shalt  }
0x4b: {  	_ =	shalt  }
0x4c: {  	_ =	shalt  }
0x4d: {  	_ =	shalt  }
0x4e: {  	_ =	shalt  }
0x4f: {  	_ =	shalt  }
0x50: {  	_ =	shalt  }
0x51: {  	_ =	shalt  }
0x52: {  	_ =	shalt  }
0x53: {  	_ =	shalt  }
0x54: {  	_ =	shalt  }
0x55: {  	_ =	shalt  }
0x56: {  	_ =	shalt  }
0x57: {  	_ =	shalt  }
0x58: {  	_ =	shalt  }
0x59: {  	_ =	shalt  }
0x5a: {  	_ =	shalt  }
0x5b: {  	_ =	shalt  }
0x5c: {  	_ =	shalt  }
0x5d: {  	_ =	shalt  }
0x5e: {  	_ =	shalt  }
0x5f: {  	_ =	shalt  }
0x60: {  	_ =	shalt  }
0x61: {  	_ =	shalt  }
0x62: {  	_ =	shalt  }
0x63: {  	_ =	shalt  }
0x64: {  	_ =	shalt  }
0x65: {  	_ =	shalt  }
0x66: {  	_ =	shalt  }
0x67: {  	_ =	shalt  }
0x68: {  	_ =	shalt  }
0x69: {  	_ =	shalt  }
0x6a: {  	_ =	shalt  }
0x6b: {  	_ =	shalt  }
0x6c: {  	_ =	shalt  }
0x6d: {  	_ =	shalt  }
0x6e: {  	_ =	shalt  }
0x6f: {  	_ =	shalt  }
0x70: {  	_ =	shalt  }
0x71: {  	_ =	shalt  }
0x72: {  	_ =	shalt  }
0x73: {  	_ =	shalt  }
0x74: {  	_ =	shalt  }
0x75: {  	_ =	shalt  }
0x76: {  	_ =	shalt  }
0x77: {  	_ =	shalt  }
0x78: {  	_ =	shalt  }
0x79: {  	_ =	shalt  }
0x7a: {  	_ =	shalt  }
0x7b: {  	_ =	shalt  }
0x7c: {  	_ =	shalt  }
0x7d: {  	_ =	shalt  }
0x7e: {  	_ =	shalt  }
0x7f: {  	_ =	shalt  }
0x80: {  	_ =	shalt  }
0x81: {  	_ =	shalt  }
0x82: {  	_ =	shalt  }
0x83: {  	_ =	shalt  }
0x84: {  	_ =	shalt  }
0x85: {  	_ =	shalt  }
0x86: {  	_ =	shalt  }
0x87: {  	_ =	shalt  }
.Lfunc_end0:
.L_simem_size_0:
called_computation_lowered:
.L_overlay_start_0:
0x88: {  	s2 =	sld [smem:$0x3FD9]  }
0x89: {  	s3 =	sld [smem:$0x3FFE];
	_ =	sdelay $0x1  }
0x8a: {  	s1 =	srdreg.scid  }
0x8b: {  	s0 =	sand.u32 $0x1, s1  }
0x8c: {  	s14 =	sshll.u32 s0, $0xA;
	s2 =	sadd.s32 s3, s2  }
0x8d: {  	s2 =	sadd.s32 s2, s14  }
0x8e: {  	[smem:$0x3FBC] =	sst s2  }
0x8f: {  	_ = 	snop  }
0x90: {  	s2 =	sld [smem:$0x3FD0];
	_ =	sdelay $0x2  }
0x91: {  	s15 =	simm.s32 $0xA;
	s4 =	simm.s32 $0x10  }
0x92: {  	[smem:s4], [sflag:s15] =	dma.local [hbm:s2], $0x1  }
0x93: {  	_ =	swait.eq [sflag:s15], $0x1  }
0x94: {  	[sflag:s15] =	ssyncset.done $0x0  }
0x95: {  	[sflag:s15] =	ssyncadd.s32 $0xFFFFFFFF  }
0x96: {  	s16 =	sld [smem:$0x11];
	(tm) =	ssettm $0x1  }
0x97: {  	s17 =	sld [smem:$0x3FFB];
	_ =	sdelay $0x3  }
0x98: {  	_ =	strace s17  }
0x99: {  	s3 =	sld [smem:$0x3FFC];
	_ =	sdelay $0x3  }
0x9a: {  	_ =	strace s3  }
0x9b: {  	s3 =	sld [smem:$0x3FFD];
	_ =	sdelay $0x3  }
0x9c: {  	_ =	strace s3  }
0x9d: {  	_ =	strace $0x8FFFFFFF  }
0x9e: {  	s18 =	sld [smem:$0x3FDB];
	_ =	sdelay $0x1  }
0x9f: {  	s19 =	simm.s32 $_scs_section_size  }
0xa0: {  	s5 =	simm.s32 $_size__tile_overlayer_lowered;
	s6 =	simm.s32 $_tile_overlayer_lowered  }
0xa1: {  	s22 =	simm.s32 $0x1BFF;
	s21 =	sshll.u32 s6, $0x1;
	s3 =	sadd.s32 s19, s18  }
0xa2: {  	s7 =	simm.s32 $0x0;
	s20 =	sshll.u32 s5, $0x1;
	s5 =	sadd.s32 s21, s3  }
0xa3: {  	[timem:s7], [sflag:s22] =	dma.local [hbm:s5], s20  }
0xa4: {  	_ =	swait.ge [sflag:s22], s20  }
0xa5: {  	s4 =	ssub.s32 $0x0, s20;
	[sflag:s22] =	ssyncset.done $0x0  }
0xa6: {  	[sflag:s22] =	ssyncadd.s32 s4;
	_ =	sdelay $0x1  }
0xa7: {  	s23 =	simm.s32 $0x1B8B  }
0xa8: {  	_ =	swait.ge [sflag:s23], $0x1  }
0xa9: {  	[sflag:s23] =	ssyncset.done $0x0  }
0xaa: {  	s25 =	simm.s32 $0x1B8E;
	s24 =	sld [smem:$0x3FFE];
	[sflag:s23] =	ssyncadd.s32 $0xFFFFFFFF  }
0xab: {  	s26 =	simm.s32 $execute0_lowered;
	[smem:$0x3FD2] =	sst s25  }
0xac: {  	s5 =	sshll.u32 s26, $0x1;
	_ =	strace $0x80000046;
	[dreg:$0x1] =	wrdreg $0xFFFFFFFF  }
0xad: {  	s28 =	simm.s32 $_size_execute0_lowered;
	s3 =	sadd.s32 s3, s5;
	[dreg:$0x0] =	wrdreg $0x0  }
0xae: {  	s5 =	sshll.u32 s28, $0x1;
	[dreg:$0x2] =	wrdreg s3  }
0xaf: {  	[dreg:$0x3] =	wrdreg s5  }
0xb0: {  	[dreg:$0x4] =	wrdreg $0xC0  }
0xb1: {  	_ =	task [dreg:s7], $0x5FFFF  }
0xb2: {  	[dreg:$0x1] =	wrdreg $0xFFFFFFFF  }
0xb3: {  	[dreg:$0x0] =	wrdreg $0x60  }
0xb4: {  	[dreg:$0x2] =	wrdreg s16  }
0xb5: {  	[dreg:$0x3] =	wrdreg s24  }
0xb6: {  	[dreg:$0x4] =	wrdreg $0x0  }
0xb7: {  	[dreg:$0x5] =	wrdreg $0x9  }
0xb8: {  	_ =	task.clear_ibuf [dreg:s7], $0x6FFFF;
	_ =	strace $0x90000046  }
0xb9: {  	s29 =	simm.s32 $0x9;
	_ =	strace $0x80000048  }
0xba: {  	_ =	swait.ge [sflag:s29], $0x1  }
0xbb: {  	[sflag:s29] =	ssyncadd.s32 $0xFFFFFFFF  }
0xbc: {  	_ =	strace $0x90000048  }
0xbd: {  	_ =	sfence  }
0xbe: {  	s30 =	sld [smem:$0x0];
	_ =	sdelay $0x2  }
0xbf: {  	s31 =	sshll.u32 s1, $0xD;
	s1 =	sshrl.u32 s1, $0x2  }
0xc0: {  	s3 =	sand.u32 $0x4000, s31;
	s1 =	sadd.s32 s1, s30  }
0xc1: {  	s0 =	sor.u32 s3, s0;
	s1 =	sshll.u32 s1, $0x11  }
0xc2: {  	s0 =	sor.u32 s1, s0  }
0xc3: {  	s0 =	sadd.s32 $0x8F2B, s0  }
0xc4: {  	[sflag:s0] =	ssyncadd.remote.s32 $0x1  }
0xc5: {  	_ =	sfence.sel $0xFFFF  }
0xc6: {  	[dreg:$0x0] =	wrdreg $0xFFFFFFFF;
	(pc) =	sbr.abs _section_cstart, $3  }
0xc7: {  	[dreg:$0x1] =	wrdreg $0xFFFFFFFF  }
0xc8: {  	_ =	task.clear_ibuf [dreg:s7], $0x2FFFF;
	_ =	strace $0x9FFFFFFF  }
0xc9: {  	(tm) =	ssettm $0x7FFFFFFF  }
tec
execute0_lowered:
.L_overlay_start_1:
0x0: {  	(tag) =	ssettag $0x1  }
0x1: {  	s8 =	rddreg [dreg:$0x0]  }
0x2: {  	s5 =	rddreg [dreg:$0x1]  }
0x3: {  	s2 =	rddreg [dreg:$0x2];
	s1 =	stileid.u32  }
0x4: {  	s0 =	rddreg [dreg:$0x3];
	s4 =	smul.u32 $0x14000, s1  }
0x5: {  	s6 =	srdreg.scid;
	s7 =	smul.u32 $0x300, s1  }
0x6: {  	s3 =	simm.s32 $0x0;
	s15 =	simm.s32 $0x0;
	s12 =	smul.u32 $0x50000, s1  }
0x7: {  	s11 =	sand.u32 $0x1, s6;
	[smem:$0x7FF] =	sst s3;
	s14 =	smul.u32 $0x700, s1  }
0x8: {  	s31 =	sshll.u32 s1, $0x6;
	s9 =	smul.u32 $0x140000, s11;
	_ =	strace $0x80000047  }
0x9: {  	s10 =	ssub.s32 $0x2, s11;
	p0 =	sne.s32 s11, $0x0;
	s29 =	sshrl.u32 s4, $0x3  }
0xa: {  	s7 =	sadd.s32 s7, s5;
	s13 =	sshrl.u32 s10, $0x1;
	s30 =	sshrl.u32 s12, $0x2  }
0xb: {  	s8 =	sadd.s32 s8, s14;
	s14 =	simm.s32 $0x80;
	s6 =	sadd.s32 s29, s5  }
.Ltmp0:
0xc: {  	s9 =	sadd.s32 s4, s9;
	s4 =	sadd.s32 $0x6400, s5;
	(pc) =	sbr.rel .LBB2_1-.Ltmp0, $4  }
0xd: {  	s10 =	ssub.s32 s10, s13;
	s12 =	sadd.s32 s30, s2;
	s7 =	sadd.s32 $0x3400, s7  }
0xe: {  	s13 =	simm.s32 $0x17800;
	s9 =	sshrl.u32 s9, $0x3;
	s10 =	smax.u32 s10, $0x1  }
0xf: {  	s11 =	sshrl.u32 s12, $0x3;
	s12 =	simm.s32 $0x1;
	s9 =	sadd.s32 s9, s5  }
0x10: {  	s5 =	sadd.s32 $0x6C00, s6;
	s6 =	sor.u32 $0x1C01, s31;
	s9 =	sadd.s32 $0x2EC00, s9  }
.LBB2_7:
0x11: {  	[sflag:s12] =	ssyncset.done $0x0  }
0x12: {  	[sflag:s12] =	ssyncadd.s32 $0xFFFFC000  }
.LBB2_8:
0x13: {  	s15 =	sadd.s32 $0x1, s15  }
0x14: {  	p1 =	sne.s32 s15, s10  }
.Ltmp1:
0x15: {  	[bflag:$0x0] =	sbarrier.arrive $0xFFFF;
	(pc) =	sbr.rel @!p1 .LBB2_9-.Ltmp1, $4  }
0x16: {  	[hbm:s9], [sflag:s6] =	dma.local [spmem:s11], $0x2800  }
0x17: {  	_ =	swait.ge [sflag:s12], $0x2800  }
0x18: {  	[sflag:s12] =	ssyncset.done $0x0  }
0x19: {  	[sflag:s12] =	ssyncadd.s32 $0xFFFFD800  }
.LBB2_1:
0x1a: {  	[spmem:s11], [sflag:s6] =	dma.local [hbm:s5], $0x2800  }
0x1b: {  	_ =	swait.ge [sflag:s12], $0x2800  }
0x1c: {  	[sflag:s12] =	ssyncset.done $0x0  }
0x1d: {  	s16 =	simm.s32 @p0 $0x0;
	s17 =	simm.s32 @p0 $0x14000;
	[sflag:s12] =	ssyncadd.s32 $0xFFFFD800  }
0x1e: {  	[tilespmem:s17], [sflag:$0x1] =	stream.linear.gather @p0 [hbm4b:s7+s16], $0x1780, $0x38;
	[tilespmem:$0x1B800] =	vst v63  }
0x1f: {  	s16 =	simm.s32 @p0 $0x1  }
0x20: {  	_ =	swait.ge @p0 [sflag:s16], $0x1780  }
0x21: {  	[sflag:s16] =	ssyncset.done @p0 $0x0  }
0x22: {  	s17 =	simm.s32 @!p0 $0x14000;
	[sflag:s16] =	ssyncadd.s32 @p0 $0xFFFFE880;
	s16 =	simm.s32 @!p0 $0x0  }
0x23: {  	[tilespmem:s17], [sflag:$0x1] =	stream.linear.gather @!p0 [hbm4b:s8+s16], $0x3700, $0x38;
	[tilespmem:$0x1B800] =	vst v63  }
0x24: {  	s16 =	simm.s32 @!p0 $0x1  }
0x25: {  	_ =	swait.ge @!p0 [sflag:s16], $0x3700  }
0x26: {  	[sflag:s16] =	ssyncset.done @!p0 $0x0  }
0x27: {  	[sflag:s16] =	ssyncadd.s32 @!p0 $0xFFFFC900  }
0x28: {  	[tilespmem:s13], [sflag:$0x1] =	stream.linear.gather [hbm4b:s4+s3], $0x4000, $0x38;
	[tilespmem:$0x1B800] =	vst v63  }
.Ltmp2:
0x29: {  	_ =	swait.ge [sflag:s12], $0x4000;
	(pc) =	sbr.rel @p0 .LBB2_5-.Ltmp2, $4  }
0x2a: {  	[sflag:s12] =	ssyncset.done $0x0  }
0x2b: {  	[sflag:s12] =	ssyncadd.s32 $0xFFFFC000  }
0x2c: {  	s31 =	sshra.s32 s3, $0x2;
	[bflag:$0x0] =	sbarrier.arrive $0xFFFF  }
0x2d: {  	s16 =	sadd.s32 $0x14000, s31  }
0x2e: {  	[spmem:s2] =	stream.indirect.scatter.add.f32 [tilespmem:s13], [sflag:$0x1], $0x80, s16, s14, $0xb8;
	[tilespmem:$0x1B800] =	vst v63  }
0x2f: {  	s16 =	sadd.s32 $0x200, s3;
	_ =	swait.ge [sflag:s12], $0x4000  }
.LBB2_3:
0x30: {  	s17 =	sshra.s32 s16, $0x2;
	[sflag:s12] =	ssyncset.done $0x0;
	p1 =	seq.s32 s16, $0xDA00  }
.Ltmp3:
0x31: {  	s17 =	sadd.s32 $0x14000, s17;
	[sflag:s12] =	ssyncadd.s32 $0xFFFFC000;
	(pc) =	sbr.rel @!p1 .LBB2_3-.Ltmp3, $3  }
0x32: {  	[spmem:s2] =	stream.indirect.scatter.add.f32 [tilespmem:s13], [sflag:$0x1], $0x80, s17, s14, $0xb8;
	[tilespmem:$0x1B800] =	vst v63  }
0x33: {  	s16 =	sadd.s32 $0x200, s16;
	_ =	sdelay $0x1  }
0x34: {  	_ =	swait.ge [sflag:s12], $0x4000  }
.Ltmp4:
0x35: {  	(pc) =	sbr.rel .LBB2_8-.Ltmp4, $3  }
0x36: {  	_ =	sdelay $0x1  }
0x37: {  	[sflag:s12] =	ssyncset.done $0x0  }
0x38: {  	[sflag:s12] =	ssyncadd.s32 $0xFFFFC000  }
.LBB2_5:
0x39: {  	[spmem:s2] =	stream.indirect.scatter.add.f32 [tilespmem:s13], [sflag:$0x1], $0x80, s16, s14, $0xb8;
	[tilespmem:$0x1B800] =	vst v63  }
0x3a: {  	s16 =	sadd.s32 $0x200, s3;
	_ =	swait.ge [sflag:s12], $0x4000  }
.LBB2_6:
0x3b: {  	s17 =	sshra.s32 s16, $0x2;
	[sflag:s12] =	ssyncset.done $0x0;
	p1 =	sne.s32 s16, $0x5C00  }
.Ltmp5:
0x3c: {  	s17 =	sadd.s32 $0x14000, s17;
	[sflag:s12] =	ssyncadd.s32 $0xFFFFC000;
	(pc) =	sbr.rel @p1 .LBB2_6-.Ltmp5, $3  }
0x3d: {  	[spmem:s2] =	stream.indirect.scatter.add.f32 [tilespmem:s13], [sflag:$0x1], $0x80, s17, s14, $0xb8;
	[tilespmem:$0x1B800] =	vst v63  }
0x3e: {  	s16 =	sadd.s32 $0x200, s16;
	_ =	sdelay $0x1  }
0x3f: {  	_ =	swait.ge [sflag:s12], $0x4000  }
.Ltmp6:
0x40: {  	_ = 	snop;
	(pc) =	sbr.rel .LBB2_7-.Ltmp6, $1  }
0x41: {  	_ =	sdelay $0x3  }
.LBB2_9:
0x42: {  	_ =	sfence.sel $0x180000  }
0x43: {  	[bflag:$0x0] =	sbarrier.arrive $0xFFFF  }
0x44: {  	p0 =	sne.s32 s1, $0x0;
	_ =	strace $0x90000047  }
0x45: {  	s0 =	sadd.s32 @!p0 $0x100000, s0;
	[bflag:$0x2] =	sbarrier.arrive $0xFFFF  }
0x46: {  	[sflag:s0] =	ssyncadd.tile.s32 @!p0 $0x1;
	_ =	shalt  }
.Lfunc_end2:
_tile_overlayer_lowered:
.L_overlay_start_2:
0x47: {  	(tag) =	ssettag $0x2  }
0x48: {  	s0 =	rddreg [dreg:$0x0];
	s2 =	stileid.u32  }
0x49: {  	s1 =	rddreg [dreg:$0x1];
	p0 =	sne.s32 s2, $0x0  }
0x4a: {  	s3 =	rddreg [dreg:$0x2];
	[bflag:$0x3] =	sbarrier.arrive $0xFFFF;
	s2 =	simm.s32 @!p0 $0x1C01  }
0x4b: {  	[timem:s3], [sflag:s2] =	dma.local @!p0 [hbm:s0], s1  }
0x4c: {  	s0 =	simm.s32 @!p0 $0x1  }
0x4d: {  	_ =	swait.ge @!p0 [sflag:s0], s1  }
0x4e: {  	s1 =	ssub.s32 @!p0 $0x0, s1;
	[sflag:s0] =	ssyncset.done @!p0 $0x0  }
0x4f: {  	[sflag:s0] =	ssyncadd.s32 @!p0 s1  }
0x50: {  	[bflag:$0x3] =	sbarrier.arrive $0xFFFF  }
0x51: {  	_ =	shalt  }

// kernel: kernel.13.cloned.1.call-start
scs
__scs_entry_jumppad:
0x0: {  	(pc) =	sbr.rel $0x88, $3  }
0x1: {  	(tag) =	ssettag $0x0;
	lr =	simm.s32 $0x1  }
0x2: {  	[smem:$0x3F95] =	sst lr;
	_ =	strace $0xD0000000  }
0x3: {  	_ = 	snop  }
0x4: {  	_ = 	snop  }
0x5: {  	_ = 	snop  }
0x6: {  	_ = 	snop  }
0x7: {  	_ = 	snop  }
__scs_overlays_trampoline_lowered:
0x8: {  	[smem:$0x3FA4] =	sst s0  }
0x9: {  	[smem:$0x3FA5] =	sst s1  }
0xa: {  	[smem:$0x3FA6] =	sst s2  }
0xb: {  	[smem:$0x3FA7] =	sst s3  }
0xc: {  	[smem:$0x3FA8] =	sst s4  }
0xd: {  	[smem:$0x3FA9] =	sst s5  }
0xe: {  	[smem:$0x3FAA] =	sst s6  }
0xf: {  	[smem:$0x3FAB] =	sst s7  }
0x10: {  	[smem:$0x3FAC] =	sst s8  }
0x11: {  	[smem:$0x3FAD] =	sst s9;
	s0 =	simm.s32 @!p0 $0x0  }
0x12: {  	s1 =	sld [smem:$0x3F93];
	s0 =	simm.s32 @p0 $0x1  }
0x13: {  	[smem:$0x3FAE] =	sst s0;
	s0 =	simm.s32 @!p1 $0x0  }
0x14: {  	s2 =	sld [smem:$0x3F92];
	s0 =	simm.s32 @p1 $0x1  }
0x15: {  	[smem:$0x3FAF] =	sst s0;
	s0 =	simm.s32 @!p2 $0x0  }
0x16: {  	s3 =	sld [smem:$0x3FDB];
	s0 =	simm.s32 @p2 $0x1  }
0x17: {  	s4 =	simm.s32 $0x1BF5;
	[smem:$0x3FB1] =	sst s0  }
0x18: {  	s0 =	sld [smem:$0x3F94];
	_ =	swait.ge [sflag:s4], $0x0  }
0x19: {  	s7 =	sld [smem:$0x3F95]  }
0x1a: {  	s8 =	sadd.s32 $0xFFFFE003, lr  }
0x1b: {  	s9 =	sadd.s32 $0xFFFFFEF7, lr;
	s5 =	simm.s32 $0xFFFFFFFF;
	p2 =	slt.u32 s8, $0xFFFFF086  }
0x1c: {  	p1 =	slt.u32 s9, $0xF7A;
	s5 =	simm.s32 @!p2 $0x0  }
0x1d: {  	s5 =	simm.s32 @p1 $0x1;
	p0 =	seq.s32 s7, s2  }
0x1e: {  	s7 =	smul.u32 @!p0 $0xF7A, s2;
	p2 =	seq.s32 @!p0 s5, $0x0  }
0x1f: {  	s9 =	smul.u32 $0xF7A, s1;
	s8 =	simm.s32 @!p0 $0x1BF5;
	p2 =	por !p2, p0  }
0x20: {  	[sflag:s8] =	ssyncset.s32 @!p0 $0xFFFFF086;
	s6 =	sadd.s32 @!p0 s3, s7;
	s7 =	simm.s32 @!p0 $0x108  }
0x21: {  	s3 =	sadd.s32 s3, s9;
	s6 =	sadd.s32 @!p0 $0x88, s6;
	s7 =	simm.s32 @p2 $0x1082  }
0x22: {  	[simem:s7], [sflag:s8] =	dma.local @!p0 [hbm:s6], $0xF7A  }
0x23: {  	s9 =	sor.u32 $0xD0000000, s2;
	s6 =	simm.s32 $0x108;
	_ =	swait.ge @!p0 [sflag:s8], $0x0  }
0x24: {  	s3 =	sadd.s32 $0x88, s3;
	s6 =	simm.s32 @!p1 $0x1082;
	[sflag:s4] =	ssyncset.s32 $0xFFFFF086  }
0x25: {  	[simem:s6], [sflag:s4] =	dma.local [hbm:s3], $0xF7A  }
0x26: {  	[smem:$0x3F95] =	sst s1;
	(tag) =	ssettag s2;
	_ =	strace s9  }
0x27: {  	s1 =	sld [smem:$0x3FA5]  }
0x28: {  	s2 =	sld [smem:$0x3FA6]  }
0x29: {  	s4 =	sld [smem:$0x3FA8]  }
0x2a: {  	p0 =	seq.s32 s5, $0x0;
	s5 =	sld [smem:$0x3FA9]  }
0x2b: {  	s6 =	sld [smem:$0x3FAA]  }
0x2c: {  	s7 =	sld [smem:$0x3FAB]  }
0x2d: {  	s3 =	simm.s32 $0x108;
	s8 =	sld [smem:$0x3FAC]  }
0x2e: {  	s3 =	simm.s32 @!p0 $0x1082;
	s9 =	sld [smem:$0x3FAD]  }
0x2f: {  	lr =	sadd.s32 s0, s3;
	s0 =	sld [smem:$0x3FA4]  }
0x30: {  	s3 =	sld [smem:$0x3FA7]  }
0x31: {  	[smem:$0x3FB0] =	sst s10  }
0x32: {  	s10 =	sld [smem:$0x3FAE];
	_ =	sdelay $0x3  }
0x33: {  	p0 =	seq.s32 s10, $0x1;
	s10 =	sld [smem:$0x3FB0];
	_ =	sdelay $0x3  }
0x34: {  	[smem:$0x3FB0] =	sst s10  }
0x35: {  	s10 =	sld [smem:$0x3FAF];
	_ =	sdelay $0x3  }
0x36: {  	p1 =	seq.s32 s10, $0x1;
	s10 =	sld [smem:$0x3FB0];
	_ =	sdelay $0x3  }
0x37: {  	[smem:$0x3FB0] =	sst s10  }
0x38: {  	s10 =	sld [smem:$0x3FB1]  }
0x39: {  	_ = 	snop;
	(pc) =	sbr.ind lr, $3  }
0x3a: {  	_ = 	snop  }
0x3b: {  	_ = 	snop  }
0x3c: {  	p2 =	seq.s32 s10, $0x1;
	s10 =	sld [smem:$0x3FB0]  }
0x3d: {  	_ =	shalt  }
0x3e: {  	_ =	shalt  }
0x3f: {  	_ =	shalt  }
0x40: {  	_ =	shalt  }
0x41: {  	_ =	shalt  }
0x42: {  	_ =	shalt  }
0x43: {  	_ =	shalt  }
0x44: {  	_ =	shalt  }
0x45: {  	_ =	shalt  }
0x46: {  	_ =	shalt  }
0x47: {  	_ =	shalt  }
0x48: {  	_ =	shalt  }
0x49: {  	_ =	shalt  }
0x4a: {  	_ =	shalt  }
0x4b: {  	_ =	shalt  }
0x4c: {  	_ =	shalt  }
0x4d: {  	_ =	shalt  }
0x4e: {  	_ =	shalt  }
0x4f: {  	_ =	shalt  }
0x50: {  	_ =	shalt  }
0x51: {  	_ =	shalt  }
0x52: {  	_ =	shalt  }
0x53: {  	_ =	shalt  }
0x54: {  	_ =	shalt  }
0x55: {  	_ =	shalt  }
0x56: {  	_ =	shalt  }
0x57: {  	_ =	shalt  }
0x58: {  	_ =	shalt  }
0x59: {  	_ =	shalt  }
0x5a: {  	_ =	shalt  }
0x5b: {  	_ =	shalt  }
0x5c: {  	_ =	shalt  }
0x5d: {  	_ =	shalt  }
0x5e: {  	_ =	shalt  }
0x5f: {  	_ =	shalt  }
0x60: {  	_ =	shalt  }
0x61: {  	_ =	shalt  }
0x62: {  	_ =	shalt  }
0x63: {  	_ =	shalt  }
0x64: {  	_ =	shalt  }
0x65: {  	_ =	shalt  }
0x66: {  	_ =	shalt  }
0x67: {  	_ =	shalt  }
0x68: {  	_ =	shalt  }
0x69: {  	_ =	shalt  }
0x6a: {  	_ =	shalt  }
0x6b: {  	_ =	shalt  }
0x6c: {  	_ =	shalt  }
0x6d: {  	_ =	shalt  }
0x6e: {  	_ =	shalt  }
0x6f: {  	_ =	shalt  }
0x70: {  	_ =	shalt  }
0x71: {  	_ =	shalt  }
0x72: {  	_ =	shalt  }
0x73: {  	_ =	shalt  }
0x74: {  	_ =	shalt  }
0x75: {  	_ =	shalt  }
0x76: {  	_ =	shalt  }
0x77: {  	_ =	shalt  }
0x78: {  	_ =	shalt  }
0x79: {  	_ =	shalt  }
0x7a: {  	_ =	shalt  }
0x7b: {  	_ =	shalt  }
0x7c: {  	_ =	shalt  }
0x7d: {  	_ =	shalt  }
0x7e: {  	_ =	shalt  }
0x7f: {  	_ =	shalt  }
0x80: {  	_ =	shalt  }
0x81: {  	_ =	shalt  }
0x82: {  	_ =	shalt  }
0x83: {  	_ =	shalt  }
0x84: {  	_ =	shalt  }
0x85: {  	_ =	shalt  }
0x86: {  	_ =	shalt  }
0x87: {  	_ =	shalt  }
.Lfunc_end0:
.L_simem_size_0:
called_computation.1_lowered:
.L_overlay_start_0:
0x88: {  	s2 =	sld [smem:$0x3FD9]  }
0x89: {  	s3 =	sld [smem:$0x3FFE];
	_ =	sdelay $0x1  }
0x8a: {  	s1 =	srdreg.scid  }
0x8b: {  	s0 =	sand.u32 $0x1, s1  }
0x8c: {  	s14 =	sshll.u32 s0, $0xA;
	s2 =	sadd.s32 s3, s2  }
0x8d: {  	s2 =	sadd.s32 s2, s14  }
0x8e: {  	[smem:$0x3FBC] =	sst s2  }
0x8f: {  	_ = 	snop  }
0x90: {  	s2 =	sld [smem:$0x3FD0];
	_ =	sdelay $0x2  }
0x91: {  	s15 =	simm.s32 $0xA;
	s4 =	simm.s32 $0x10  }
0x92: {  	[smem:s4], [sflag:s15] =	dma.local [hbm:s2], $0x1  }
0x93: {  	_ =	swait.eq [sflag:s15], $0x1  }
0x94: {  	[sflag:s15] =	ssyncset.done $0x0  }
0x95: {  	s16 =	sld [smem:$0x10];
	[sflag:s15] =	ssyncadd.s32 $0xFFFFFFFF  }
0x96: {  	s17 =	sld [smem:$0x11];
	(tm) =	ssettm $0x1  }
0x97: {  	s18 =	sld [smem:$0x3FFB];
	_ =	sdelay $0x3  }
0x98: {  	_ =	strace s18  }
0x99: {  	s4 =	sld [smem:$0x3FFC];
	_ =	sdelay $0x3  }
0x9a: {  	_ =	strace s4  }
0x9b: {  	s4 =	sld [smem:$0x3FFD];
	_ =	sdelay $0x3  }
0x9c: {  	_ =	strace s4  }
0x9d: {  	_ =	strace $0x8FFFFFFF  }
0x9e: {  	s19 =	sld [smem:$0x3FDB];
	_ =	sdelay $0x1  }
0x9f: {  	s5 =	simm.s32 $_scs_section_size  }
0xa0: {  	s6 =	simm.s32 $_size__tile_overlayer_lowered;
	s7 =	simm.s32 $_tile_overlayer_lowered  }
0xa1: {  	s22 =	simm.s32 $0x1BFF;
	s21 =	sshll.u32 s7, $0x1;
	s4 =	sadd.s32 s5, s19  }
0xa2: {  	s8 =	simm.s32 $0x0;
	s20 =	sshll.u32 s6, $0x1;
	s6 =	sadd.s32 s21, s4  }
0xa3: {  	[timem:s8], [sflag:s22] =	dma.local [hbm:s6], s20  }
0xa4: {  	_ =	swait.ge [sflag:s22], s20  }
0xa5: {  	s5 =	ssub.s32 $0x0, s20;
	[sflag:s22] =	ssyncset.done $0x0  }
0xa6: {  	[sflag:s22] =	ssyncadd.s32 s5;
	_ =	sdelay $0x1  }
0xa7: {  	s23 =	simm.s32 $0x1B8B  }
0xa8: {  	_ =	swait.ge [sflag:s23], $0x1  }
0xa9: {  	[sflag:s23] =	ssyncset.done $0x0  }
0xaa: {  	s25 =	simm.s32 $0x1B8E;
	s24 =	sld [smem:$0x3FFE];
	[sflag:s23] =	ssyncadd.s32 $0xFFFFFFFF  }
0xab: {  	s26 =	simm.s32 $execute0_lowered;
	[smem:$0x3FD2] =	sst s25  }
0xac: {  	s6 =	sshll.u32 s26, $0x1;
	_ =	strace $0x80000049;
	[dreg:$0x1] =	wrdreg $0xFFFFFFFF  }
0xad: {  	s28 =	simm.s32 $_size_execute0_lowered;
	s4 =	sadd.s32 s4, s6;
	[dreg:$0x0] =	wrdreg $0x0  }
0xae: {  	s6 =	sshll.u32 s28, $0x1;
	[dreg:$0x2] =	wrdreg s4  }
0xaf: {  	[dreg:$0x3] =	wrdreg s6  }
0xb0: {  	[dreg:$0x4] =	wrdreg $0xC0  }
0xb1: {  	_ =	task [dreg:s8], $0x5FFFF  }
0xb2: {  	[dreg:$0x1] =	wrdreg $0xFFFFFFFF  }
0xb3: {  	[dreg:$0x0] =	wrdreg $0x60  }
0xb4: {  	[dreg:$0x2] =	wrdreg s24  }
0xb5: {  	[dreg:$0x3] =	wrdreg s16  }
0xb6: {  	[dreg:$0x4] =	wrdreg s17  }
0xb7: {  	[dreg:$0x5] =	wrdreg $0x0  }
0xb8: {  	[dreg:$0x6] =	wrdreg $0x9  }
0xb9: {  	_ =	task.clear_ibuf [dreg:s8], $0x7FFFF;
	_ =	strace $0x90000049  }
0xba: {  	s29 =	simm.s32 $0x9;
	_ =	strace $0x8000004B  }
0xbb: {  	_ =	swait.ge [sflag:s29], $0x1  }
0xbc: {  	[sflag:s29] =	ssyncadd.s32 $0xFFFFFFFF  }
0xbd: {  	_ =	strace $0x9000004B  }
0xbe: {  	_ =	sfence  }
0xbf: {  	s30 =	sld [smem:$0x0];
	_ =	sdelay $0x2  }
0xc0: {  	s31 =	sshll.u32 s1, $0xD;
	s1 =	sshrl.u32 s1, $0x2  }
0xc1: {  	s3 =	sand.u32 $0x4000, s31;
	s1 =	sadd.s32 s1, s30  }
0xc2: {  	s0 =	sor.u32 s3, s0;
	s1 =	sshll.u32 s1, $0x11  }
0xc3: {  	s0 =	sor.u32 s1, s0  }
0xc4: {  	s0 =	sadd.s32 $0x8F2B, s0  }
0xc5: {  	[sflag:s0] =	ssyncadd.remote.s32 $0x1  }
0xc6: {  	_ =	sfence.sel $0xFFFF  }
0xc7: {  	[dreg:$0x0] =	wrdreg $0xFFFFFFFF;
	(pc) =	sbr.abs _section_cstart, $3  }
0xc8: {  	[dreg:$0x1] =	wrdreg $0xFFFFFFFF  }
0xc9: {  	_ =	task.clear_ibuf [dreg:s8], $0x2FFFF;
	_ =	strace $0x9FFFFFFF  }
0xca: {  	(tm) =	ssettm $0x7FFFFFFF  }
0xcb: {  	_ =	shalt  }
tec
execute0_lowered:
.L_overlay_start_1:
0x0: {  	(tag) =	ssettag $0x1  }
0x1: {  	s5 =	rddreg [dreg:$0x0]  }
0x2: {  	s9 =	rddreg [dreg:$0x1]  }
0x3: {  	s10 =	rddreg [dreg:$0x2]  }
0x4: {  	s2 =	rddreg [dreg:$0x3]  }
0x5: {  	s0 =	rddreg [dreg:$0x4];
	s1 =	stileid.u32;
	s3 =	simm.s32 $0x0  }
0x6: {  	s4 =	srdreg.scid;
	s17 =	simm.s32 $0x80;
	s6 =	smul.u32 $0x300, s1  }
0x7: {  	s18 =	simm.s32 $0x1B000;
	s19 =	simm.s32 $0x1;
	s7 =	smul.u32 $0x14000, s1  }
0x8: {  	[smem:$0x7FF] =	sst s3;
	s13 =	sand.u32 $0x1, s4;
	s12 =	smul.u32 $0x50000, s1  }
0x9: {  	s4 =	sadd.s32 $0x2EC00, s5;
	s30 =	sshll.u32 s1, $0x6;
	s31 =	smul.u32 $0x700, s1  }
0xa: {  	_ =	strace $0x8000004A;
	s8 =	smul.u32 $0x140000, s13;
	s29 =	ssub.s32 $0x2, s13  }
0xb: {  	p0 =	sne.s32 s13, $0x0;
	s11 =	sadd.s32 s6, s5;
	s28 =	sshrl.u32 s7, $0x3  }
0xc: {  	s14 =	sshrl.u32 s29, $0x1;
	s12 =	sshrl.u32 s12, $0x2;
	s9 =	sadd.s32 s9, s31  }
0xd: {  	s10 =	sadd.s32 s10, s31;
	s6 =	sadd.s32 s28, s5;
	s7 =	sadd.s32 s7, s8  }
.Ltmp0:
0xe: {  	s14 =	ssub.s32 s29, s14;
	s16 =	sadd.s32 s12, s2;
	(pc) =	sbr.rel .LBB2_1-.Ltmp0, $4  }
0xf: {  	s8 =	sadd.s32 $0x3400, s11;
	s7 =	sshrl.u32 s7, $0x3;
	s12 =	smax.u32 s14, $0x1  }
0x10: {  	s13 =	sshrl.u32 s16, $0x3;
	s14 =	simm.s32 $0x2;
	s16 =	simm.s32 $0x17800  }
0x11: {  	s15 =	sadd.s32 s7, s5;
	s5 =	sadd.s32 $0x6C00, s6;
	s6 =	sor.u32 $0x1C02, s30  }
0x12: {  	s7 =	sadd.s32 $0x7EC00, s11;
	s11 =	sadd.s32 $0x81C00, s15;
	s15 =	simm.s32 $0x14000  }
.LBB2_7:
0x13: {  	s21 =	sadd.s32 $0x14000, s20;
	[sflag:s14] =	ssyncadd.s32 $0xFFFFC000  }
0x14: {  	[tilespmem:s18], [sflag:$0x1] =	stream.indirect.gather [hbm4b:s4+s17], $0x80, s21, s17, $0xb8;
	[tilespmem:$0x1F000] =	vst v63  }
0x15: {  	_ =	swait.ge [sflag:s19], $0x4000  }
0x16: {  	[sflag:s19] =	ssyncset.done $0x0  }
0x17: {  	s31 =	sadd.s32 $0x17800, s20;
	[sflag:s19] =	ssyncadd.s32 $0xFFFFC000  }
0x18: {  	[spmem:s2] =	stream.indirect.scatter.add.f32 [tilespmem:s18], [sflag:$0x2], $0x80, s31, s17, $0xb8;
	[tilespmem:$0x1F000] =	vst v63  }
0x19: {  	_ =	swait.ge [sflag:s14], $0x4000  }
0x1a: {  	[sflag:s14] =	ssyncset.done $0x0  }
0x1b: {  	[sflag:s14] =	ssyncadd.s32 $0xFFFFC000  }
.LBB2_8:
0x1c: {  	s3 =	sadd.s32 $0x1, s3  }
0x1d: {  	p1 =	sne.s32 s3, s12  }
.Ltmp1:
0x1e: {  	[bflag:$0x0] =	sbarrier.arrive $0xFFFF;
	(pc) =	sbr.rel @!p1 .LBB2_9-.Ltmp1, $4  }
0x1f: {  	[hbm:s11], [sflag:s6] =	dma.local [spmem:s13], $0x2800  }
0x20: {  	_ =	swait.ge [sflag:s14], $0x2800  }
0x21: {  	[sflag:s14] =	ssyncset.done $0x0  }
0x22: {  	[sflag:s14] =	ssyncadd.s32 $0xFFFFD800  }
.LBB2_1:
.Ltmp2:
0x23: {  	(pc) =	sbr.rel @p0 .LBB2_5-.Ltmp2, $4  }
0x24: {  	[spmem:s13], [sflag:s6] =	dma.local [hbm:s5], $0x2800  }
0x25: {  	_ =	swait.ge [sflag:s14], $0x2800  }
0x26: {  	[sflag:s14] =	ssyncset.done $0x0  }
0x27: {  	s20 =	simm.s32 $0x0;
	[sflag:s14] =	ssyncadd.s32 $0xFFFFD800  }
0x28: {  	[tilespmem:s15], [sflag:$0x2] =	stream.linear.gather [hbm4b:s9+s20], $0x3700, $0x38;
	[tilespmem:$0x1F000] =	vst v63  }
0x29: {  	_ =	swait.ge [sflag:s14], $0x3700  }
0x2a: {  	[sflag:s14] =	ssyncset.done $0x0  }
0x2b: {  	[sflag:s14] =	ssyncadd.s32 $0xFFFFC900  }
0x2c: {  	[tilespmem:s16], [sflag:$0x2] =	stream.linear.gather [hbm4b:s10+s20], $0x3700, $0x38;
	[tilespmem:$0x1F000] =	vst v63  }
0x2d: {  	_ =	swait.ge [sflag:s14], $0x3700  }
0x2e: {  	[sflag:s14] =	ssyncset.done $0x0  }
0x2f: {  	[sflag:s14] =	ssyncadd.s32 $0xFFFFC900  }
0x30: {  	s30 =	simm.s32 $0x14000;
	[bflag:$0x0] =	sbarrier.arrive $0xFFFF  }
0x31: {  	[tilespmem:s18], [sflag:$0x1] =	stream.indirect.gather [hbm4b:s4+s17], $0x80, s30, s17, $0xb8;
	[tilespmem:$0x1F000] =	vst v63  }
0x32: {  	_ =	swait.ge [sflag:s19], $0x4000  }
0x33: {  	[sflag:s19] =	ssyncset.done $0x0  }
0x34: {  	s31 =	simm.s32 $0x17800;
	[sflag:s19] =	ssyncadd.s32 $0xFFFFC000  }
0x35: {  	[spmem:s2] =	stream.indirect.scatter.add.f32 [tilespmem:s18], [sflag:$0x2], $0x80, s31, s17, $0xb8;
	[tilespmem:$0x1F000] =	vst v63  }
0x36: {  	_ =	swait.ge [sflag:s14], $0x4000  }
0x37: {  	s21 =	simm.s32 $0x400;
	s20 =	simm.s32 $0x80;
	[sflag:s14] =	ssyncset.done $0x0  }
.LBB2_3:
0x38: {  	s22 =	sadd.s32 $0x14000, s20  }
0x39: {  	[sflag:s14] =	ssyncadd.s32 $0xFFFFC000;
	s23 =	smov.u32 s21;
	s24 =	sadd.s32 $0x200, s21  }
0x3a: {  	[tilespmem:s18], [sflag:$0x1] =	stream.indirect.gather [hbm4b:s4+s17], $0x80, s22, s17, $0xb8;
	[tilespmem:$0x1F000] =	vst v63  }
0x3b: {  	p1 =	seq.s32 s21, $0xDA00;
	_ =	swait.ge [sflag:s19], $0x4000  }
.Ltmp3:
0x3c: {  	[sflag:s19] =	ssyncset.done $0x0;
	(pc) =	sbr.rel @!p1 .LBB2_3-.Ltmp3, $4  }
0x3d: {  	s20 =	sadd.s32 $0x17800, s20;
	[sflag:s19] =	ssyncadd.s32 $0xFFFFC000  }
0x3e: {  	[spmem:s2] =	stream.indirect.scatter.add.f32 [tilespmem:s18], [sflag:$0x2], $0x80, s20, s17, $0xb8;
	[tilespmem:$0x1F000] =	vst v63  }
0x3f: {  	_ =	swait.ge [sflag:s14], $0x4000  }
0x40: {  	s21 =	smov.u32 s24;
	s20 =	sshra.s32 s23, $0x2;
	[sflag:s14] =	ssyncset.done $0x0  }
0x41: {  	s21 =	sadd.s32 $0x14000, s20;
	[sflag:s14] =	ssyncadd.s32 $0xFFFFC000  }
0x42: {  	[tilespmem:s18], [sflag:$0x1] =	stream.indirect.gather [hbm4b:s4+s17], $0x80, s21, s17, $0xb8;
	[tilespmem:$0x1F000] =	vst v63  }
0x43: {  	_ =	swait.ge [sflag:s19], $0x4000  }
0x44: {  	[sflag:s19] =	ssyncset.done $0x0  }
.Ltmp4:
0x45: {  	s31 =	sadd.s32 $0x17800, s20;
	[sflag:s19] =	ssyncadd.s32 $0xFFFFC000;
	(pc) =	sbr.rel .LBB2_8-.Ltmp4, $4  }
0x46: {  	[spmem:s2] =	stream.indirect.scatter.add.f32 [tilespmem:s18], [sflag:$0x2], $0x80, s31, s17, $0xb8;
	[tilespmem:$0x1F000] =	vst v63  }
0x47: {  	_ =	swait.ge [sflag:s14], $0x4000  }
0x48: {  	[sflag:s14] =	ssyncset.done $0x0  }
0x49: {  	[sflag:s14] =	ssyncadd.s32 $0xFFFFC000  }
.LBB2_5:
0x4a: {  	[tilespmem:s15], [sflag:$0x2] =	stream.linear.gather [hbm4b:s7+s20], $0x1780, $0x38;
	[tilespmem:$0x1F000] =	vst v63  }
0x4b: {  	_ =	swait.ge [sflag:s14], $0x1780  }
0x4c: {  	[sflag:s14] =	ssyncset.done $0x0  }
0x4d: {  	[sflag:s14] =	ssyncadd.s32 $0xFFFFE880  }
0x4e: {  	[tilespmem:s16], [sflag:$0x2] =	stream.linear.gather [hbm4b:s8+s20], $0x1780, $0x38;
	[tilespmem:$0x1F000] =	vst v63  }
0x4f: {  	_ =	swait.ge [sflag:s14], $0x1780  }
0x50: {  	[sflag:s14] =	ssyncset.done $0x0  }
0x51: {  	[sflag:s14] =	ssyncadd.s32 $0xFFFFE880  }
0x52: {  	s30 =	simm.s32 $0x14000;
	[bflag:$0x0] =	sbarrier.arrive $0xFFFF  }
0x53: {  	[tilespmem:s18], [sflag:$0x1] =	stream.indirect.gather [hbm4b:s4+s17], $0x80, s30, s17, $0xb8;
	[tilespmem:$0x1F000] =	vst v63  }
0x54: {  	_ =	swait.ge [sflag:s19], $0x4000  }
0x55: {  	[sflag:s19] =	ssyncset.done $0x0  }
0x56: {  	s31 =	simm.s32 $0x17800;
	[sflag:s19] =	ssyncadd.s32 $0xFFFFC000  }
0x57: {  	[spmem:s2] =	stream.indirect.scatter.add.f32 [tilespmem:s18], [sflag:$0x2], $0x80, s31, s17, $0xb8;
	[tilespmem:$0x1F000] =	vst v63  }
0x58: {  	_ =	swait.ge [sflag:s14], $0x4000  }
0x59: {  	s21 =	simm.s32 $0x400;
	s20 =	simm.s32 $0x80;
	[sflag:s14] =	ssyncset.done $0x0  }
.LBB2_6:
0x5a: {  	s22 =	sadd.s32 $0x14000, s20  }
0x5b: {  	[sflag:s14] =	ssyncadd.s32 $0xFFFFC000;
	s23 =	smov.u32 s21;
	s24 =	sadd.s32 $0x200, s21  }
0x5c: {  	[tilespmem:s18], [sflag:$0x1] =	stream.indirect.gather [hbm4b:s4+s17], $0x80, s22, s17, $0xb8;
	[tilespmem:$0x1F000] =	vst v63  }
0x5d: {  	p1 =	sne.s32 s21, $0x5C00;
	_ =	swait.ge [sflag:s19], $0x4000  }
.Ltmp5:
0x5e: {  	[sflag:s19] =	ssyncset.done $0x0;
	(pc) =	sbr.rel @p1 .LBB2_6-.Ltmp5, $4  }
0x5f: {  	s20 =	sadd.s32 $0x17800, s20;
	[sflag:s19] =	ssyncadd.s32 $0xFFFFC000  }
0x60: {  	[spmem:s2] =	stream.indirect.scatter.add.f32 [tilespmem:s18], [sflag:$0x2], $0x80, s20, s17, $0xb8;
	[tilespmem:$0x1F000] =	vst v63  }
0x61: {  	_ =	swait.ge [sflag:s14], $0x4000  }
0x62: {  	s21 =	smov.u32 s24;
	s20 =	sshra.s32 s23, $0x2;
	[sflag:s14] =	ssyncset.done $0x0  }
.Ltmp6:
0x63: {  	_ = 	snop;
	(pc) =	sbr.rel .LBB2_7-.Ltmp6, $1  }
0x64: {  	_ =	sdelay $0x3  }
.LBB2_9:
0x65: {  	_ =	sfence.sel $0x180000  }
0x66: {  	[bflag:$0x0] =	sbarrier.arrive $0xFFFF  }
0x67: {  	p0 =	sne.s32 s1, $0x0;
	_ =	strace $0x9000004A  }
0x68: {  	s0 =	sadd.s32 @!p0 $0x100000, s0;
	[bflag:$0x2] =	sbarrier.arrive $0xFFFF  }
0x69: {  	[sflag:s0] =	ssyncadd.tile.s32 @!p0 $0x1;
	_ =	shalt  }
.Lfunc_end2:
_tile_overlayer_lowered:
.L_overlay_start_2:
0x6a: {  	(tag) =	ssettag $0x2  }
0x6b: {  	s0 =	rddreg [dreg:$0x0];
	s2 =	stileid.u32  }
0x6c: {  	s1 =	rddreg [dreg:$0x1];
	p0 =	sne.s32 s2, $0x0  }
0x6d: {  	s3 =	rddreg [dreg:$0x2];
	[bflag:$0x3] =	sbarrier.arrive $0xFFFF;
	s2 =	simm.s32 @!p0 $0x1C02  }
0x6e: {  	[timem:s3], [sflag:s2] =	dma.local @!p0 [hbm:s0], s1  }
0x6f: {  	s0 =	simm.s32 @!p0 $0x2  }
0x70: {  	_ =	swait.ge @!p0 [sflag:s0], s1  }
0x71: {  	s1 =	ssub.s32 @!p0 $0x0, s1;
	[sflag:s0] =	ssyncset.done @!p0 $0x0  }
0x72: {  	[sflag:s0] =	ssyncadd.s32 @!p0 s1  }
0x73: {  	[bflag:$0x3] =	sbarrier.arrive $0xFFFF  }
0x74: {  	_ =	shalt  }

// kernel: kernel.16.cloned.1.call-start
scs
__scs_entry_jumppad:
0x0: {  	(pc) =	sbr.rel $0x88, $3  }
0x1: {  	(tag) =	ssettag $0x0;
	lr =	simm.s32 $0x1  }
0x2: {  	[smem:$0x3F95] =	sst lr;
	_ =	strace $0xD0000000  }
0x3: {  	_ = 	snop  }
0x4: {  	_ = 	snop  }
0x5: {  	_ = 	snop  }
0x6: {  	_ = 	snop  }
0x7: {  	_ = 	snop  }
__scs_overlays_trampoline_lowered:
0x8: {  	[smem:$0x3FA4] =	sst s0  }
0x9: {  	[smem:$0x3FA5] =	sst s1  }
0xa: {  	[smem:$0x3FA6] =	sst s2  }
0xb: {  	[smem:$0x3FA7] =	sst s3  }
0xc: {  	[smem:$0x3FA8] =	sst s4  }
0xd: {  	[smem:$0x3FA9] =	sst s5  }
0xe: {  	[smem:$0x3FAA] =	sst s6  }
0xf: {  	[smem:$0x3FAB] =	sst s7  }
0x10: {  	[smem:$0x3FAC] =	sst s8  }
0x11: {  	[smem:$0x3FAD] =	sst s9;
	s0 =	simm.s32 @!p0 $0x0  }
0x12: {  	s1 =	sld [smem:$0x3F93];
	s0 =	simm.s32 @p0 $0x1  }
0x13: {  	[smem:$0x3FAE] =	sst s0;
	s0 =	simm.s32 @!p1 $0x0  }
0x14: {  	s2 =	sld [smem:$0x3F92];
	s0 =	simm.s32 @p1 $0x1  }
0x15: {  	[smem:$0x3FAF] =	sst s0;
	s0 =	simm.s32 @!p2 $0x0  }
0x16: {  	s3 =	sld [smem:$0x3FDB];
	s0 =	simm.s32 @p2 $0x1  }
0x17: {  	s4 =	simm.s32 $0x1BF5;
	[smem:$0x3FB1] =	sst s0  }
0x18: {  	s0 =	sld [smem:$0x3F94];
	_ =	swait.ge [sflag:s4], $0x0  }
0x19: {  	s7 =	sld [smem:$0x3F95]  }
0x1a: {  	s8 =	sadd.s32 $0xFFFFE003, lr  }
0x1b: {  	s9 =	sadd.s32 $0xFFFFFEF7, lr;
	s5 =	simm.s32 $0xFFFFFFFF;
	p2 =	slt.u32 s8, $0xFFFFF086  }
0x1c: {  	p1 =	slt.u32 s9, $0xF7A;
	s5 =	simm.s32 @!p2 $0x0  }
0x1d: {  	s5 =	simm.s32 @p1 $0x1;
	p0 =	seq.s32 s7, s2  }
0x1e: {  	s7 =	smul.u32 @!p0 $0xF7A, s2;
	p2 =	seq.s32 @!p0 s5, $0x0  }
0x1f: {  	s9 =	smul.u32 $0xF7A, s1;
	s8 =	simm.s32 @!p0 $0x1BF5;
	p2 =	por !p2, p0  }
0x20: {  	[sflag:s8] =	ssyncset.s32 @!p0 $0xFFFFF086;
	s6 =	sadd.s32 @!p0 s3, s7;
	s7 =	simm.s32 @!p0 $0x108  }
0x21: {  	s3 =	sadd.s32 s3, s9;
	s6 =	sadd.s32 @!p0 $0x88, s6;
	s7 =	simm.s32 @p2 $0x1082  }
0x22: {  	[simem:s7], [sflag:s8] =	dma.local @!p0 [hbm:s6], $0xF7A  }
0x23: {  	s9 =	sor.u32 $0xD0000000, s2;
	s6 =	simm.s32 $0x108;
	_ =	swait.ge @!p0 [sflag:s8], $0x0  }
0x24: {  	s3 =	sadd.s32 $0x88, s3;
	s6 =	simm.s32 @!p1 $0x1082;
	[sflag:s4] =	ssyncset.s32 $0xFFFFF086  }
0x25: {  	[simem:s6], [sflag:s4] =	dma.local [hbm:s3], $0xF7A  }
0x26: {  	[smem:$0x3F95] =	sst s1;
	(tag) =	ssettag s2;
	_ =	strace s9  }
0x27: {  	s1 =	sld [smem:$0x3FA5]  }
0x28: {  	s2 =	sld [smem:$0x3FA6]  }
0x29: {  	s4 =	sld [smem:$0x3FA8]  }
0x2a: {  	p0 =	seq.s32 s5, $0x0;
	s5 =	sld [smem:$0x3FA9]  }
0x2b: {  	s6 =	sld [smem:$0x3FAA]  }
0x2c: {  	s7 =	sld [smem:$0x3FAB]  }
0x2d: {  	s3 =	simm.s32 $0x108;
	s8 =	sld [smem:$0x3FAC]  }
0x2e: {  	s3 =	simm.s32 @!p0 $0x1082;
	s9 =	sld [smem:$0x3FAD]  }
0x2f: {  	lr =	sadd.s32 s0, s3;
	s0 =	sld [smem:$0x3FA4]  }
0x30: {  	s3 =	sld [smem:$0x3FA7]  }
0x31: {  	[smem:$0x3FB0] =	sst s10  }
0x32: {  	s10 =	sld [smem:$0x3FAE];
	_ =	sdelay $0x3  }
0x33: {  	p0 =	seq.s32 s10, $0x1;
	s10 =	sld [smem:$0x3FB0];
	_ =	sdelay $0x3  }
0x34: {  	[smem:$0x3FB0] =	sst s10  }
0x35: {  	s10 =	sld [smem:$0x3FAF];
	_ =	sdelay $0x3  }
0x36: {  	p1 =	seq.s32 s10, $0x1;
	s10 =	sld [smem:$0x3FB0];
	_ =	sdelay $0x3  }
0x37: {  	[smem:$0x3FB0] =	sst s10  }
0x38: {  	s10 =	sld [smem:$0x3FB1]  }
0x39: {  	_ = 	snop;
	(pc) =	sbr.ind lr, $3  }
0x3a: {  	_ = 	snop  }
0x3b: {  	_ = 	snop  }
0x3c: {  	p2 =	seq.s32 s10, $0x1;
	s10 =	sld [smem:$0x3FB0]  }
0x3d: {  	_ =	shalt  }
0x3e: {  	_ =	shalt  }
0x3f: {  	_ =	shalt  }
0x40: {  	_ =	shalt  }
0x41: {  	_ =	shalt  }
0x42: {  	_ =	shalt  }
0x43: {  	_ =	shalt  }
0x44: {  	_ =	shalt  }
0x45: {  	_ =	shalt  }
0x46: {  	_ =	shalt  }
0x47: {  	_ =	shalt  }
0x48: {  	_ =	shalt  }
0x49: {  	_ =	shalt  }
0x4a: {  	_ =	shalt  }
0x4b: {  	_ =	shalt  }
0x4c: {  	_ =	shalt  }
0x4d: {  	_ =	shalt  }
0x4e: {  	_ =	shalt  }
0x4f: {  	_ =	shalt  }
0x50: {  	_ =	shalt  }
0x51: {  	_ =	shalt  }
0x52: {  	_ =	shalt  }
0x53: {  	_ =	shalt  }
0x54: {  	_ =	shalt  }
0x55: {  	_ =	shalt  }
0x56: {  	_ =	shalt  }
0x57: {  	_ =	shalt  }
0x58: {  	_ =	shalt  }
0x59: {  	_ =	shalt  }
0x5a: {  	_ =	shalt  }
0x5b: {  	_ =	shalt  }
0x5c: {  	_ =	shalt  }
0x5d: {  	_ =	shalt  }
0x5e: {  	_ =	shalt  }
0x5f: {  	_ =	shalt  }
0x60: {  	_ =	shalt  }
0x61: {  	_ =	shalt  }
0x62: {  	_ =	shalt  }
0x63: {  	_ =	shalt  }
0x64: {  	_ =	shalt  }
0x65: {  	_ =	shalt  }
0x66: {  	_ =	shalt  }
0x67: {  	_ =	shalt  }
0x68: {  	_ =	shalt  }
0x69: {  	_ =	shalt  }
0x6a: {  	_ =	shalt  }
0x6b: {  	_ =	shalt  }
0x6c: {  	_ =	shalt  }
0x6d: {  	_ =	shalt  }
0x6e: {  	_ =	shalt  }
0x6f: {  	_ =	shalt  }
0x70: {  	_ =	shalt  }
0x71: {  	_ =	shalt  }
0x72: {  	_ =	shalt  }
0x73: {  	_ =	shalt  }
0x74: {  	_ =	shalt  }
0x75: {  	_ =	shalt  }
0x76: {  	_ =	shalt  }
0x77: {  	_ =	shalt  }
0x78: {  	_ =	shalt  }
0x79: {  	_ =	shalt  }
0x7a: {  	_ =	shalt  }
0x7b: {  	_ =	shalt  }
0x7c: {  	_ =	shalt  }
0x7d: {  	_ =	shalt  }
0x7e: {  	_ =	shalt  }
0x7f: {  	_ =	shalt  }
0x80: {  	_ =	shalt  }
0x81: {  	_ =	shalt  }
0x82: {  	_ =	shalt  }
0x83: {  	_ =	shalt  }
0x84: {  	_ =	shalt  }
0x85: {  	_ =	shalt  }
0x86: {  	_ =	shalt  }
0x87: {  	_ =	shalt  }
.Lfunc_end0:
.L_simem_size_0:
called_computation.2_lowered:
.L_overlay_start_0:
0x88: {  	s2 =	sld [smem:$0x3FD9]  }
0x89: {  	s3 =	sld [smem:$0x3FFE];
	_ =	sdelay $0x1  }
0x8a: {  	s1 =	srdreg.scid  }
0x8b: {  	s0 =	sand.u32 $0x1, s1  }
0x8c: {  	s14 =	sshll.u32 s0, $0xA;
	s2 =	sadd.s32 s3, s2  }
0x8d: {  	s2 =	sadd.s32 s2, s14  }
0x8e: {  	[smem:$0x3FBC] =	sst s2  }
0x8f: {  	_ = 	snop  }
0x90: {  	s2 =	sld [smem:$0x3FD0];
	_ =	sdelay $0x2  }
0x91: {  	s15 =	simm.s32 $0xA;
	s4 =	simm.s32 $0x10  }
0x92: {  	[smem:s4], [sflag:s15] =	dma.local [hbm:s2], $0x1  }
0x93: {  	_ =	swait.eq [sflag:s15], $0x1  }
0x94: {  	[sflag:s15] =	ssyncset.done $0x0  }
0x95: {  	s16 =	sld [smem:$0x10];
	[sflag:s15] =	ssyncadd.s32 $0xFFFFFFFF  }
0x96: {  	s17 =	sld [smem:$0x11];
	(tm) =	ssettm $0x1  }
0x97: {  	s18 =	sld [smem:$0x3FFB];
	_ =	sdelay $0x3  }
0x98: {  	_ =	strace s18  }
0x99: {  	s4 =	sld [smem:$0x3FFC];
	_ =	sdelay $0x3  }
0x9a: {  	_ =	strace s4  }
0x9b: {  	s4 =	sld [smem:$0x3FFD];
	_ =	sdelay $0x3  }
0x9c: {  	_ =	strace s4  }
0x9d: {  	_ =	strace $0x8FFFFFFF  }
0x9e: {  	s19 =	sld [smem:$0x3FDB];
	_ =	sdelay $0x1  }
0x9f: {  	s5 =	simm.s32 $_scs_section_size  }
0xa0: {  	s6 =	simm.s32 $_size__tile_overlayer_lowered;
	s7 =	simm.s32 $_tile_overlayer_lowered  }
0xa1: {  	s22 =	simm.s32 $0x1BFF;
	s21 =	sshll.u32 s7, $0x1;
	s4 =	sadd.s32 s5, s19  }
0xa2: {  	s8 =	simm.s32 $0x0;
	s20 =	sshll.u32 s6, $0x1;
	s6 =	sadd.s32 s21, s4  }
0xa3: {  	[timem:s8], [sflag:s22] =	dma.local [hbm:s6], s20  }
0xa4: {  	_ =	swait.ge [sflag:s22], s20  }
0xa5: {  	s5 =	ssub.s32 $0x0, s20;
	[sflag:s22] =	ssyncset.done $0x0  }
0xa6: {  	[sflag:s22] =	ssyncadd.s32 s5;
	_ =	sdelay $0x1  }
0xa7: {  	s23 =	simm.s32 $0x1B8B  }
0xa8: {  	_ =	swait.ge [sflag:s23], $0x1  }
0xa9: {  	[sflag:s23] =	ssyncset.done $0x0  }
0xaa: {  	s25 =	simm.s32 $0x1B8E;
	s24 =	sld [smem:$0x3FFE];
	[sflag:s23] =	ssyncadd.s32 $0xFFFFFFFF  }
0xab: {  	s26 =	simm.s32 $execute0_lowered;
	[smem:$0x3FD2] =	sst s25  }
0xac: {  	s6 =	sshll.u32 s26, $0x1;
	_ =	strace $0x8000004C;
	[dreg:$0x1] =	wrdreg $0xFFFFFFFF  }
0xad: {  	s28 =	simm.s32 $_size_execute0_lowered;
	s4 =	sadd.s32 s4, s6;
	[dreg:$0x0] =	wrdreg $0x0  }
0xae: {  	s6 =	sshll.u32 s28, $0x1;
	[dreg:$0x2] =	wrdreg s4  }
0xaf: {  	[dreg:$0x3] =	wrdreg s6  }
0xb0: {  	[dreg:$0x4] =	wrdreg $0xC0  }
0xb1: {  	_ =	task [dreg:s8], $0x5FFFF  }
0xb2: {  	[dreg:$0x1] =	wrdreg $0xFFFFFFFF  }
0xb3: {  	[dreg:$0x0] =	wrdreg $0x60  }
0xb4: {  	[dreg:$0x2] =	wrdreg s24  }
0xb5: {  	[dreg:$0x3] =	wrdreg s16  }
0xb6: {  	[dreg:$0x4] =	wrdreg s17  }
0xb7: {  	[dreg:$0x5] =	wrdreg $0x0  }
0xb8: {  	[dreg:$0x6] =	wrdreg $0x9  }
0xb9: {  	_ =	task.clear_ibuf [dreg:s8], $0x7FFFF;
	_ =	strace $0x9000004C  }
0xba: {  	s29 =	simm.s32 $0x9;
	_ =	strace $0x8000004E  }
0xbb: {  	_ =	swait.ge [sflag:s29], $0x1  }
0xbc: {  	[sflag:s29] =	ssyncadd.s32 $0xFFFFFFFF  }
0xbd: {  	_ =	strace $0x9000004E  }
0xbe: {  	_ =	sfence  }
0xbf: {  	s30 =	sld [smem:$0x0];
	_ =	sdelay $0x2  }
0xc0: {  	s31 =	sshll.u32 s1, $0xD;
	s1 =	sshrl.u32 s1, $0x2  }
0xc1: {  	s3 =	sand.u32 $0x4000, s31;
	s1 =	sadd.s32 s1, s30  }
0xc2: {  	s0 =	sor.u32 s3, s0;
	s1 =	sshll.u32 s1, $0x11  }
0xc3: {  	s0 =	sor.u32 s1, s0  }
0xc4: {  	s0 =	sadd.s32 $0x8F2B, s0  }
0xc5: {  	[sflag:s0] =	ssyncadd.remote.s32 $0x1  }
0xc6: {  	_ =	sfence.sel $0xFFFF  }
0xc7: {  	[dreg:$0x0] =	wrdreg $0xFFFFFFFF;
	(pc) =	sbr.abs _section_cstart, $3  }
0xc8: {  	[dreg:$0x1] =	wrdreg $0xFFFFFFFF  }
0xc9: {  	_ =	task.clear_ibuf [dreg:s8], $0x2FFFF;
	_ =	strace $0x9FFFFFFF  }
0xca: {  	(tm) =	ssettm $0x7FFFFFFF  }
0xcb: {  	_ =	shalt  }
tec
execute0_lowered:
.L_overlay_start_1:
0x0: {  	(tag) =	ssettag $0x1  }
0x1: {  	s5 =	rddreg [dreg:$0x0]  }
0x2: {  	s9 =	rddreg [dreg:$0x1]  }
0x3: {  	s10 =	rddreg [dreg:$0x2]  }
0x4: {  	s2 =	rddreg [dreg:$0x3]  }
0x5: {  	s0 =	rddreg [dreg:$0x4];
	s1 =	stileid.u32;
	s3 =	simm.s32 $0x0  }
0x6: {  	s4 =	srdreg.scid;
	s17 =	simm.s32 $0x80;
	s6 =	smul.u32 $0x300, s1  }
0x7: {  	s18 =	simm.s32 $0x1B000;
	s19 =	simm.s32 $0x1;
	s7 =	smul.u32 $0x14000, s1  }
0x8: {  	[smem:$0x7FF] =	sst s3;
	s13 =	sand.u32 $0x1, s4;
	s12 =	smul.u32 $0x50000, s1  }
0x9: {  	s4 =	sadd.s32 $0x2EC00, s5;
	s30 =	sshll.u32 s1, $0x6;
	s31 =	smul.u32 $0x700, s1  }
0xa: {  	_ =	strace $0x8000004D;
	s8 =	smul.u32 $0x140000, s13;
	s29 =	ssub.s32 $0x2, s13  }
0xb: {  	p0 =	sne.s32 s13, $0x0;
	s11 =	sadd.s32 s6, s5;
	s28 =	sshrl.u32 s7, $0x3  }
0xc: {  	s14 =	sshrl.u32 s29, $0x1;
	s12 =	sshrl.u32 s12, $0x2;
	s9 =	sadd.s32 s9, s31  }
0xd: {  	s10 =	sadd.s32 s10, s31;
	s6 =	sadd.s32 s28, s5;
	s7 =	sadd.s32 s7, s8  }
.Ltmp0:
0xe: {  	s14 =	ssub.s32 s29, s14;
	s16 =	sadd.s32 s12, s2;
	(pc) =	sbr.rel .LBB2_1-.Ltmp0, $4  }
0xf: {  	s8 =	sadd.s32 $0x3400, s11;
	s7 =	sshrl.u32 s7, $0x3;
	s12 =	smax.u32 s14, $0x1  }
0x10: {  	s13 =	sshrl.u32 s16, $0x3;
	s14 =	simm.s32 $0x2;
	s16 =	simm.s32 $0x17800  }
0x11: {  	s15 =	sadd.s32 s7, s5;
	s5 =	sadd.s32 $0x6C00, s6;
	s6 =	sor.u32 $0x1C02, s30  }
0x12: {  	s7 =	sadd.s32 $0x7EC00, s11;
	s11 =	sadd.s32 $0x81C00, s15;
	s15 =	simm.s32 $0x14000  }
.LBB2_7:
0x13: {  	s21 =	sadd.s32 $0x14000, s20;
	[sflag:s14] =	ssyncadd.s32 $0xFFFFC000  }
0x14: {  	[tilespmem:s18], [sflag:$0x1] =	stream.indirect.gather [hbm4b:s4+s17], $0x80, s21, s17, $0xb8;
	[tilespmem:$0x1F000] =	vst v63  }
0x15: {  	_ =	swait.ge [sflag:s19], $0x4000  }
0x16: {  	[sflag:s19] =	ssyncset.done $0x0  }
0x17: {  	s31 =	sadd.s32 $0x17800, s20;
	[sflag:s19] =	ssyncadd.s32 $0xFFFFC000  }
0x18: {  	[spmem:s2] =	stream.indirect.scatter.add.f32 [tilespmem:s18], [sflag:$0x2], $0x80, s31, s17, $0xb8;
	[tilespmem:$0x1F000] =	vst v63  }
0x19: {  	_ =	swait.ge [sflag:s14], $0x4000  }
0x1a: {  	[sflag:s14] =	ssyncset.done $0x0  }
0x1b: {  	[sflag:s14] =	ssyncadd.s32 $0xFFFFC000  }
.LBB2_8:
0x1c: {  	s3 =	sadd.s32 $0x1, s3  }
0x1d: {  	p1 =	sne.s32 s3, s12  }
.Ltmp1:
0x1e: {  	[bflag:$0x0] =	sbarrier.arrive $0xFFFF;
	(pc) =	sbr.rel @!p1 .LBB2_9-.Ltmp1, $4  }
0x1f: {  	[hbm:s11], [sflag:s6] =	dma.local [spmem:s13], $0x2800  }
0x20: {  	_ =	swait.ge [sflag:s14], $0x2800  }
0x21: {  	[sflag:s14] =	ssyncset.done $0x0  }
0x22: {  	[sflag:s14] =	ssyncadd.s32 $0xFFFFD800  }
.LBB2_1:
.Ltmp2:
0x23: {  	(pc) =	sbr.rel @p0 .LBB2_5-.Ltmp2, $4  }
0x24: {  	[spmem:s13], [sflag:s6] =	dma.local [hbm:s5], $0x2800  }
0x25: {  	_ =	swait.ge [sflag:s14], $0x2800  }
0x26: {  	[sflag:s14] =	ssyncset.done $0x0  }
0x27: {  	s20 =	simm.s32 $0x0;
	[sflag:s14] =	ssyncadd.s32 $0xFFFFD800  }
0x28: {  	[tilespmem:s15], [sflag:$0x2] =	stream.linear.gather [hbm4b:s9+s20], $0x3700, $0x38;
	[tilespmem:$0x1F000] =	vst v63  }
0x29: {  	_ =	swait.ge [sflag:s14], $0x3700  }
0x2a: {  	[sflag:s14] =	ssyncset.done $0x0  }
0x2b: {  	[sflag:s14] =	ssyncadd.s32 $0xFFFFC900  }
0x2c: {  	[tilespmem:s16], [sflag:$0x2] =	stream.linear.gather [hbm4b:s10+s20], $0x3700, $0x38;
	[tilespmem:$0x1F000] =	vst v63  }
0x2d: {  	_ =	swait.ge [sflag:s14], $0x3700  }
0x2e: {  	[sflag:s14] =	ssyncset.done $0x0  }
0x2f: {  	[sflag:s14] =	ssyncadd.s32 $0xFFFFC900  }
0x30: {  	s30 =	simm.s32 $0x14000;
	[bflag:$0x0] =	sbarrier.arrive $0xFFFF  }
0x31: {  	[tilespmem:s18], [sflag:$0x1] =	stream.indirect.gather [hbm4b:s4+s17], $0x80, s30, s17, $0xb8;
	[tilespmem:$0x1F000] =	vst v63  }
0x32: {  	_ =	swait.ge [sflag:s19], $0x4000  }
0x33: {  	[sflag:s19] =	ssyncset.done $0x0  }
0x34: {  	s31 =	simm.s32 $0x17800;
	[sflag:s19] =	ssyncadd.s32 $0xFFFFC000  }
0x35: {  	[spmem:s2] =	stream.indirect.scatter.add.f32 [tilespmem:s18], [sflag:$0x2], $0x80, s31, s17, $0xb8;
	[tilespmem:$0x1F000] =	vst v63  }
0x36: {  	_ =	swait.ge [sflag:s14], $0x4000  }
0x37: {  	s21 =	simm.s32 $0x400;
	s20 =	simm.s32 $0x80;
	[sflag:s14] =	ssyncset.done $0x0  }
.LBB2_3:
0x38: {  	s22 =	sadd.s32 $0x14000, s20  }
0x39: {  	[sflag:s14] =	ssyncadd.s32 $0xFFFFC000;
	s23 =	smov.u32 s21;
	s24 =	sadd.s32 $0x200, s21  }
0x3a: {  	[tilespmem:s18], [sflag:$0x1] =	stream.indirect.gather [hbm4b:s4+s17], $0x80, s22, s17, $0xb8;
	[tilespmem:$0x1F000] =	vst v63  }
0x3b: {  	p1 =	seq.s32 s21, $0xDA00;
	_ =	swait.ge [sflag:s19], $0x4000  }
.Ltmp3:
0x3c: {  	[sflag:s19] =	ssyncset.done $0x0;
	(pc) =	sbr.rel @!p1 .LBB2_3-.Ltmp3, $4  }
0x3d: {  	s20 =	sadd.s32 $0x17800, s20;
	[sflag:s19] =	ssyncadd.s32 $0xFFFFC000  }
0x3e: {  	[spmem:s2] =	stream.indirect.scatter.add.f32 [tilespmem:s18], [sflag:$0x2], $0x80, s20, s17, $0xb8;
	[tilespmem:$0x1F000] =	vst v63  }
0x3f: {  	_ =	swait.ge [sflag:s14], $0x4000  }
0x40: {  	s21 =	smov.u32 s24;
	s20 =	sshra.s32 s23, $0x2;
	[sflag:s14] =	ssyncset.done $0x0  }
0x41: {  	s21 =	sadd.s32 $0x14000, s20;
	[sflag:s14] =	ssyncadd.s32 $0xFFFFC000  }
0x42: {  	[tilespmem:s18], [sflag:$0x1] =	stream.indirect.gather [hbm4b:s4+s17], $0x80, s21, s17, $0xb8;
	[tilespmem:$0x1F000] =	vst v63  }
0x43: {  	_ =	swait.ge [sflag:s19], $0x4000  }
0x44: {  	[sflag:s19] =	ssyncset.done $0x0  }
.Ltmp4:
0x45: {  	s31 =	sadd.s32 $0x17800, s20;
	[sflag:s19] =	ssyncadd.s32 $0xFFFFC000;
	(pc) =	sbr.rel .LBB2_8-.Ltmp4, $4  }
0x46: {  	[spmem:s2] =	stream.indirect.scatter.add.f32 [tilespmem:s18], [sflag:$0x2], $0x80, s31, s17, $0xb8;
	[tilespmem:$0x1F000] =	vst v63  }
0x47: {  	_ =	swait.ge [sflag:s14], $0x4000  }
0x48: {  	[sflag:s14] =	ssyncset.done $0x0  }
0x49: {  	[sflag:s14] =	ssyncadd.s32 $0xFFFFC000  }
.LBB2_5:
0x4a: {  	[tilespmem:s15], [sflag:$0x2] =	stream.linear.gather [hbm4b:s7+s20], $0x1780, $0x38;
	[tilespmem:$0x1F000] =	vst v63  }
0x4b: {  	_ =	swait.ge [sflag:s14], $0x1780  }
0x4c: {  	[sflag:s14] =	ssyncset.done $0x0  }
0x4d: {  	[sflag:s14] =	ssyncadd.s32 $0xFFFFE880  }
0x4e: {  	[tilespmem:s16], [sflag:$0x2] =	stream.linear.gather [hbm4b:s8+s20], $0x1780, $0x38;
	[tilespmem:$0x1F000] =	vst v63  }
0x4f: {  	_ =	swait.ge [sflag:s14], $0x1780  }
0x50: {  	[sflag:s14] =	ssyncset.done $0x0  }
0x51: {  	[sflag:s14] =	ssyncadd.s32 $0xFFFFE880  }
0x52: {  	s30 =	simm.s32 $0x14000;
	[bflag:$0x0] =	sbarrier.arrive $0xFFFF  }
0x53: {  	[tilespmem:s18], [sflag:$0x1] =	stream.indirect.gather [hbm4b:s4+s17], $0x80, s30, s17, $0xb8;
	[tilespmem:$0x1F000] =	vst v63  }
0x54: {  	_ =	swait.ge [sflag:s19], $0x4000  }
0x55: {  	[sflag:s19] =	ssyncset.done $0x0  }
0x56: {  	s31 =	simm.s32 $0x17800;
	[sflag:s19] =	ssyncadd.s32 $0xFFFFC000  }
0x57: {  	[spmem:s2] =	stream.indirect.scatter.add.f32 [tilespmem:s18], [sflag:$0x2], $0x80, s31, s17, $0xb8;
	[tilespmem:$0x1F000] =	vst v63  }
0x58: {  	_ =	swait.ge [sflag:s14], $0x4000  }
0x59: {  	s21 =	simm.s32 $0x400;
	s20 =	simm.s32 $0x80;
	[sflag:s14] =	ssyncset.done $0x0  }
.LBB2_6:
0x5a: {  	s22 =	sadd.s32 $0x14000, s20  }
0x5b: {  	[sflag:s14] =	ssyncadd.s32 $0xFFFFC000;
	s23 =	smov.u32 s21;
	s24 =	sadd.s32 $0x200, s21  }
0x5c: {  	[tilespmem:s18], [sflag:$0x1] =	stream.indirect.gather [hbm4b:s4+s17], $0x80, s22, s17, $0xb8;
	[tilespmem:$0x1F000] =	vst v63  }
0x5d: {  	p1 =	sne.s32 s21, $0x5C00;
	_ =	swait.ge [sflag:s19], $0x4000  }
.Ltmp5:
0x5e: {  	[sflag:s19] =	ssyncset.done $0x0;
	(pc) =	sbr.rel @p1 .LBB2_6-.Ltmp5, $4  }
0x5f: {  	s20 =	sadd.s32 $0x17800, s20;
	[sflag:s19] =	ssyncadd.s32 $0xFFFFC000  }
0x60: {  	[spmem:s2] =	stream.indirect.scatter.add.f32 [tilespmem:s18], [sflag:$0x2], $0x80, s20, s17, $0xb8;
	[tilespmem:$0x1F000] =	vst v63  }
0x61: {  	_ =	swait.ge [sflag:s14], $0x4000  }
0x62: {  	s21 =	smov.u32 s24;
	s20 =	sshra.s32 s23, $0x2;
	[sflag:s14] =	ssyncset.done $0x0  }
.Ltmp6:
0x63: {  	_ = 	snop;
	(pc) =	sbr.rel .LBB2_7-.Ltmp6, $1  }
0x64: {  	_ =	sdelay $0x3  }
.LBB2_9:
0x65: {  	_ =	sfence.sel $0x180000  }
0x66: {  	[bflag:$0x0] =	sbarrier.arrive $0xFFFF  }
0x67: {  	p0 =	sne.s32 s1, $0x0;
	_ =	strace $0x9000004D  }
0x68: {  	s0 =	sadd.s32 @!p0 $0x100000, s0;
	[bflag:$0x2] =	sbarrier.arrive $0xFFFF  }
0x69: {  	[sflag:s0] =	ssyncadd.tile.s32 @!p0 $0x1;
	_ =	shalt  }
.Lfunc_end2:
_tile_overlayer_lowered:
.L_overlay_start_2:
0x6a: {  	(tag) =	ssettag $0x2  }
0x6b: {  	s0 =	rddreg [dreg:$0x0];
	s2 =	stileid.u32  }
0x6c: {  	s1 =	rddreg [dreg:$0x1];
	p0 =	sne.s32 s2, $0x0  }
0x6d: {  	s3 =	rddreg [dreg:$0x2];
	[bflag:$0x3] =	sbarrier.arrive $0xFFFF;
	s2 =	simm.s32 @!p0 $0x1C02  }
0x6e: {  	[timem:s3], [sflag:s2] =	dma.local @!p0 [hbm:s0], s1  }
0x6f: {  	s0 =	simm.s32 @!p0 $0x2  }
0x70: {  	_ =	swait.ge @!p0 [sflag:s0], s1  }
0x71: {  	s1 =	ssub.s32 @!p0 $0x0, s1;
	[sflag:s0] =	ssyncset.done @!p0 $0x0  }
0x72: {  	[sflag:s0] =	ssyncadd.s32 @!p0 s1  }
0x73: {  	[bflag:$0x3] =	sbarrier.arrive $0xFFFF  }
0x74: {  	_ =	shalt  }

// kernel: kernel.19.cloned.1.call-start
scs
__scs_entry_jumppad:
0x0: {  	(pc) =	sbr.rel $0x88, $3  }
0x1: {  	(tag) =	ssettag $0x0;
	lr =	simm.s32 $0x1  }
0x2: {  	[smem:$0x3F95] =	sst lr;
	_ =	strace $0xD0000000  }
0x3: {  	_ = 	snop  }
0x4: {  	_ = 	snop  }
0x5: {  	_ = 	snop  }
0x6: {  	_ = 	snop  }
0x7: {  	_ = 	snop  }
__scs_overlays_trampoline_lowered:
0x8: {  	[smem:$0x3FA4] =	sst s0  }
0x9: {  	[smem:$0x3FA5] =	sst s1  }
0xa: {  	[smem:$0x3FA6] =	sst s2  }
0xb: {  	[smem:$0x3FA7] =	sst s3  }
0xc: {  	[smem:$0x3FA8] =	sst s4  }
0xd: {  	[smem:$0x3FA9] =	sst s5  }
0xe: {  	[smem:$0x3FAA] =	sst s6  }
0xf: {  	[smem:$0x3FAB] =	sst s7  }
0x10: {  	[smem:$0x3FAC] =	sst s8  }
0x11: {  	[smem:$0x3FAD] =	sst s9;
	s0 =	simm.s32 @!p0 $0x0  }
0x12: {  	s1 =	sld [smem:$0x3F93];
	s0 =	simm.s32 @p0 $0x1  }
0x13: {  	[smem:$0x3FAE] =	sst s0;
	s0 =	simm.s32 @!p1 $0x0  }
0x14: {  	s2 =	sld [smem:$0x3F92];
	s0 =	simm.s32 @p1 $0x1  }
0x15: {  	[smem:$0x3FAF] =	sst s0;
	s0 =	simm.s32 @!p2 $0x0  }
0x16: {  	s3 =	sld [smem:$0x3FDB];
	s0 =	simm.s32 @p2 $0x1  }
0x17: {  	s4 =	simm.s32 $0x1BF5;
	[smem:$0x3FB1] =	sst s0  }
0x18: {  	s0 =	sld [smem:$0x3F94];
	_ =	swait.ge [sflag:s4], $0x0  }
0x19: {  	s7 =	sld [smem:$0x3F95]  }
0x1a: {  	s8 =	sadd.s32 $0xFFFFE003, lr  }
0x1b: {  	s9 =	sadd.s32 $0xFFFFFEF7, lr;
	s5 =	simm.s32 $0xFFFFFFFF;
	p2 =	slt.u32 s8, $0xFFFFF086  }
0x1c: {  	p1 =	slt.u32 s9, $0xF7A;
	s5 =	simm.s32 @!p2 $0x0  }
0x1d: {  	s5 =	simm.s32 @p1 $0x1;
	p0 =	seq.s32 s7, s2  }
0x1e: {  	s7 =	smul.u32 @!p0 $0xF7A, s2;
	p2 =	seq.s32 @!p0 s5, $0x0  }
0x1f: {  	s9 =	smul.u32 $0xF7A, s1;
	s8 =	simm.s32 @!p0 $0x1BF5;
	p2 =	por !p2, p0  }
0x20: {  	[sflag:s8] =	ssyncset.s32 @!p0 $0xFFFFF086;
	s6 =	sadd.s32 @!p0 s3, s7;
	s7 =	simm.s32 @!p0 $0x108  }
0x21: {  	s3 =	sadd.s32 s3, s9;
	s6 =	sadd.s32 @!p0 $0x88, s6;
	s7 =	simm.s32 @p2 $0x1082  }
0x22: {  	[simem:s7], [sflag:s8] =	dma.local @!p0 [hbm:s6], $0xF7A  }
0x23: {  	s9 =	sor.u32 $0xD0000000, s2;
	s6 =	simm.s32 $0x108;
	_ =	swait.ge @!p0 [sflag:s8], $0x0  }
0x24: {  	s3 =	sadd.s32 $0x88, s3;
	s6 =	simm.s32 @!p1 $0x1082;
	[sflag:s4] =	ssyncset.s32 $0xFFFFF086  }
0x25: {  	[simem:s6], [sflag:s4] =	dma.local [hbm:s3], $0xF7A  }
0x26: {  	[smem:$0x3F95] =	sst s1;
	(tag) =	ssettag s2;
	_ =	strace s9  }
0x27: {  	s1 =	sld [smem:$0x3FA5]  }
0x28: {  	s2 =	sld [smem:$0x3FA6]  }
0x29: {  	s4 =	sld [smem:$0x3FA8]  }
0x2a: {  	p0 =	seq.s32 s5, $0x0;
	s5 =	sld [smem:$0x3FA9]  }
0x2b: {  	s6 =	sld [smem:$0x3FAA]  }
0x2c: {  	s7 =	sld [smem:$0x3FAB]  }
0x2d: {  	s3 =	simm.s32 $0x108;
	s8 =	sld [smem:$0x3FAC]  }
0x2e: {  	s3 =	simm.s32 @!p0 $0x1082;
	s9 =	sld [smem:$0x3FAD]  }
0x2f: {  	lr =	sadd.s32 s0, s3;
	s0 =	sld [smem:$0x3FA4]  }
0x30: {  	s3 =	sld [smem:$0x3FA7]  }
0x31: {  	[smem:$0x3FB0] =	sst s10  }
0x32: {  	s10 =	sld [smem:$0x3FAE];
	_ =	sdelay $0x3  }
0x33: {  	p0 =	seq.s32 s10, $0x1;
	s10 =	sld [smem:$0x3FB0];
	_ =	sdelay $0x3  }
0x34: {  	[smem:$0x3FB0] =	sst s10  }
0x35: {  	s10 =	sld [smem:$0x3FAF];
	_ =	sdelay $0x3  }
0x36: {  	p1 =	seq.s32 s10, $0x1;
	s10 =	sld [smem:$0x3FB0];
	_ =	sdelay $0x3  }
0x37: {  	[smem:$0x3FB0] =	sst s10  }
0x38: {  	s10 =	sld [smem:$0x3FB1]  }
0x39: {  	_ = 	snop;
	(pc) =	sbr.ind lr, $3  }
0x3a: {  	_ = 	snop  }
0x3b: {  	_ = 	snop  }
0x3c: {  	p2 =	seq.s32 s10, $0x1;
	s10 =	sld [smem:$0x3FB0]  }
0x3d: {  	_ =	shalt  }
0x3e: {  	_ =	shalt  }
0x3f: {  	_ =	shalt  }
0x40: {  	_ =	shalt  }
0x41: {  	_ =	shalt  }
0x42: {  	_ =	shalt  }
0x43: {  	_ =	shalt  }
0x44: {  	_ =	shalt  }
0x45: {  	_ =	shalt  }
0x46: {  	_ =	shalt  }
0x47: {  	_ =	shalt  }
0x48: {  	_ =	shalt  }
0x49: {  	_ =	shalt  }
0x4a: {  	_ =	shalt  }
0x4b: {  	_ =	shalt  }
0x4c: {  	_ =	shalt  }
0x4d: {  	_ =	shalt  }
0x4e: {  	_ =	shalt  }
0x4f: {  	_ =	shalt  }
0x50: {  	_ =	shalt  }
0x51: {  	_ =	shalt  }
0x52: {  	_ =	shalt  }
0x53: {  	_ =	shalt  }
0x54: {  	_ =	shalt  }
0x55: {  	_ =	shalt  }
0x56: {  	_ =	shalt  }
0x57: {  	_ =	shalt  }
0x58: {  	_ =	shalt  }
0x59: {  	_ =	shalt  }
0x5a: {  	_ =	shalt  }
0x5b: {  	_ =	shalt  }
0x5c: {  	_ =	shalt  }
0x5d: {  	_ =	shalt  }
0x5e: {  	_ =	shalt  }
0x5f: {  	_ =	shalt  }
0x60: {  	_ =	shalt  }
0x61: {  	_ =	shalt  }
0x62: {  	_ =	shalt  }
0x63: {  	_ =	shalt  }
0x64: {  	_ =	shalt  }
0x65: {  	_ =	shalt  }
0x66: {  	_ =	shalt  }
0x67: {  	_ =	shalt  }
0x68: {  	_ =	shalt  }
0x69: {  	_ =	shalt  }
0x6a: {  	_ =	shalt  }
0x6b: {  	_ =	shalt  }
0x6c: {  	_ =	shalt  }
0x6d: {  	_ =	shalt  }
0x6e: {  	_ =	shalt  }
0x6f: {  	_ =	shalt  }
0x70: {  	_ =	shalt  }
0x71: {  	_ =	shalt  }
0x72: {  	_ =	shalt  }
0x73: {  	_ =	shalt  }
0x74: {  	_ =	shalt  }
0x75: {  	_ =	shalt  }
0x76: {  	_ =	shalt  }
0x77: {  	_ =	shalt  }
0x78: {  	_ =	shalt  }
0x79: {  	_ =	shalt  }
0x7a: {  	_ =	shalt  }
0x7b: {  	_ =	shalt  }
0x7c: {  	_ =	shalt  }
0x7d: {  	_ =	shalt  }
0x7e: {  	_ =	shalt  }
0x7f: {  	_ =	shalt  }
0x80: {  	_ =	shalt  }
0x81: {  	_ =	shalt  }
0x82: {  	_ =	shalt  }
0x83: {  	_ =	shalt  }
0x84: {  	_ =	shalt  }
0x85: {  	_ =	shalt  }
0x86: {  	_ =	shalt  }
0x87: {  	_ =	shalt  }
.Lfunc_end0:
.L_simem_size_0:
called_computation.3_lowered:
.L_overlay_start_0:
0x88: {  	s2 =	sld [smem:$0x3FD9]  }
0x89: {  	s3 =	sld [smem:$0x3FFE];
	_ =	sdelay $0x1  }
0x8a: {  	s1 =	srdreg.scid  }
0x8b: {  	s0 =	sand.u32 $0x1, s1  }
0x8c: {  	s14 =	sshll.u32 s0, $0xA;
	s2 =	sadd.s32 s3, s2  }
0x8d: {  	s2 =	sadd.s32 s2, s14  }
0x8e: {  	[smem:$0x3FBC] =	sst s2  }
0x8f: {  	_ = 	snop  }
0x90: {  	s2 =	sld [smem:$0x3FD0];
	_ =	sdelay $0x2  }
0x91: {  	s15 =	simm.s32 $0xA;
	s4 =	simm.s32 $0x10  }
0x92: {  	[smem:s4], [sflag:s15] =	dma.local [hbm:s2], $0x1  }
0x93: {  	_ =	swait.eq [sflag:s15], $0x1  }
0x94: {  	[sflag:s15] =	ssyncset.done $0x0  }
0x95: {  	s16 =	sld [smem:$0x10];
	[sflag:s15] =	ssyncadd.s32 $0xFFFFFFFF  }
0x96: {  	s17 =	sld [smem:$0x11];
	(tm) =	ssettm $0x1  }
0x97: {  	s18 =	sld [smem:$0x3FFB];
	_ =	sdelay $0x3  }
0x98: {  	_ =	strace s18  }
0x99: {  	s4 =	sld [smem:$0x3FFC];
	_ =	sdelay $0x3  }
0x9a: {  	_ =	strace s4  }
0x9b: {  	s4 =	sld [smem:$0x3FFD];
	_ =	sdelay $0x3  }
0x9c: {  	_ =	strace s4  }
0x9d: {  	_ =	strace $0x8FFFFFFF  }
0x9e: {  	s19 =	sld [smem:$0x3FDB];
	_ =	sdelay $0x1  }
0x9f: {  	s5 =	simm.s32 $_scs_section_size  }
0xa0: {  	s6 =	simm.s32 $_size__tile_overlayer_lowered;
	s7 =	simm.s32 $_tile_overlayer_lowered  }
0xa1: {  	s22 =	simm.s32 $0x1BFF;
	s21 =	sshll.u32 s7, $0x1;
	s4 =	sadd.s32 s5, s19  }
0xa2: {  	s8 =	simm.s32 $0x0;
	s20 =	sshll.u32 s6, $0x1;
	s6 =	sadd.s32 s21, s4  }
0xa3: {  	[timem:s8], [sflag:s22] =	dma.local [hbm:s6], s20  }
0xa4: {  	_ =	swait.ge [sflag:s22], s20  }
0xa5: {  	s5 =	ssub.s32 $0x0, s20;
	[sflag:s22] =	ssyncset.done $0x0  }
0xa6: {  	[sflag:s22] =	ssyncadd.s32 s5;
	_ =	sdelay $0x1  }
0xa7: {  	s23 =	simm.s32 $0x1B8B  }
0xa8: {  	_ =	swait.ge [sflag:s23], $0x1  }
0xa9: {  	[sflag:s23] =	ssyncset.done $0x0  }
0xaa: {  	s25 =	simm.s32 $0x1B8E;
	s24 =	sld [smem:$0x3FFE];
	[sflag:s23] =	ssyncadd.s32 $0xFFFFFFFF  }
0xab: {  	s26 =	simm.s32 $execute0_lowered;
	[smem:$0x3FD2] =	sst s25  }
0xac: {  	s6 =	sshll.u32 s26, $0x1;
	_ =	strace $0x8000004F;
	[dreg:$0x1] =	wrdreg $0xFFFFFFFF  }
0xad: {  	s28 =	simm.s32 $_size_execute0_lowered;
	s4 =	sadd.s32 s4, s6;
	[dreg:$0x0] =	wrdreg $0x0  }
0xae: {  	s6 =	sshll.u32 s28, $0x1;
	[dreg:$0x2] =	wrdreg s4  }
0xaf: {  	[dreg:$0x3] =	wrdreg s6  }
0xb0: {  	[dreg:$0x4] =	wrdreg $0xC0  }
0xb1: {  	_ =	task [dreg:s8], $0x5FFFF  }
0xb2: {  	[dreg:$0x1] =	wrdreg $0xFFFFFFFF  }
0xb3: {  	[dreg:$0x0] =	wrdreg $0x60  }
0xb4: {  	[dreg:$0x2] =	wrdreg s24  }
0xb5: {  	[dreg:$0x3] =	wrdreg s16  }
0xb6: {  	[dreg:$0x4] =	wrdreg s17  }
0xb7: {  	[dreg:$0x5] =	wrdreg $0x0  }
0xb8: {  	[dreg:$0x6] =	wrdreg $0x9  }
0xb9: {  	_ =	task.clear_ibuf [dreg:s8], $0x7FFFF;
	_ =	strace $0x9000004F  }
0xba: {  	s29 =	simm.s32 $0x9;
	_ =	strace $0x80000051  }
0xbb: {  	_ =	swait.ge [sflag:s29], $0x1  }
0xbc: {  	[sflag:s29] =	ssyncadd.s32 $0xFFFFFFFF  }
0xbd: {  	_ =	strace $0x90000051  }
0xbe: {  	_ =	sfence  }
0xbf: {  	s30 =	sld [smem:$0x0];
	_ =	sdelay $0x2  }
0xc0: {  	s31 =	sshll.u32 s1, $0xD;
	s1 =	sshrl.u32 s1, $0x2  }
0xc1: {  	s3 =	sand.u32 $0x4000, s31;
	s1 =	sadd.s32 s1, s30  }
0xc2: {  	s0 =	sor.u32 s3, s0;
	s1 =	sshll.u32 s1, $0x11  }
0xc3: {  	s0 =	sor.u32 s1, s0  }
0xc4: {  	s0 =	sadd.s32 $0x8F2B, s0  }
0xc5: {  	[sflag:s0] =	ssyncadd.remote.s32 $0x1  }
0xc6: {  	_ =	sfence.sel $0xFFFF  }
0xc7: {  	[dreg:$0x0] =	wrdreg $0xFFFFFFFF;
	(pc) =	sbr.abs _section_cstart, $3  }
0xc8: {  	[dreg:$0x1] =	wrdreg $0xFFFFFFFF  }
0xc9: {  	_ =	task.clear_ibuf [dreg:s8], $0x2FFFF;
	_ =	strace $0x9FFFFFFF  }
0xca: {  	(tm) =	ssettm $0x7FFFFFFF  }
0xcb: {  	_ =	shalt  }
tec
execute0_lowered:
.L_overlay_start_1:
0x0: {  	(tag) =	ssettag $0x1  }
0x1: {  	s5 =	rddreg [dreg:$0x0]  }
0x2: {  	s9 =	rddreg [dreg:$0x1]  }
0x3: {  	s10 =	rddreg [dreg:$0x2]  }
0x4: {  	s2 =	rddreg [dreg:$0x3]  }
0x5: {  	s0 =	rddreg [dreg:$0x4];
	s1 =	stileid.u32;
	s3 =	simm.s32 $0x0  }
0x6: {  	s4 =	srdreg.scid;
	s17 =	simm.s32 $0x80;
	s6 =	smul.u32 $0x300, s1  }
0x7: {  	s18 =	simm.s32 $0x1B000;
	s19 =	simm.s32 $0x1;
	s7 =	smul.u32 $0x14000, s1  }
0x8: {  	[smem:$0x7FF] =	sst s3;
	s13 =	sand.u32 $0x1, s4;
	s12 =	smul.u32 $0x50000, s1  }
0x9: {  	s4 =	sadd.s32 $0x2EC00, s5;
	s30 =	sshll.u32 s1, $0x6;
	s31 =	smul.u32 $0x700, s1  }
0xa: {  	_ =	strace $0x80000050;
	s8 =	smul.u32 $0x140000, s13;
	s29 =	ssub.s32 $0x2, s13  }
0xb: {  	p0 =	sne.s32 s13, $0x0;
	s11 =	sadd.s32 s6, s5;
	s28 =	sshrl.u32 s7, $0x3  }
0xc: {  	s14 =	sshrl.u32 s29, $0x1;
	s12 =	sshrl.u32 s12, $0x2;
	s9 =	sadd.s32 s9, s31  }
0xd: {  	s10 =	sadd.s32 s10, s31;
	s6 =	sadd.s32 s28, s5;
	s7 =	sadd.s32 s7, s8  }
.Ltmp0:
0xe: {  	s14 =	ssub.s32 s29, s14;
	s16 =	sadd.s32 s12, s2;
	(pc) =	sbr.rel .LBB2_1-.Ltmp0, $4  }
0xf: {  	s8 =	sadd.s32 $0x3400, s11;
	s7 =	sshrl.u32 s7, $0x3;
	s12 =	smax.u32 s14, $0x1  }
0x10: {  	s13 =	sshrl.u32 s16, $0x3;
	s14 =	simm.s32 $0x2;
	s16 =	simm.s32 $0x17800  }
0x11: {  	s15 =	sadd.s32 s7, s5;
	s5 =	sadd.s32 $0x6C00, s6;
	s6 =	sor.u32 $0x1C02, s30  }
0x12: {  	s7 =	sadd.s32 $0x7EC00, s11;
	s11 =	sadd.s32 $0x81C00, s15;
	s15 =	simm.s32 $0x14000  }
.LBB2_7:
0x13: {  	s21 =	sadd.s32 $0x14000, s20;
	[sflag:s14] =	ssyncadd.s32 $0xFFFFC000  }
0x14: {  	[tilespmem:s18], [sflag:$0x1] =	stream.indirect.gather [hbm4b:s4+s17], $0x80, s21, s17, $0xb8;
	[tilespmem:$0x1F000] =	vst v63  }
0x15: {  	_ =	swait.ge [sflag:s19], $0x4000  }
0x16: {  	[sflag:s19] =	ssyncset.done $0x0  }
0x17: {  	s31 =	sadd.s32 $0x17800, s20;
	[sflag:s19] =	ssyncadd.s32 $0xFFFFC000  }
0x18: {  	[spmem:s2] =	stream.indirect.scatter.add.f32 [tilespmem:s18], [sflag:$0x2], $0x80, s31, s17, $0xb8;
	[tilespmem:$0x1F000] =	vst v63  }
0x19: {  	_ =	swait.ge [sflag:s14], $0x4000  }
0x1a: {  	[sflag:s14] =	ssyncset.done $0x0  }
0x1b: {  	[sflag:s14] =	ssyncadd.s32 $0xFFFFC000  }
.LBB2_8:
0x1c: {  	s3 =	sadd.s32 $0x1, s3  }
0x1d: {  	p1 =	sne.s32 s3, s12  }
.Ltmp1:
0x1e: {  	[bflag:$0x0] =	sbarrier.arrive $0xFFFF;
	(pc) =	sbr.rel @!p1 .LBB2_9-.Ltmp1, $4  }
0x1f: {  	[hbm:s11], [sflag:s6] =	dma.local [spmem:s13], $0x2800  }
0x20: {  	_ =	swait.ge [sflag:s14], $0x2800  }
0x21: {  	[sflag:s14] =	ssyncset.done $0x0  }
0x22: {  	[sflag:s14] =	ssyncadd.s32 $0xFFFFD800  }
.LBB2_1:
.Ltmp2:
0x23: {  	(pc) =	sbr.rel @p0 .LBB2_5-.Ltmp2, $4  }
0x24: {  	[spmem:s13], [sflag:s6] =	dma.local [hbm:s5], $0x2800  }
0x25: {  	_ =	swait.ge [sflag:s14], $0x2800  }
0x26: {  	[sflag:s14] =	ssyncset.done $0x0  }
0x27: {  	s20 =	simm.s32 $0x0;
	[sflag:s14] =	ssyncadd.s32 $0xFFFFD800  }
0x28: {  	[tilespmem:s15], [sflag:$0x2] =	stream.linear.gather [hbm4b:s9+s20], $0x3700, $0x38;
	[tilespmem:$0x1F000] =	vst v63  }
0x29: {  	_ =	swait.ge [sflag:s14], $0x3700  }
0x2a: {  	[sflag:s14] =	ssyncset.done $0x0  }
0x2b: {  	[sflag:s14] =	ssyncadd.s32 $0xFFFFC900  }
0x2c: {  	[tilespmem:s16], [sflag:$0x2] =	stream.linear.gather [hbm4b:s10+s20], $0x3700, $0x38;
	[tilespmem:$0x1F000] =	vst v63  }
0x2d: {  	_ =	swait.ge [sflag:s14], $0x3700  }
0x2e: {  	[sflag:s14] =	ssyncset.done $0x0  }
0x2f: {  	[sflag:s14] =	ssyncadd.s32 $0xFFFFC900  }
0x30: {  	s30 =	simm.s32 $0x14000;
	[bflag:$0x0] =	sbarrier.arrive $0xFFFF  }
0x31: {  	[tilespmem:s18], [sflag:$0x1] =	stream.indirect.gather [hbm4b:s4+s17], $0x80, s30, s17, $0xb8;
	[tilespmem:$0x1F000] =	vst v63  }
0x32: {  	_ =	swait.ge [sflag:s19], $0x4000  }
0x33: {  	[sflag:s19] =	ssyncset.done $0x0  }
0x34: {  	s31 =	simm.s32 $0x17800;
	[sflag:s19] =	ssyncadd.s32 $0xFFFFC000  }
0x35: {  	[spmem:s2] =	stream.indirect.scatter.add.f32 [tilespmem:s18], [sflag:$0x2], $0x80, s31, s17, $0xb8;
	[tilespmem:$0x1F000] =	vst v63  }
0x36: {  	_ =	swait.ge [sflag:s14], $0x4000  }
0x37: {  	s21 =	simm.s32 $0x400;
	s20 =	simm.s32 $0x80;
	[sflag:s14] =	ssyncset.done $0x0  }
.LBB2_3:
0x38: {  	s22 =	sadd.s32 $0x14000, s20  }
0x39: {  	[sflag:s14] =	ssyncadd.s32 $0xFFFFC000;
	s23 =	smov.u32 s21;
	s24 =	sadd.s32 $0x200, s21  }
0x3a: {  	[tilespmem:s18], [sflag:$0x1] =	stream.indirect.gather [hbm4b:s4+s17], $0x80, s22, s17, $0xb8;
	[tilespmem:$0x1F000] =	vst v63  }
0x3b: {  	p1 =	seq.s32 s21, $0xDA00;
	_ =	swait.ge [sflag:s19], $0x4000  }
.Ltmp3:
0x3c: {  	[sflag:s19] =	ssyncset.done $0x0;
	(pc) =	sbr.rel @!p1 .LBB2_3-.Ltmp3, $4  }
0x3d: {  	s20 =	sadd.s32 $0x17800, s20;
	[sflag:s19] =	ssyncadd.s32 $0xFFFFC000  }
0x3e: {  	[spmem:s2] =	stream.indirect.scatter.add.f32 [tilespmem:s18], [sflag:$0x2], $0x80, s20, s17, $0xb8;
	[tilespmem:$0x1F000] =	vst v63  }
0x3f: {  	_ =	swait.ge [sflag:s14], $0x4000  }
0x40: {  	s21 =	smov.u32 s24;
	s20 =	sshra.s32 s23, $0x2;
	[sflag:s14] =	ssyncset.done $0x0  }
0x41: {  	s21 =	sadd.s32 $0x14000, s20;
	[sflag:s14] =	ssyncadd.s32 $0xFFFFC000  }
0x42: {  	[tilespmem:s18], [sflag:$0x1] =	stream.indirect.gather [hbm4b:s4+s17], $0x80, s21, s17, $0xb8;
	[tilespmem:$0x1F000] =	vst v63  }
0x43: {  	_ =	swait.ge [sflag:s19], $0x4000  }
0x44: {  	[sflag:s19] =	ssyncset.done $0x0  }
.Ltmp4:
0x45: {  	s31 =	sadd.s32 $0x17800, s20;
	[sflag:s19] =	ssyncadd.s32 $0xFFFFC000;
	(pc) =	sbr.rel .LBB2_8-.Ltmp4, $4  }
0x46: {  	[spmem:s2] =	stream.indirect.scatter.add.f32 [tilespmem:s18], [sflag:$0x2], $0x80, s31, s17, $0xb8;
	[tilespmem:$0x1F000] =	vst v63  }
0x47: {  	_ =	swait.ge [sflag:s14], $0x4000  }
0x48: {  	[sflag:s14] =	ssyncset.done $0x0  }
0x49: {  	[sflag:s14] =	ssyncadd.s32 $0xFFFFC000  }
.LBB2_5:
0x4a: {  	[tilespmem:s15], [sflag:$0x2] =	stream.linear.gather [hbm4b:s7+s20], $0x1780, $0x38;
	[tilespmem:$0x1F000] =	vst v63  }
0x4b: {  	_ =	swait.ge [sflag:s14], $0x1780  }
0x4c: {  	[sflag:s14] =	ssyncset.done $0x0  }
0x4d: {  	[sflag:s14] =	ssyncadd.s32 $0xFFFFE880  }
0x4e: {  	[tilespmem:s16], [sflag:$0x2] =	stream.linear.gather [hbm4b:s8+s20], $0x1780, $0x38;
	[tilespmem:$0x1F000] =	vst v63  }
0x4f: {  	_ =	swait.ge [sflag:s14], $0x1780  }
0x50: {  	[sflag:s14] =	ssyncset.done $0x0  }
0x51: {  	[sflag:s14] =	ssyncadd.s32 $0xFFFFE880  }
0x52: {  	s30 =	simm.s32 $0x14000;
	[bflag:$0x0] =	sbarrier.arrive $0xFFFF  }
0x53: {  	[tilespmem:s18], [sflag:$0x1] =	stream.indirect.gather [hbm4b:s4+s17], $0x80, s30, s17, $0xb8;
	[tilespmem:$0x1F000] =	vst v63  }
0x54: {  	_ =	swait.ge [sflag:s19], $0x4000  }
0x55: {  	[sflag:s19] =	ssyncset.done $0x0  }
0x56: {  	s31 =	simm.s32 $0x17800;
	[sflag:s19] =	ssyncadd.s32 $0xFFFFC000  }
0x57: {  	[spmem:s2] =	stream.indirect.scatter.add.f32 [tilespmem:s18], [sflag:$0x2], $0x80, s31, s17, $0xb8;
	[tilespmem:$0x1F000] =	vst v63  }
0x58: {  	_ =	swait.ge [sflag:s14], $0x4000  }
0x59: {  	s21 =	simm.s32 $0x400;
	s20 =	simm.s32 $0x80;
	[sflag:s14] =	ssyncset.done $0x0  }
.LBB2_6:
0x5a: {  	s22 =	sadd.s32 $0x14000, s20  }
0x5b: {  	[sflag:s14] =	ssyncadd.s32 $0xFFFFC000;
	s23 =	smov.u32 s21;
	s24 =	sadd.s32 $0x200, s21  }
0x5c: {  	[tilespmem:s18], [sflag:$0x1] =	stream.indirect.gather [hbm4b:s4+s17], $0x80, s22, s17, $0xb8;
	[tilespmem:$0x1F000] =	vst v63  }
0x5d: {  	p1 =	sne.s32 s21, $0x5C00;
	_ =	swait.ge [sflag:s19], $0x4000  }
.Ltmp5:
0x5e: {  	[sflag:s19] =	ssyncset.done $0x0;
	(pc) =	sbr.rel @p1 .LBB2_6-.Ltmp5, $4  }
0x5f: {  	s20 =	sadd.s32 $0x17800, s20;
	[sflag:s19] =	ssyncadd.s32 $0xFFFFC000  }
0x60: {  	[spmem:s2] =	stream.indirect.scatter.add.f32 [tilespmem:s18], [sflag:$0x2], $0x80, s20, s17, $0xb8;
	[tilespmem:$0x1F000] =	vst v63  }
0x61: {  	_ =	swait.ge [sflag:s14], $0x4000  }
0x62: {  	s21 =	smov.u32 s24;
	s20 =	sshra.s32 s23, $0x2;
	[sflag:s14] =	ssyncset.done $0x0  }
.Ltmp6:
0x63: {  	_ = 	snop;
	(pc) =	sbr.rel .LBB2_7-.Ltmp6, $1  }
0x64: {  	_ =	sdelay $0x3  }
.LBB2_9:
0x65: {  	_ =	sfence.sel $0x180000  }
0x66: {  	[bflag:$0x0] =	sbarrier.arrive $0xFFFF  }
0x67: {  	p0 =	sne.s32 s1, $0x0;
	_ =	strace $0x90000050  }
0x68: {  	s0 =	sadd.s32 @!p0 $0x100000, s0;
	[bflag:$0x2] =	sbarrier.arrive $0xFFFF  }
0x69: {  	[sflag:s0] =	ssyncadd.tile.s32 @!p0 $0x1;
	_ =	shalt  }
.Lfunc_end2:
_tile_overlayer_lowered:
.L_overlay_start_2:
0x6a: {  	(tag) =	ssettag $0x2  }
0x6b: {  	s0 =	rddreg [dreg:$0x0];
	s2 =	stileid.u32  }
0x6c: {  	s1 =	rddreg [dreg:$0x1];
	p0 =	sne.s32 s2, $0x0  }
0x6d: {  	s3 =	rddreg [dreg:$0x2];
	[bflag:$0x3] =	sbarrier.arrive $0xFFFF;
	s2 =	simm.s32 @!p0 $0x1C02  }
0x6e: {  	[timem:s3], [sflag:s2] =	dma.local @!p0 [hbm:s0], s1  }
0x6f: {  	s0 =	simm.s32 @!p0 $0x2  }
0x70: {  	_ =	swait.ge @!p0 [sflag:s0], s1  }
0x71: {  	s1 =	ssub.s32 @!p0 $0x0, s1;
	[sflag:s0] =	ssyncset.done @!p0 $0x0  }
0x72: {  	[sflag:s0] =	ssyncadd.s32 @!p0 s1  }
0x73: {  	[bflag:$0x3] =	sbarrier.arrive $0xFFFF  }
0x74: {  	_ =	shalt  }

</sc_bundles>
